<compile_context>
chip_gen: v7x
topology: tpu7x:2x2x1
jax: 0.10.2.dev20260603
libtpu: 0.0.44.dev20260713+nightly
codegen_flags: <defaults>
</compile_context>

<pallas_src>
import jax
import jax.numpy as jnp
from jax import lax
from jax.experimental import pallas as pl
from jax.experimental.pallas import tpu as pltpu
from jax.experimental.pallas import tpu_sc as plsc

N = 10000
E = 320000
D = 128
H = D // 2

NC = 2
NS = 16
EPT = E // NS
G = 80
SC_CH = 25
NSUP = EPT // (G * SC_CH)
NACC = 10240
RPT = NACC // NS
NCHUNK = NSUP * SC_CH
RING = 4

BN = 400
NBLK = N // BN


def _k1_body(x_ref, wl_ref, wr_ref, bl_ref, br_ref,
             wa1l_ref, wa1r_ref, ba1_ref, wa2l_ref, wa2r_ref, ba2_ref,
             fl_ref, fr_ref, a1_ref, a2_ref):
    x = x_ref[...]
    fl = lax.dot_general(x, wl_ref[...], (((1,), (1,)), ((), ())),
                         preferred_element_type=jnp.float32) + bl_ref[...]
    fr = lax.dot_general(x, wr_ref[...], (((1,), (1,)), ((), ())),
                         preferred_element_type=jnp.float32) + br_ref[...]
    fl_ref[...] = fl
    fr_ref[...] = fr
    fal = jnp.abs(fl)
    far = jnp.abs(fr)

    def att(wl, wr, b):
        return (lax.dot_general(fal, wl, (((1,), (0,)), ((), ())),
                                preferred_element_type=jnp.float32)
                + lax.dot_general(far, wr, (((1,), (0,)), ((), ())),
                                  preferred_element_type=jnp.float32) + b)

    a1_ref[...] = att(wa1l_ref[...], wa1r_ref[...], ba1_ref[...])
    a2_ref[...] = att(wa2l_ref[...], wa2r_ref[...], ba2_ref[...])


def _k1(features, WL, WR, bL, bR, wa1L, wa1R, ba1, wa2L, wa2R, ba2):
    full = lambda shape: pl.BlockSpec(shape, lambda i: tuple(0 for _ in shape))
    return pl.pallas_call(
        _k1_body,
        grid=(NBLK,),
        in_specs=[
            pl.BlockSpec((BN, D), lambda i: (i, 0)),
            full((H, D)), full((H, D)), full((1, H)), full((1, H)),
            full((H, 1)), full((H, 1)), full((1, 1)),
            full((H, 1)), full((H, 1)), full((1, 1)),
        ],
        out_specs=[
            pl.BlockSpec((BN, H), lambda i: (i, 0)),
            pl.BlockSpec((BN, H), lambda i: (i, 0)),
            pl.BlockSpec((BN, 1), lambda i: (i, 0)),
            pl.BlockSpec((BN, 1), lambda i: (i, 0)),
        ],
        out_shape=[
            jax.ShapeDtypeStruct((N, H), jnp.float32),
            jax.ShapeDtypeStruct((N, H), jnp.float32),
            jax.ShapeDtypeStruct((N, 1), jnp.float32),
            jax.ShapeDtypeStruct((N, 1), jnp.float32),
        ],
    )(features, WL, WR, bL, bR, wa1L, wa1R, ba1, wa2L, wa2R, ba2)


def _k2_body(row4d, col4d, ev4d, a1h, a2h, fl_hbm, fr_hbm,
             acc_out, rs_out,
             a1_v, a2_v, rS, cS, eS, buf, wbuf, wtmp, ctmp,
             acc, rsacc, gsem, ssem, msem):
    cid = lax.axis_index("c")
    sid = lax.axis_index("s")

    pltpu.sync_copy(a1h, a1_v)
    pltpu.sync_copy(a2h, a2_v)

    def _cbody(i, carry):
        m1, m2 = carry
        m1 = jnp.maximum(m1, a1_v[pl.ds(i * 16, 16)])
        m2 = jnp.maximum(m2, a2_v[pl.ds(i * 16, 16)])
        return m1, m2
    m1, m2 = lax.fori_loop(0, N // 16, _cbody,
                           (jnp.full((16,), -1e30, jnp.float32),
                            jnp.full((16,), -1e30, jnp.float32)))

    dnums = lax.GatherDimensionNumbers(
        offset_dims=(), collapsed_slice_dims=(0,), start_index_map=(0,))

    def _vmax_all(m):
        for sh in (8, 4, 2, 1):
            idx = lax.iota(jnp.int32, 16) ^ sh
            perm = lax.gather(m, idx[:, None], dnums, slice_sizes=(1,),
                              mode=lax.GatherScatterMode.PROMISE_IN_BOUNDS)
            m = jnp.maximum(m, perm)
        return m

    C = _vmax_all(m1) + _vmax_all(m2)

    def _zbuf(i, _):
        for q in range(H // 16):
            buf[i, pl.ds(q * 16, 16)] = jnp.zeros((16,), jnp.float32)
        wbuf[i, pl.ds(0, 16)] = jnp.zeros((16,), jnp.float32)
        return 0
    lax.fori_loop(0, G, _zbuf, 0)
    for t in range(RPT // G):
        pltpu.sync_copy(buf.at[pl.ds(0, G)], acc.at[pl.ds(sid * RPT + t * G, G)])
        pltpu.sync_copy(wbuf.at[pl.ds(0, G)],
                        rsacc.at[pl.ds(sid * RPT + t * G, G)])
    plsc.subcore_barrier()

    def _meta(s, par):
        sl = pl.ds(par * SC_CH, SC_CH)
        return (pltpu.make_async_copy(row4d.at[sid, s], rS.at[sl], msem),
                pltpu.make_async_copy(col4d.at[sid, s], cS.at[sl], msem),
                pltpu.make_async_copy(ev4d.at[sid, s], eS.at[sl], msem))

    def _meta_start(s, par):
        for d in _meta(s, par):
            d.start()

    def _meta_wait(par):
        for d in _meta(0, par):
            d.wait()

    def _gather_start(par_s, jj, gpar):
        idx = cS.at[par_s * SC_CH + jj]
        dst = buf.at[pl.ds(gpar * G, G)]

        @pl.when(cid == 0)
        def _():
            pltpu.make_async_copy(fl_hbm.at[idx], dst, gsem).start()

        @pl.when(cid == 1)
        def _():
            pltpu.make_async_copy(fr_hbm.at[idx], dst, gsem).start()

    def _gather_wait(gpar):
        pltpu.make_async_copy(fl_hbm.at[cS.at[0]],
                              buf.at[pl.ds(gpar * G, G)], gsem).wait()

    def _scat_start(par_s, jj, gpar):
        idx = rS.at[par_s * SC_CH + jj]
        src = buf.at[pl.ds(gpar * G, G)]
        pltpu.async_copy(src, acc.at[idx], ssem, add=True)
        pltpu.async_copy(wbuf.at[pl.ds(gpar * G, G)], rsacc.at[idx],
                         ssem, add=True)

    def _scat_wait(gpar):
        idx = rS.at[0]
        pltpu.make_async_copy(buf.at[pl.ds(gpar * G, G)], acc.at[idx],
                              ssem).wait()
        pltpu.make_async_copy(wbuf.at[pl.ds(gpar * G, G)], rsacc.at[idx],
                              ssem).wait()

    def _chunk(s, par_s, jj, g):
        gpar = lax.rem(g, RING)

        @pl.when(g > 1)
        def _():
            _scat_wait(lax.rem(g + 2, RING))

        _gather_wait(gpar)

        @pl.when(jnp.logical_and(jj == SC_CH - 3, s < NSUP - 1))
        def _():
            _meta_wait(1 - par_s)

        gp2 = lax.rem(g + 2, RING)

        @pl.when(jj < SC_CH - 2)
        def _():
            _gather_start(par_s, jj + 2, gp2)

        @pl.when(jnp.logical_and(jj >= SC_CH - 2, s < NSUP - 1))
        def _():
            _gather_start(1 - par_s, jj + 2 - SC_CH, gp2)

        ri = par_s * SC_CH + jj
        for v in range(G // 16):
            r16 = rS[ri, pl.ds(v * 16, 16)]
            c16 = cS[ri, pl.ds(v * 16, 16)]
            a1g = plsc.load_gather(a1_v, [r16])
            a2g = plsc.load_gather(a2_v, [c16])
            wv = jnp.exp(a1g + a2g - C)
            wtmp[pl.ds(v * 16, 16)] = wv
            ctmp[pl.ds(v * 16, 16)] = wv * eS[ri, pl.ds(v * 16, 16)]

        ebase = gpar * G

        def _edge(grp, _):
            cfv = ctmp[pl.ds(grp * 16, 16)]
            wsv = wtmp[pl.ds(grp * 16, 16)]
            for u in range(16):
                idxu = jnp.full((16,), u, jnp.int32)
                cf = lax.gather(cfv, idxu[:, None], dnums, slice_sizes=(1,),
                                mode=lax.GatherScatterMode.PROMISE_IN_BOUNDS)
                ws = lax.gather(wsv, idxu[:, None], dnums, slice_sizes=(1,),
                                mode=lax.GatherScatterMode.PROMISE_IN_BOUNDS)
                e = ebase + grp * 16 + u
                for q in range(H // 16):
                    buf[e, pl.ds(q * 16, 16)] = buf[e, pl.ds(q * 16, 16)] * cf
                wbuf[ebase + grp * 16 + u, pl.ds(0, 16)] = ws
            return 0
        lax.fori_loop(0, G // 16, _edge, 0)

        _scat_start(par_s, jj, gpar)

    _meta_start(0, 0)
    _meta_wait(0)
    _gather_start(0, 0, 0)
    _gather_start(0, 1, 1)

    def _super(s, _):
        par_s = lax.rem(s, 2)

        def _inner(jj, _):
            _chunk(s, par_s, jj, s * SC_CH + jj)

            @pl.when(jnp.logical_and(jj == 1, s < NSUP - 1))
            def _():
                _meta_start(s + 1, 1 - par_s)
            return 0
        lax.fori_loop(0, SC_CH, _inner, 0)
        return 0

    lax.fori_loop(0, NSUP, _super, 0)
    _scat_wait((NCHUNK - 2) % RING)
    _scat_wait((NCHUNK - 1) % RING)
    plsc.subcore_barrier()

    pltpu.sync_copy(acc.at[pl.ds(sid * RPT, RPT)],
                    acc_out.at[cid, pl.ds(sid * RPT, RPT)])
    pltpu.sync_copy(rsacc.at[pl.ds(sid * RPT, RPT)],
                    rs_out.at[cid, pl.ds(sid * RPT, RPT)])


_k2 = pl.kernel(
    _k2_body,
    out_type=[
        jax.ShapeDtypeStruct((NC, NACC, H), jnp.float32),
        jax.ShapeDtypeStruct((NC, NACC, 16), jnp.float32),
    ],
    mesh=plsc.VectorSubcoreMesh(core_axis_name="c", subcore_axis_name="s"),
    compiler_params=pltpu.CompilerParams(needs_layout_passes=False,
                                         use_tc_tiling_on_sc=False),
    scratch_types=[
        pltpu.VMEM((N,), jnp.float32),
        pltpu.VMEM((N,), jnp.float32),
        pltpu.VMEM((2 * SC_CH, G), jnp.int32),
        pltpu.VMEM((2 * SC_CH, G), jnp.int32),
        pltpu.VMEM((2 * SC_CH, G), jnp.float32),
        pltpu.VMEM((RING * G, H), jnp.float32),
        pltpu.VMEM((RING * G, 16), jnp.float32),
        pltpu.VMEM((G,), jnp.float32),
        pltpu.VMEM((G,), jnp.float32),
        pltpu.VMEM_SHARED((NACC, H), jnp.float32),
        pltpu.VMEM_SHARED((NACC, 16), jnp.float32),
        pltpu.SemaphoreType.DMA,
        pltpu.SemaphoreType.DMA,
        pltpu.SemaphoreType.DMA,
    ],
)


def _k3_body(l_ref, r_ref, rs_ref, o_ref):
    s0 = rs_ref[...][:, 0:1]
    inv = jnp.where(s0 > 0, 1.0 / s0, 0.0)
    o_ref[...] = jnp.concatenate([l_ref[...] * inv, r_ref[...] * inv], axis=1)


def _k3(pl_half, pr_half, rs):
    return pl.pallas_call(
        _k3_body,
        grid=(NBLK,),
        in_specs=[
            pl.BlockSpec((BN, H), lambda i: (i, 0)),
            pl.BlockSpec((BN, H), lambda i: (i, 0)),
            pl.BlockSpec((BN, 16), lambda i: (i, 0)),
        ],
        out_specs=pl.BlockSpec((BN, D), lambda i: (i, 0)),
        out_shape=jax.ShapeDtypeStruct((N, D), jnp.float32),
    )(pl_half, pr_half, rs)


def kernel(features, edge_index, edge_values, W_layer, b_layer,
           W_a1, b_a1, W_a2, b_a2):
    row = edge_index[0].astype(jnp.int32)
    col = edge_index[1].astype(jnp.int32)
    row4d = row.reshape(NS, NSUP, SC_CH, G)
    col4d = col.reshape(NS, NSUP, SC_CH, G)
    ev4d = edge_values.reshape(NS, NSUP, SC_CH, G)

    fL, fR, a1, a2 = _k1(
        features,
        W_layer[:H], W_layer[H:],
        b_layer[:H].reshape(1, H), b_layer[H:].reshape(1, H),
        W_a1[0, :H].reshape(H, 1), W_a1[0, H:].reshape(H, 1),
        b_a1.reshape(1, 1),
        W_a2[0, :H].reshape(H, 1), W_a2[0, H:].reshape(H, 1),
        b_a2.reshape(1, 1))

    acc, rs = _k2(row4d, col4d, ev4d, a1.reshape(N), a2.reshape(N), fL, fR)
    return _k3(acc[0, :N], acc[1, :N], rs[0, :N])

# --- scband reference (transcript-rebuilt; emitter-appended) ---
"""Pipeline reference for scband-satlayer-46866683134522 (READ-ONLY COPY).

The authoritative reference and input builder live on the scoring server;
editing this copy changes nothing except your own understanding.
"""

import jax, jax.numpy as jnp
import numpy as np

N_NODES = 10000
N_EDGES = 320000
D_IN = 128
D_OUT = 128


def setup_inputs(seed: int = 0) -> dict:
    key = jax.random.key(seed)
    k1, k2, k3, k4, k5, k6, k7, k8, k9 = jax.random.split(key, 9)
    features = jax.random.normal(k1, (N_NODES, D_IN), dtype=jnp.float32)
    edge_index = jax.random.randint(k2, (2, N_EDGES), 0, N_NODES, dtype=jnp.int64)
    edge_values = jax.random.normal(k3, (N_EDGES,), dtype=jnp.float32)
    s_in = 1.0 / np.sqrt(D_IN)
    s_out = 1.0 / np.sqrt(D_OUT)
    W_layer = jax.random.uniform(k4, (D_OUT, D_IN), minval=-s_in, maxval=s_in, dtype=jnp.float32)
    b_layer = jax.random.uniform(k5, (D_OUT,), minval=-s_in, maxval=s_in, dtype=jnp.float32)
    W_a1 = jax.random.uniform(k6, (1, D_OUT), minval=-s_out, maxval=s_out, dtype=jnp.float32)
    b_a1 = jax.random.uniform(k7, (1,), minval=-s_out, maxval=s_out, dtype=jnp.float32)
    W_a2 = jax.random.uniform(k8, (1, D_OUT), minval=-s_out, maxval=s_out, dtype=jnp.float32)
    b_a2 = jax.random.uniform(k9, (1,), minval=-s_out, maxval=s_out, dtype=jnp.float32)
    return {"features": features, "edge_index": edge_index, "edge_values": edge_values,
            "W_layer": W_layer, "b_layer": b_layer, "W_a1": W_a1, "b_a1": b_a1,
            "W_a2": W_a2, "b_a2": b_a2}


def reference(features, edge_index, edge_values, W_layer, b_layer, W_a1, b_a1, W_a2, b_a2):
    n = features.shape[0]
    # features = self.layer(features)
    feats = features @ W_layer.T + b_layer
    # a_1 = self.a_1(features.abs()); a_2 = self.a_2(features.abs())
    fa = jnp.abs(feats)
    a_1 = fa @ W_a1.T + b_a1  # [N, 1]
    a_2 = fa @ W_a2.T + b_a2  # [N, 1]
    row = edge_index[0]
    col = edge_index[1]
    # v = (a_1 + a_2.T)[row, col]
    v = a_1[row, 0] + a_2[col, 0]  # [E]
    # sparse softmax over dim=1 (per-row softmax over nonzero entries)
    row_max = jax.ops.segment_max(v, row, num_segments=n)
    row_max = jnp.where(jnp.isfinite(row_max), row_max, 0.0)
    v_exp = jnp.exp(v - row_max[row])
    row_sum = jax.ops.segment_sum(v_exp, row, num_segments=n)
    attn = v_exp / row_sum[row]
    # a_v = attention.values() * adj.values()
    a_v = attn * edge_values
    # output = sparse.mm(attention, feats)
    output = jax.ops.segment_sum(a_v[:, None] * feats[col], row, num_segments=n)
    return output

if __name__ == "__main__":
    import jax
    _d = setup_inputs()
    print(jax.jit(kernel)(*tuple(_d.values())))

</pallas_src>

<mosaic_0001>
#map = affine_map<(d0, d1) -> (0, 0, 0, 0)>
#map1 = affine_map<(d0, d1) -> (0)>
#map2 = affine_map<(d0, d1) -> (0, 0)>
#map3 = affine_map<(d0, d1) -> (0, 0, 0)>
module attributes {stable_mosaic.version = 14 : i64} {
  func.func @_k2_body(%arg0: i32, %arg1: i32, %arg2: memref<16x10x25x80xi32, #tpu.memory_space<hbm>>, %arg3: memref<16x10x25x80xi32, #tpu.memory_space<hbm>>, %arg4: memref<16x10x25x80xf32, #tpu.memory_space<hbm>>, %arg5: memref<10000xf32, #tpu.memory_space<hbm>>, %arg6: memref<10000xf32, #tpu.memory_space<hbm>>, %arg7: memref<10000x64xf32, #tpu.memory_space<hbm>>, %arg8: memref<10000x64xf32, #tpu.memory_space<hbm>>, %arg9: memref<2x10240x64xf32, #tpu.memory_space<hbm>>, %arg10: memref<2x10240x16xf32, #tpu.memory_space<hbm>>, %arg11: memref<10000xf32, #tpu.memory_space<vmem>>, %arg12: memref<10000xf32, #tpu.memory_space<vmem>>, %arg13: memref<50x80xi32, #tpu.memory_space<vmem>>, %arg14: memref<50x80xi32, #tpu.memory_space<vmem>>, %arg15: memref<50x80xf32, #tpu.memory_space<vmem>>, %arg16: memref<320x64xf32, #tpu.memory_space<vmem>>, %arg17: memref<320x16xf32, #tpu.memory_space<vmem>>, %arg18: memref<80xf32, #tpu.memory_space<vmem>>, %arg19: memref<80xf32, #tpu.memory_space<vmem>>, %arg20: memref<10240x64xf32, #tpu.memory_space<vmem_shared>>, %arg21: memref<10240x16xf32, #tpu.memory_space<vmem_shared>>, %arg22: memref<!tpu.dma_semaphore, #tpu.memory_space<semaphore_mem>>, %arg23: memref<!tpu.dma_semaphore, #tpu.memory_space<semaphore_mem>>, %arg24: memref<!tpu.dma_semaphore, #tpu.memory_space<semaphore_mem>>) attributes {dimension_semantics = [#tpu.dimension_semantics<core_parallel>, #tpu.dimension_semantics<subcore_parallel>], iteration_bounds = array<i64: 2, 16>, scalar_prefetch = 0 : i64, scratch_operands = 14 : i64, tpu.core_type = #tpu.core_type<sc_vector_subcore>, window_params = [{transform_indices = #map}, {transform_indices = #map}, {transform_indices = #map}, {transform_indices = #map1}, {transform_indices = #map1}, {transform_indices = #map2}, {transform_indices = #map2}, {transform_indices = #map3}, {transform_indices = #map3}]} {
    "tpu.region"() ({
      %run_scoped3A = tpu.sem_alloc : memref<!tpu.dma_semaphore, #tpu.memory_space<semaphore_mem>>
      tpu.enqueue_dma source(%arg5 : memref<10000xf32, #tpu.memory_space<hbm>>) target(%arg11 : memref<10000xf32, #tpu.memory_space<vmem>>) target_semaphore(%run_scoped3A : memref<!tpu.dma_semaphore, #tpu.memory_space<semaphore_mem>>)
      tpu.wait_dma2 semaphore(%run_scoped3A : memref<!tpu.dma_semaphore, #tpu.memory_space<semaphore_mem>>) src(%arg5 : memref<10000xf32, #tpu.memory_space<hbm>>) dst(%arg11 : memref<10000xf32, #tpu.memory_space<vmem>>)
      tpu.yield
    }) : () -> ()
    "tpu.region"() ({
      %run_scoped3A = tpu.sem_alloc : memref<!tpu.dma_semaphore, #tpu.memory_space<semaphore_mem>>
      tpu.enqueue_dma source(%arg6 : memref<10000xf32, #tpu.memory_space<hbm>>) target(%arg12 : memref<10000xf32, #tpu.memory_space<vmem>>) target_semaphore(%run_scoped3A : memref<!tpu.dma_semaphore, #tpu.memory_space<semaphore_mem>>)
      tpu.wait_dma2 semaphore(%run_scoped3A : memref<!tpu.dma_semaphore, #tpu.memory_space<semaphore_mem>>) src(%arg6 : memref<10000xf32, #tpu.memory_space<hbm>>) dst(%arg12 : memref<10000xf32, #tpu.memory_space<vmem>>)
      tpu.yield
    }) : () -> ()
    %broadcast_in_dim3A = arith.constant -1.000000e+30 : f32
    %broadcast_in_dim3A_0 = vector.broadcast %broadcast_in_dim3A : f32 to vector<16xf32>
    %broadcast_in_dim3A_1 = arith.constant -1.000000e+30 : f32
    %broadcast_in_dim3A_2 = vector.broadcast %broadcast_in_dim3A_1 : f32 to vector<16xf32>
    %scan3A = arith.constant 0 : i32
    %scan3A_3 = arith.constant 625 : i32
    %scan3A_4 = arith.addi %scan3A, %scan3A_3 : i32
    %scan3A_5 = arith.constant 1 : i32
    %scan3A_6:2 = scf.for %scan3A_303 = %scan3A to %scan3A_4 step %scan3A_5 iter_args(%scan3A_304 = %broadcast_in_dim3A_0, %scan3A_305 = %broadcast_in_dim3A_2) -> (vector<16xf32>, vector<16xf32>)  : i32 {
      %mul3A_306 = arith.constant 16 : i32
      %mul3A_307 = arith.muli %scan3A_303, %mul3A_306 : i32
      %get3A = arith.index_cast %mul3A_307 : i32 to index
      %get3A_308 = tpu.vector_load %arg11[%get3A] {strides = array<i32>} : memref<10000xf32, #tpu.memory_space<vmem>>, vector<16xf32>,
      %max3A_309 = arith.maximumf %scan3A_304, %get3A_308 : vector<16xf32>
      %mul3A_310 = arith.constant 16 : i32
      %mul3A_311 = arith.muli %scan3A_303, %mul3A_310 : i32
      %get3A_312 = arith.index_cast %mul3A_311 : i32 to index
      %get3A_313 = tpu.vector_load %arg12[%get3A_312] {strides = array<i32>} : memref<10000xf32, #tpu.memory_space<vmem>>, vector<16xf32>,
      %max3A_314 = arith.maximumf %scan3A_305, %get3A_313 : vector<16xf32>
      scf.yield %max3A_309, %max3A_314 : vector<16xf32>, vector<16xf32>
    }
    %scan3A_7 = arith.constant 625 : i32
    %iota3A = tpu.iota {dimensions = array<i32: 0>} : vector<16xi32>
    %xor3A = arith.constant 8 : i32
    %xor3A_8 = vector.broadcast %xor3A : i32 to vector<16xi32>
    %xor3A_9 = arith.xori %iota3A, %xor3A_8 : vector<16xi32>
    %broadcast_in_dim3A_10 = vector.shape_cast %xor3A_9 : vector<16xi32> to vector<16x1xi32>
    %gather3A = vector.shape_cast %broadcast_in_dim3A_10 : vector<16x1xi32> to vector<16xi32>
    %gather3A_11 = tpu.dynamic_gather %scan3A_6#0[%gather3A] in [0] : vector<16xf32>, vector<16xi32> -> vector<16xf32>
    %max3A = arith.maximumf %scan3A_6#0, %gather3A_11 : vector<16xf32>
    %iota3A_12 = tpu.iota {dimensions = array<i32: 0>} : vector<16xi32>
    %xor3A_13 = arith.constant 4 : i32
    %xor3A_14 = vector.broadcast %xor3A_13 : i32 to vector<16xi32>
    %xor3A_15 = arith.xori %iota3A_12, %xor3A_14 : vector<16xi32>
    %broadcast_in_dim3A_16 = vector.shape_cast %xor3A_15 : vector<16xi32> to vector<16x1xi32>
    %gather3A_17 = vector.shape_cast %broadcast_in_dim3A_16 : vector<16x1xi32> to vector<16xi32>
    %gather3A_18 = tpu.dynamic_gather %max3A[%gather3A_17] in [0] : vector<16xf32>, vector<16xi32> -> vector<16xf32>
    %max3A_19 = arith.maximumf %max3A, %gather3A_18 : vector<16xf32>
    %iota3A_20 = tpu.iota {dimensions = array<i32: 0>} : vector<16xi32>
    %xor3A_21 = arith.constant 2 : i32
    %xor3A_22 = vector.broadcast %xor3A_21 : i32 to vector<16xi32>
    %xor3A_23 = arith.xori %iota3A_20, %xor3A_22 : vector<16xi32>
    %broadcast_in_dim3A_24 = vector.shape_cast %xor3A_23 : vector<16xi32> to vector<16x1xi32>
    %gather3A_25 = vector.shape_cast %broadcast_in_dim3A_24 : vector<16x1xi32> to vector<16xi32>
    %gather3A_26 = tpu.dynamic_gather %max3A_19[%gather3A_25] in [0] : vector<16xf32>, vector<16xi32> -> vector<16xf32>
    %max3A_27 = arith.maximumf %max3A_19, %gather3A_26 : vector<16xf32>
    %iota3A_28 = tpu.iota {dimensions = array<i32: 0>} : vector<16xi32>
    %xor3A_29 = arith.constant 1 : i32
    %xor3A_30 = vector.broadcast %xor3A_29 : i32 to vector<16xi32>
    %xor3A_31 = arith.xori %iota3A_28, %xor3A_30 : vector<16xi32>
    %broadcast_in_dim3A_32 = vector.shape_cast %xor3A_31 : vector<16xi32> to vector<16x1xi32>
    %gather3A_33 = vector.shape_cast %broadcast_in_dim3A_32 : vector<16x1xi32> to vector<16xi32>
    %gather3A_34 = tpu.dynamic_gather %max3A_27[%gather3A_33] in [0] : vector<16xf32>, vector<16xi32> -> vector<16xf32>
    %max3A_35 = arith.maximumf %max3A_27, %gather3A_34 : vector<16xf32>
    %iota3A_36 = tpu.iota {dimensions = array<i32: 0>} : vector<16xi32>
    %xor3A_37 = arith.constant 8 : i32
    %xor3A_38 = vector.broadcast %xor3A_37 : i32 to vector<16xi32>
    %xor3A_39 = arith.xori %iota3A_36, %xor3A_38 : vector<16xi32>
    %broadcast_in_dim3A_40 = vector.shape_cast %xor3A_39 : vector<16xi32> to vector<16x1xi32>
    %gather3A_41 = vector.shape_cast %broadcast_in_dim3A_40 : vector<16x1xi32> to vector<16xi32>
    %gather3A_42 = tpu.dynamic_gather %scan3A_6#1[%gather3A_41] in [0] : vector<16xf32>, vector<16xi32> -> vector<16xf32>
    %max3A_43 = arith.maximumf %scan3A_6#1, %gather3A_42 : vector<16xf32>
    %iota3A_44 = tpu.iota {dimensions = array<i32: 0>} : vector<16xi32>
    %xor3A_45 = arith.constant 4 : i32
    %xor3A_46 = vector.broadcast %xor3A_45 : i32 to vector<16xi32>
    %xor3A_47 = arith.xori %iota3A_44, %xor3A_46 : vector<16xi32>
    %broadcast_in_dim3A_48 = vector.shape_cast %xor3A_47 : vector<16xi32> to vector<16x1xi32>
    %gather3A_49 = vector.shape_cast %broadcast_in_dim3A_48 : vector<16x1xi32> to vector<16xi32>
    %gather3A_50 = tpu.dynamic_gather %max3A_43[%gather3A_49] in [0] : vector<16xf32>, vector<16xi32> -> vector<16xf32>
    %max3A_51 = arith.maximumf %max3A_43, %gather3A_50 : vector<16xf32>
    %iota3A_52 = tpu.iota {dimensions = array<i32: 0>} : vector<16xi32>
    %xor3A_53 = arith.constant 2 : i32
    %xor3A_54 = vector.broadcast %xor3A_53 : i32 to vector<16xi32>
    %xor3A_55 = arith.xori %iota3A_52, %xor3A_54 : vector<16xi32>
    %broadcast_in_dim3A_56 = vector.shape_cast %xor3A_55 : vector<16xi32> to vector<16x1xi32>
    %gather3A_57 = vector.shape_cast %broadcast_in_dim3A_56 : vector<16x1xi32> to vector<16xi32>
    %gather3A_58 = tpu.dynamic_gather %max3A_51[%gather3A_57] in [0] : vector<16xf32>, vector<16xi32> -> vector<16xf32>
    %max3A_59 = arith.maximumf %max3A_51, %gather3A_58 : vector<16xf32>
    %iota3A_60 = tpu.iota {dimensions = array<i32: 0>} : vector<16xi32>
    %xor3A_61 = arith.constant 1 : i32
    %xor3A_62 = vector.broadcast %xor3A_61 : i32 to vector<16xi32>
    %xor3A_63 = arith.xori %iota3A_60, %xor3A_62 : vector<16xi32>
    %broadcast_in_dim3A_64 = vector.shape_cast %xor3A_63 : vector<16xi32> to vector<16x1xi32>
    %gather3A_65 = vector.shape_cast %broadcast_in_dim3A_64 : vector<16x1xi32> to vector<16xi32>
    %gather3A_66 = tpu.dynamic_gather %max3A_59[%gather3A_65] in [0] : vector<16xf32>, vector<16xi32> -> vector<16xf32>
    %max3A_67 = arith.maximumf %max3A_59, %gather3A_66 : vector<16xf32>
    %add3A = arith.addf %max3A_35, %max3A_67 : vector<16xf32>
    %scan3A_68 = arith.constant 0 : i32
    %scan3A_69 = arith.constant 0 : i32
    %scan3A_70 = arith.constant 80 : i32
    %scan3A_71 = arith.addi %scan3A_69, %scan3A_70 : i32
    %scan3A_72 = arith.constant 1 : i32
    %scan3A_73 = scf.for %scan3A_303 = %scan3A_69 to %scan3A_71 step %scan3A_72 iter_args(%scan3A_304 = %scan3A_68) -> (i32)  : i32 {
      %broadcast_in_dim3A_305 = arith.constant 0.000000e+00 : f32
      %broadcast_in_dim3A_306 = vector.broadcast %broadcast_in_dim3A_305 : f32 to vector<16xf32>
      %swap3A = arith.index_cast %scan3A_303 : i32 to index
      %swap3A_307 = arith.constant 0 : index
      %swap3A_308 = tpu.vector_load %arg16[%swap3A, %swap3A_307] {strides = array<i32>} : memref<320x64xf32, #tpu.memory_space<vmem>>, vector<16xf32>,
      tpu.vector_store %arg16[%swap3A, %swap3A_307], %broadcast_in_dim3A_306 {strides = array<i32>} : memref<320x64xf32, #tpu.memory_space<vmem>>, vector<16xf32>,
      %broadcast_in_dim3A_309 = arith.constant 0.000000e+00 : f32
      %broadcast_in_dim3A_310 = vector.broadcast %broadcast_in_dim3A_309 : f32 to vector<16xf32>
      %swap3A_311 = arith.index_cast %scan3A_303 : i32 to index
      %swap3A_312 = arith.constant 16 : index
      %swap3A_313 = tpu.vector_load %arg16[%swap3A_311, %swap3A_312] {strides = array<i32>} : memref<320x64xf32, #tpu.memory_space<vmem>>, vector<16xf32>,
      tpu.vector_store %arg16[%swap3A_311, %swap3A_312], %broadcast_in_dim3A_310 {strides = array<i32>} : memref<320x64xf32, #tpu.memory_space<vmem>>, vector<16xf32>,
      %broadcast_in_dim3A_314 = arith.constant 0.000000e+00 : f32
      %broadcast_in_dim3A_315 = vector.broadcast %broadcast_in_dim3A_314 : f32 to vector<16xf32>
      %swap3A_316 = arith.index_cast %scan3A_303 : i32 to index
      %swap3A_317 = arith.constant 32 : index
      %swap3A_318 = tpu.vector_load %arg16[%swap3A_316, %swap3A_317] {strides = array<i32>} : memref<320x64xf32, #tpu.memory_space<vmem>>, vector<16xf32>,
      tpu.vector_store %arg16[%swap3A_316, %swap3A_317], %broadcast_in_dim3A_315 {strides = array<i32>} : memref<320x64xf32, #tpu.memory_space<vmem>>, vector<16xf32>,
      %broadcast_in_dim3A_319 = arith.constant 0.000000e+00 : f32
      %broadcast_in_dim3A_320 = vector.broadcast %broadcast_in_dim3A_319 : f32 to vector<16xf32>
      %swap3A_321 = arith.index_cast %scan3A_303 : i32 to index
      %swap3A_322 = arith.constant 48 : index
      %swap3A_323 = tpu.vector_load %arg16[%swap3A_321, %swap3A_322] {strides = array<i32>} : memref<320x64xf32, #tpu.memory_space<vmem>>, vector<16xf32>,
      tpu.vector_store %arg16[%swap3A_321, %swap3A_322], %broadcast_in_dim3A_320 {strides = array<i32>} : memref<320x64xf32, #tpu.memory_space<vmem>>, vector<16xf32>,
      %broadcast_in_dim3A_324 = arith.constant 0.000000e+00 : f32
      %broadcast_in_dim3A_325 = vector.broadcast %broadcast_in_dim3A_324 : f32 to vector<16xf32>
      %swap3A_326 = arith.index_cast %scan3A_303 : i32 to index
      %swap3A_327 = arith.constant 0 : index
      %swap3A_328 = tpu.vector_load %arg17[%swap3A_326, %swap3A_327] {strides = array<i32>} : memref<320x16xf32, #tpu.memory_space<vmem>>, vector<16xf32>,
      tpu.vector_store %arg17[%swap3A_326, %swap3A_327], %broadcast_in_dim3A_325 {strides = array<i32>} : memref<320x16xf32, #tpu.memory_space<vmem>>, vector<16xf32>,
      %scan3A_329 = arith.constant 0 : i32
      scf.yield %scan3A_329 : i32
    }
    %scan3A_74 = arith.constant 80 : i32
    %mul3A = arith.constant 640 : i32
    %mul3A_75 = arith.muli %arg1, %mul3A : i32
    %add3A_76 = arith.constant 0 : i32
    %add3A_77 = arith.addi %mul3A_75, %add3A_76 : i32
    "tpu.region"() ({
      %run_scoped3A = tpu.sem_alloc : memref<!tpu.dma_semaphore, #tpu.memory_space<semaphore_mem>>
      %dma_start3A_303 = arith.constant 0 : i32
      %dma_start3A_304 = arith.constant 0 : i32
      %dma_start3A_305 = tpu.memref_slice %arg16[%dma_start3A_303, %dma_start3A_304] : memref<320x64xf32, #tpu.memory_space<vmem>> -> memref<80x64xf32, #tpu.memory_space<vmem>>
      %dma_start3A_306 = arith.constant 0 : i32
      %dma_start3A_307 = tpu.memref_slice %arg20[%add3A_77, %dma_start3A_306] : memref<10240x64xf32, #tpu.memory_space<vmem_shared>> -> memref<80x64xf32, #tpu.memory_space<vmem_shared>>
      %dma_start3A_308 = arith.constant 0 : i32
      %dma_start3A_309 = tpu.memref_slice %arg20[%add3A_77, %dma_start3A_308] : memref<10240x64xf32, #tpu.memory_space<vmem_shared>> -> memref<80x64xf32, #tpu.memory_space<vmem_shared>>
      %dma_start3A_310 = arith.constant 0 : i32
      %dma_start3A_311 = arith.constant 0 : i32
      %dma_start3A_312 = tpu.memref_slice %arg16[%dma_start3A_310, %dma_start3A_311] : memref<320x64xf32, #tpu.memory_space<vmem>> -> memref<80x64xf32, #tpu.memory_space<vmem>>
      tpu.enqueue_dma source(%dma_start3A_312 : memref<80x64xf32, #tpu.memory_space<vmem>>) target(%dma_start3A_309 : memref<80x64xf32, #tpu.memory_space<vmem_shared>>) target_semaphore(%run_scoped3A : memref<!tpu.dma_semaphore, #tpu.memory_space<semaphore_mem>>)
      %dma_wait3A_313 = arith.constant 0 : i32
      %dma_wait3A_314 = arith.constant 0 : i32
      %dma_wait3A_315 = tpu.memref_slice %arg16[%dma_wait3A_313, %dma_wait3A_314] : memref<320x64xf32, #tpu.memory_space<vmem>> -> memref<80x64xf32, #tpu.memory_space<vmem>>
      %dma_wait3A_316 = arith.constant 0 : i32
      %dma_wait3A_317 = tpu.memref_slice %arg20[%add3A_77, %dma_wait3A_316] : memref<10240x64xf32, #tpu.memory_space<vmem_shared>> -> memref<80x64xf32, #tpu.memory_space<vmem_shared>>
      %dma_wait3A_318 = arith.constant 0 : i32
      %dma_wait3A_319 = tpu.memref_slice %arg20[%add3A_77, %dma_wait3A_318] : memref<10240x64xf32, #tpu.memory_space<vmem_shared>> -> memref<80x64xf32, #tpu.memory_space<vmem_shared>>
      %dma_wait3A_320 = arith.constant 0 : i32
      %dma_wait3A_321 = arith.constant 0 : i32
      %dma_wait3A_322 = tpu.memref_slice %arg16[%dma_wait3A_320, %dma_wait3A_321] : memref<320x64xf32, #tpu.memory_space<vmem>> -> memref<80x64xf32, #tpu.memory_space<vmem>>
      tpu.wait_dma2 semaphore(%run_scoped3A : memref<!tpu.dma_semaphore, #tpu.memory_space<semaphore_mem>>) src(%dma_wait3A_322 : memref<80x64xf32, #tpu.memory_space<vmem>>) dst(%dma_wait3A_319 : memref<80x64xf32, #tpu.memory_space<vmem_shared>>)
      tpu.yield
    }) : () -> ()
    %mul3A_78 = arith.constant 640 : i32
    %mul3A_79 = arith.muli %arg1, %mul3A_78 : i32
    %add3A_80 = arith.constant 0 : i32
    %add3A_81 = arith.addi %mul3A_79, %add3A_80 : i32
    "tpu.region"() ({
      %run_scoped3A = tpu.sem_alloc : memref<!tpu.dma_semaphore, #tpu.memory_space<semaphore_mem>>
      %dma_start3A_303 = arith.constant 0 : i32
      %dma_start3A_304 = arith.constant 0 : i32
      %dma_start3A_305 = tpu.memref_slice %arg17[%dma_start3A_303, %dma_start3A_304] : memref<320x16xf32, #tpu.memory_space<vmem>> -> memref<80x16xf32, #tpu.memory_space<vmem>>
      %dma_start3A_306 = arith.constant 0 : i32
      %dma_start3A_307 = tpu.memref_slice %arg21[%add3A_81, %dma_start3A_306] : memref<10240x16xf32, #tpu.memory_space<vmem_shared>> -> memref<80x16xf32, #tpu.memory_space<vmem_shared>>
      %dma_start3A_308 = arith.constant 0 : i32
      %dma_start3A_309 = tpu.memref_slice %arg21[%add3A_81, %dma_start3A_308] : memref<10240x16xf32, #tpu.memory_space<vmem_shared>> -> memref<80x16xf32, #tpu.memory_space<vmem_shared>>
      %dma_start3A_310 = arith.constant 0 : i32
      %dma_start3A_311 = arith.constant 0 : i32
      %dma_start3A_312 = tpu.memref_slice %arg17[%dma_start3A_310, %dma_start3A_311] : memref<320x16xf32, #tpu.memory_space<vmem>> -> memref<80x16xf32, #tpu.memory_space<vmem>>
      tpu.enqueue_dma source(%dma_start3A_312 : memref<80x16xf32, #tpu.memory_space<vmem>>) target(%dma_start3A_309 : memref<80x16xf32, #tpu.memory_space<vmem_shared>>) target_semaphore(%run_scoped3A : memref<!tpu.dma_semaphore, #tpu.memory_space<semaphore_mem>>)
      %dma_wait3A_313 = arith.constant 0 : i32
      %dma_wait3A_314 = arith.constant 0 : i32
      %dma_wait3A_315 = tpu.memref_slice %arg17[%dma_wait3A_313, %dma_wait3A_314] : memref<320x16xf32, #tpu.memory_space<vmem>> -> memref<80x16xf32, #tpu.memory_space<vmem>>
      %dma_wait3A_316 = arith.constant 0 : i32
      %dma_wait3A_317 = tpu.memref_slice %arg21[%add3A_81, %dma_wait3A_316] : memref<10240x16xf32, #tpu.memory_space<vmem_shared>> -> memref<80x16xf32, #tpu.memory_space<vmem_shared>>
      %dma_wait3A_318 = arith.constant 0 : i32
      %dma_wait3A_319 = tpu.memref_slice %arg21[%add3A_81, %dma_wait3A_318] : memref<10240x16xf32, #tpu.memory_space<vmem_shared>> -> memref<80x16xf32, #tpu.memory_space<vmem_shared>>
      %dma_wait3A_320 = arith.constant 0 : i32
      %dma_wait3A_321 = arith.constant 0 : i32
      %dma_wait3A_322 = tpu.memref_slice %arg17[%dma_wait3A_320, %dma_wait3A_321] : memref<320x16xf32, #tpu.memory_space<vmem>> -> memref<80x16xf32, #tpu.memory_space<vmem>>
      tpu.wait_dma2 semaphore(%run_scoped3A : memref<!tpu.dma_semaphore, #tpu.memory_space<semaphore_mem>>) src(%dma_wait3A_322 : memref<80x16xf32, #tpu.memory_space<vmem>>) dst(%dma_wait3A_319 : memref<80x16xf32, #tpu.memory_space<vmem_shared>>)
      tpu.yield
    }) : () -> ()
    %mul3A_82 = arith.constant 640 : i32
    %mul3A_83 = arith.muli %arg1, %mul3A_82 : i32
    %add3A_84 = arith.constant 80 : i32
    %add3A_85 = arith.addi %mul3A_83, %add3A_84 : i32
    "tpu.region"() ({
      %run_scoped3A = tpu.sem_alloc : memref<!tpu.dma_semaphore, #tpu.memory_space<semaphore_mem>>
      %dma_start3A_303 = arith.constant 0 : i32
      %dma_start3A_304 = arith.constant 0 : i32
      %dma_start3A_305 = tpu.memref_slice %arg16[%dma_start3A_303, %dma_start3A_304] : memref<320x64xf32, #tpu.memory_space<vmem>> -> memref<80x64xf32, #tpu.memory_space<vmem>>
      %dma_start3A_306 = arith.constant 0 : i32
      %dma_start3A_307 = tpu.memref_slice %arg20[%add3A_85, %dma_start3A_306] : memref<10240x64xf32, #tpu.memory_space<vmem_shared>> -> memref<80x64xf32, #tpu.memory_space<vmem_shared>>
      %dma_start3A_308 = arith.constant 0 : i32
      %dma_start3A_309 = tpu.memref_slice %arg20[%add3A_85, %dma_start3A_308] : memref<10240x64xf32, #tpu.memory_space<vmem_shared>> -> memref<80x64xf32, #tpu.memory_space<vmem_shared>>
      %dma_start3A_310 = arith.constant 0 : i32
      %dma_start3A_311 = arith.constant 0 : i32
      %dma_start3A_312 = tpu.memref_slice %arg16[%dma_start3A_310, %dma_start3A_311] : memref<320x64xf32, #tpu.memory_space<vmem>> -> memref<80x64xf32, #tpu.memory_space<vmem>>
      tpu.enqueue_dma source(%dma_start3A_312 : memref<80x64xf32, #tpu.memory_space<vmem>>) target(%dma_start3A_309 : memref<80x64xf32, #tpu.memory_space<vmem_shared>>) target_semaphore(%run_scoped3A : memref<!tpu.dma_semaphore, #tpu.memory_space<semaphore_mem>>)
      %dma_wait3A_313 = arith.constant 0 : i32
      %dma_wait3A_314 = arith.constant 0 : i32
      %dma_wait3A_315 = tpu.memref_slice %arg16[%dma_wait3A_313, %dma_wait3A_314] : memref<320x64xf32, #tpu.memory_space<vmem>> -> memref<80x64xf32, #tpu.memory_space<vmem>>
      %dma_wait3A_316 = arith.constant 0 : i32
      %dma_wait3A_317 = tpu.memref_slice %arg20[%add3A_85, %dma_wait3A_316] : memref<10240x64xf32, #tpu.memory_space<vmem_shared>> -> memref<80x64xf32, #tpu.memory_space<vmem_shared>>
      %dma_wait3A_318 = arith.constant 0 : i32
      %dma_wait3A_319 = tpu.memref_slice %arg20[%add3A_85, %dma_wait3A_318] : memref<10240x64xf32, #tpu.memory_space<vmem_shared>> -> memref<80x64xf32, #tpu.memory_space<vmem_shared>>
      %dma_wait3A_320 = arith.constant 0 : i32
      %dma_wait3A_321 = arith.constant 0 : i32
      %dma_wait3A_322 = tpu.memref_slice %arg16[%dma_wait3A_320, %dma_wait3A_321] : memref<320x64xf32, #tpu.memory_space<vmem>> -> memref<80x64xf32, #tpu.memory_space<vmem>>
      tpu.wait_dma2 semaphore(%run_scoped3A : memref<!tpu.dma_semaphore, #tpu.memory_space<semaphore_mem>>) src(%dma_wait3A_322 : memref<80x64xf32, #tpu.memory_space<vmem>>) dst(%dma_wait3A_319 : memref<80x64xf32, #tpu.memory_space<vmem_shared>>)
      tpu.yield
    }) : () -> ()
    %mul3A_86 = arith.constant 640 : i32
    %mul3A_87 = arith.muli %arg1, %mul3A_86 : i32
    %add3A_88 = arith.constant 80 : i32
    %add3A_89 = arith.addi %mul3A_87, %add3A_88 : i32
    "tpu.region"() ({
      %run_scoped3A = tpu.sem_alloc : memref<!tpu.dma_semaphore, #tpu.memory_space<semaphore_mem>>
      %dma_start3A_303 = arith.constant 0 : i32
      %dma_start3A_304 = arith.constant 0 : i32
      %dma_start3A_305 = tpu.memref_slice %arg17[%dma_start3A_303, %dma_start3A_304] : memref<320x16xf32, #tpu.memory_space<vmem>> -> memref<80x16xf32, #tpu.memory_space<vmem>>
      %dma_start3A_306 = arith.constant 0 : i32
      %dma_start3A_307 = tpu.memref_slice %arg21[%add3A_89, %dma_start3A_306] : memref<10240x16xf32, #tpu.memory_space<vmem_shared>> -> memref<80x16xf32, #tpu.memory_space<vmem_shared>>
      %dma_start3A_308 = arith.constant 0 : i32
      %dma_start3A_309 = tpu.memref_slice %arg21[%add3A_89, %dma_start3A_308] : memref<10240x16xf32, #tpu.memory_space<vmem_shared>> -> memref<80x16xf32, #tpu.memory_space<vmem_shared>>
      %dma_start3A_310 = arith.constant 0 : i32
      %dma_start3A_311 = arith.constant 0 : i32
      %dma_start3A_312 = tpu.memref_slice %arg17[%dma_start3A_310, %dma_start3A_311] : memref<320x16xf32, #tpu.memory_space<vmem>> -> memref<80x16xf32, #tpu.memory_space<vmem>>
      tpu.enqueue_dma source(%dma_start3A_312 : memref<80x16xf32, #tpu.memory_space<vmem>>) target(%dma_start3A_309 : memref<80x16xf32, #tpu.memory_space<vmem_shared>>) target_semaphore(%run_scoped3A : memref<!tpu.dma_semaphore, #tpu.memory_space<semaphore_mem>>)
      %dma_wait3A_313 = arith.constant 0 : i32
      %dma_wait3A_314 = arith.constant 0 : i32
      %dma_wait3A_315 = tpu.memref_slice %arg17[%dma_wait3A_313, %dma_wait3A_314] : memref<320x16xf32, #tpu.memory_space<vmem>> -> memref<80x16xf32, #tpu.memory_space<vmem>>
      %dma_wait3A_316 = arith.constant 0 : i32
      %dma_wait3A_317 = tpu.memref_slice %arg21[%add3A_89, %dma_wait3A_316] : memref<10240x16xf32, #tpu.memory_space<vmem_shared>> -> memref<80x16xf32, #tpu.memory_space<vmem_shared>>
      %dma_wait3A_318 = arith.constant 0 : i32
      %dma_wait3A_319 = tpu.memref_slice %arg21[%add3A_89, %dma_wait3A_318] : memref<10240x16xf32, #tpu.memory_space<vmem_shared>> -> memref<80x16xf32, #tpu.memory_space<vmem_shared>>
      %dma_wait3A_320 = arith.constant 0 : i32
      %dma_wait3A_321 = arith.constant 0 : i32
      %dma_wait3A_322 = tpu.memref_slice %arg17[%dma_wait3A_320, %dma_wait3A_321] : memref<320x16xf32, #tpu.memory_space<vmem>> -> memref<80x16xf32, #tpu.memory_space<vmem>>
      tpu.wait_dma2 semaphore(%run_scoped3A : memref<!tpu.dma_semaphore, #tpu.memory_space<semaphore_mem>>) src(%dma_wait3A_322 : memref<80x16xf32, #tpu.memory_space<vmem>>) dst(%dma_wait3A_319 : memref<80x16xf32, #tpu.memory_space<vmem_shared>>)
      tpu.yield
    }) : () -> ()
    %mul3A_90 = arith.constant 640 : i32
    %mul3A_91 = arith.muli %arg1, %mul3A_90 : i32
    %add3A_92 = arith.constant 160 : i32
    %add3A_93 = arith.addi %mul3A_91, %add3A_92 : i32
    "tpu.region"() ({
      %run_scoped3A = tpu.sem_alloc : memref<!tpu.dma_semaphore, #tpu.memory_space<semaphore_mem>>
      %dma_start3A_303 = arith.constant 0 : i32
      %dma_start3A_304 = arith.constant 0 : i32
      %dma_start3A_305 = tpu.memref_slice %arg16[%dma_start3A_303, %dma_start3A_304] : memref<320x64xf32, #tpu.memory_space<vmem>> -> memref<80x64xf32, #tpu.memory_space<vmem>>
      %dma_start3A_306 = arith.constant 0 : i32
      %dma_start3A_307 = tpu.memref_slice %arg20[%add3A_93, %dma_start3A_306] : memref<10240x64xf32, #tpu.memory_space<vmem_shared>> -> memref<80x64xf32, #tpu.memory_space<vmem_shared>>
      %dma_start3A_308 = arith.constant 0 : i32
      %dma_start3A_309 = tpu.memref_slice %arg20[%add3A_93, %dma_start3A_308] : memref<10240x64xf32, #tpu.memory_space<vmem_shared>> -> memref<80x64xf32, #tpu.memory_space<vmem_shared>>
      %dma_start3A_310 = arith.constant 0 : i32
      %dma_start3A_311 = arith.constant 0 : i32
      %dma_start3A_312 = tpu.memref_slice %arg16[%dma_start3A_310, %dma_start3A_311] : memref<320x64xf32, #tpu.memory_space<vmem>> -> memref<80x64xf32, #tpu.memory_space<vmem>>
      tpu.enqueue_dma source(%dma_start3A_312 : memref<80x64xf32, #tpu.memory_space<vmem>>) target(%dma_start3A_309 : memref<80x64xf32, #tpu.memory_space<vmem_shared>>) target_semaphore(%run_scoped3A : memref<!tpu.dma_semaphore, #tpu.memory_space<semaphore_mem>>)
      %dma_wait3A_313 = arith.constant 0 : i32
      %dma_wait3A_314 = arith.constant 0 : i32
      %dma_wait3A_315 = tpu.memref_slice %arg16[%dma_wait3A_313, %dma_wait3A_314] : memref<320x64xf32, #tpu.memory_space<vmem>> -> memref<80x64xf32, #tpu.memory_space<vmem>>
      %dma_wait3A_316 = arith.constant 0 : i32
      %dma_wait3A_317 = tpu.memref_slice %arg20[%add3A_93, %dma_wait3A_316] : memref<10240x64xf32, #tpu.memory_space<vmem_shared>> -> memref<80x64xf32, #tpu.memory_space<vmem_shared>>
      %dma_wait3A_318 = arith.constant 0 : i32
      %dma_wait3A_319 = tpu.memref_slice %arg20[%add3A_93, %dma_wait3A_318] : memref<10240x64xf32, #tpu.memory_space<vmem_shared>> -> memref<80x64xf32, #tpu.memory_space<vmem_shared>>
      %dma_wait3A_320 = arith.constant 0 : i32
      %dma_wait3A_321 = arith.constant 0 : i32
      %dma_wait3A_322 = tpu.memref_slice %arg16[%dma_wait3A_320, %dma_wait3A_321] : memref<320x64xf32, #tpu.memory_space<vmem>> -> memref<80x64xf32, #tpu.memory_space<vmem>>
      tpu.wait_dma2 semaphore(%run_scoped3A : memref<!tpu.dma_semaphore, #tpu.memory_space<semaphore_mem>>) src(%dma_wait3A_322 : memref<80x64xf32, #tpu.memory_space<vmem>>) dst(%dma_wait3A_319 : memref<80x64xf32, #tpu.memory_space<vmem_shared>>)
      tpu.yield
    }) : () -> ()
    %mul3A_94 = arith.constant 640 : i32
    %mul3A_95 = arith.muli %arg1, %mul3A_94 : i32
    %add3A_96 = arith.constant 160 : i32
    %add3A_97 = arith.addi %mul3A_95, %add3A_96 : i32
    "tpu.region"() ({
      %run_scoped3A = tpu.sem_alloc : memref<!tpu.dma_semaphore, #tpu.memory_space<semaphore_mem>>
      %dma_start3A_303 = arith.constant 0 : i32
      %dma_start3A_304 = arith.constant 0 : i32
      %dma_start3A_305 = tpu.memref_slice %arg17[%dma_start3A_303, %dma_start3A_304] : memref<320x16xf32, #tpu.memory_space<vmem>> -> memref<80x16xf32, #tpu.memory_space<vmem>>
      %dma_start3A_306 = arith.constant 0 : i32
      %dma_start3A_307 = tpu.memref_slice %arg21[%add3A_97, %dma_start3A_306] : memref<10240x16xf32, #tpu.memory_space<vmem_shared>> -> memref<80x16xf32, #tpu.memory_space<vmem_shared>>
      %dma_start3A_308 = arith.constant 0 : i32
      %dma_start3A_309 = tpu.memref_slice %arg21[%add3A_97, %dma_start3A_308] : memref<10240x16xf32, #tpu.memory_space<vmem_shared>> -> memref<80x16xf32, #tpu.memory_space<vmem_shared>>
      %dma_start3A_310 = arith.constant 0 : i32
      %dma_start3A_311 = arith.constant 0 : i32
      %dma_start3A_312 = tpu.memref_slice %arg17[%dma_start3A_310, %dma_start3A_311] : memref<320x16xf32, #tpu.memory_space<vmem>> -> memref<80x16xf32, #tpu.memory_space<vmem>>
      tpu.enqueue_dma source(%dma_start3A_312 : memref<80x16xf32, #tpu.memory_space<vmem>>) target(%dma_start3A_309 : memref<80x16xf32, #tpu.memory_space<vmem_shared>>) target_semaphore(%run_scoped3A : memref<!tpu.dma_semaphore, #tpu.memory_space<semaphore_mem>>)
      %dma_wait3A_313 = arith.constant 0 : i32
      %dma_wait3A_314 = arith.constant 0 : i32
      %dma_wait3A_315 = tpu.memref_slice %arg17[%dma_wait3A_313, %dma_wait3A_314] : memref<320x16xf32, #tpu.memory_space<vmem>> -> memref<80x16xf32, #tpu.memory_space<vmem>>
      %dma_wait3A_316 = arith.constant 0 : i32
      %dma_wait3A_317 = tpu.memref_slice %arg21[%add3A_97, %dma_wait3A_316] : memref<10240x16xf32, #tpu.memory_space<vmem_shared>> -> memref<80x16xf32, #tpu.memory_space<vmem_shared>>
      %dma_wait3A_318 = arith.constant 0 : i32
      %dma_wait3A_319 = tpu.memref_slice %arg21[%add3A_97, %dma_wait3A_318] : memref<10240x16xf32, #tpu.memory_space<vmem_shared>> -> memref<80x16xf32, #tpu.memory_space<vmem_shared>>
      %dma_wait3A_320 = arith.constant 0 : i32
      %dma_wait3A_321 = arith.constant 0 : i32
      %dma_wait3A_322 = tpu.memref_slice %arg17[%dma_wait3A_320, %dma_wait3A_321] : memref<320x16xf32, #tpu.memory_space<vmem>> -> memref<80x16xf32, #tpu.memory_space<vmem>>
      tpu.wait_dma2 semaphore(%run_scoped3A : memref<!tpu.dma_semaphore, #tpu.memory_space<semaphore_mem>>) src(%dma_wait3A_322 : memref<80x16xf32, #tpu.memory_space<vmem>>) dst(%dma_wait3A_319 : memref<80x16xf32, #tpu.memory_space<vmem_shared>>)
      tpu.yield
    }) : () -> ()
    %mul3A_98 = arith.constant 640 : i32
    %mul3A_99 = arith.muli %arg1, %mul3A_98 : i32
    %add3A_100 = arith.constant 240 : i32
    %add3A_101 = arith.addi %mul3A_99, %add3A_100 : i32
    "tpu.region"() ({
      %run_scoped3A = tpu.sem_alloc : memref<!tpu.dma_semaphore, #tpu.memory_space<semaphore_mem>>
      %dma_start3A_303 = arith.constant 0 : i32
      %dma_start3A_304 = arith.constant 0 : i32
      %dma_start3A_305 = tpu.memref_slice %arg16[%dma_start3A_303, %dma_start3A_304] : memref<320x64xf32, #tpu.memory_space<vmem>> -> memref<80x64xf32, #tpu.memory_space<vmem>>
      %dma_start3A_306 = arith.constant 0 : i32
      %dma_start3A_307 = tpu.memref_slice %arg20[%add3A_101, %dma_start3A_306] : memref<10240x64xf32, #tpu.memory_space<vmem_shared>> -> memref<80x64xf32, #tpu.memory_space<vmem_shared>>
      %dma_start3A_308 = arith.constant 0 : i32
      %dma_start3A_309 = tpu.memref_slice %arg20[%add3A_101, %dma_start3A_308] : memref<10240x64xf32, #tpu.memory_space<vmem_shared>> -> memref<80x64xf32, #tpu.memory_space<vmem_shared>>
      %dma_start3A_310 = arith.constant 0 : i32
      %dma_start3A_311 = arith.constant 0 : i32
      %dma_start3A_312 = tpu.memref_slice %arg16[%dma_start3A_310, %dma_start3A_311] : memref<320x64xf32, #tpu.memory_space<vmem>> -> memref<80x64xf32, #tpu.memory_space<vmem>>
      tpu.enqueue_dma source(%dma_start3A_312 : memref<80x64xf32, #tpu.memory_space<vmem>>) target(%dma_start3A_309 : memref<80x64xf32, #tpu.memory_space<vmem_shared>>) target_semaphore(%run_scoped3A : memref<!tpu.dma_semaphore, #tpu.memory_space<semaphore_mem>>)
      %dma_wait3A_313 = arith.constant 0 : i32
      %dma_wait3A_314 = arith.constant 0 : i32
      %dma_wait3A_315 = tpu.memref_slice %arg16[%dma_wait3A_313, %dma_wait3A_314] : memref<320x64xf32, #tpu.memory_space<vmem>> -> memref<80x64xf32, #tpu.memory_space<vmem>>
      %dma_wait3A_316 = arith.constant 0 : i32
      %dma_wait3A_317 = tpu.memref_slice %arg20[%add3A_101, %dma_wait3A_316] : memref<10240x64xf32, #tpu.memory_space<vmem_shared>> -> memref<80x64xf32, #tpu.memory_space<vmem_shared>>
      %dma_wait3A_318 = arith.constant 0 : i32
      %dma_wait3A_319 = tpu.memref_slice %arg20[%add3A_101, %dma_wait3A_318] : memref<10240x64xf32, #tpu.memory_space<vmem_shared>> -> memref<80x64xf32, #tpu.memory_space<vmem_shared>>
      %dma_wait3A_320 = arith.constant 0 : i32
      %dma_wait3A_321 = arith.constant 0 : i32
      %dma_wait3A_322 = tpu.memref_slice %arg16[%dma_wait3A_320, %dma_wait3A_321] : memref<320x64xf32, #tpu.memory_space<vmem>> -> memref<80x64xf32, #tpu.memory_space<vmem>>
      tpu.wait_dma2 semaphore(%run_scoped3A : memref<!tpu.dma_semaphore, #tpu.memory_space<semaphore_mem>>) src(%dma_wait3A_322 : memref<80x64xf32, #tpu.memory_space<vmem>>) dst(%dma_wait3A_319 : memref<80x64xf32, #tpu.memory_space<vmem_shared>>)
      tpu.yield
    }) : () -> ()
    %mul3A_102 = arith.constant 640 : i32
    %mul3A_103 = arith.muli %arg1, %mul3A_102 : i32
    %add3A_104 = arith.constant 240 : i32
    %add3A_105 = arith.addi %mul3A_103, %add3A_104 : i32
    "tpu.region"() ({
      %run_scoped3A = tpu.sem_alloc : memref<!tpu.dma_semaphore, #tpu.memory_space<semaphore_mem>>
      %dma_start3A_303 = arith.constant 0 : i32
      %dma_start3A_304 = arith.constant 0 : i32
      %dma_start3A_305 = tpu.memref_slice %arg17[%dma_start3A_303, %dma_start3A_304] : memref<320x16xf32, #tpu.memory_space<vmem>> -> memref<80x16xf32, #tpu.memory_space<vmem>>
      %dma_start3A_306 = arith.constant 0 : i32
      %dma_start3A_307 = tpu.memref_slice %arg21[%add3A_105, %dma_start3A_306] : memref<10240x16xf32, #tpu.memory_space<vmem_shared>> -> memref<80x16xf32, #tpu.memory_space<vmem_shared>>
      %dma_start3A_308 = arith.constant 0 : i32
      %dma_start3A_309 = tpu.memref_slice %arg21[%add3A_105, %dma_start3A_308] : memref<10240x16xf32, #tpu.memory_space<vmem_shared>> -> memref<80x16xf32, #tpu.memory_space<vmem_shared>>
      %dma_start3A_310 = arith.constant 0 : i32
      %dma_start3A_311 = arith.constant 0 : i32
      %dma_start3A_312 = tpu.memref_slice %arg17[%dma_start3A_310, %dma_start3A_311] : memref<320x16xf32, #tpu.memory_space<vmem>> -> memref<80x16xf32, #tpu.memory_space<vmem>>
      tpu.enqueue_dma source(%dma_start3A_312 : memref<80x16xf32, #tpu.memory_space<vmem>>) target(%dma_start3A_309 : memref<80x16xf32, #tpu.memory_space<vmem_shared>>) target_semaphore(%run_scoped3A : memref<!tpu.dma_semaphore, #tpu.memory_space<semaphore_mem>>)
      %dma_wait3A_313 = arith.constant 0 : i32
      %dma_wait3A_314 = arith.constant 0 : i32
      %dma_wait3A_315 = tpu.memref_slice %arg17[%dma_wait3A_313, %dma_wait3A_314] : memref<320x16xf32, #tpu.memory_space<vmem>> -> memref<80x16xf32, #tpu.memory_space<vmem>>
      %dma_wait3A_316 = arith.constant 0 : i32
      %dma_wait3A_317 = tpu.memref_slice %arg21[%add3A_105, %dma_wait3A_316] : memref<10240x16xf32, #tpu.memory_space<vmem_shared>> -> memref<80x16xf32, #tpu.memory_space<vmem_shared>>
      %dma_wait3A_318 = arith.constant 0 : i32
      %dma_wait3A_319 = tpu.memref_slice %arg21[%add3A_105, %dma_wait3A_318] : memref<10240x16xf32, #tpu.memory_space<vmem_shared>> -> memref<80x16xf32, #tpu.memory_space<vmem_shared>>
      %dma_wait3A_320 = arith.constant 0 : i32
      %dma_wait3A_321 = arith.constant 0 : i32
      %dma_wait3A_322 = tpu.memref_slice %arg17[%dma_wait3A_320, %dma_wait3A_321] : memref<320x16xf32, #tpu.memory_space<vmem>> -> memref<80x16xf32, #tpu.memory_space<vmem>>
      tpu.wait_dma2 semaphore(%run_scoped3A : memref<!tpu.dma_semaphore, #tpu.memory_space<semaphore_mem>>) src(%dma_wait3A_322 : memref<80x16xf32, #tpu.memory_space<vmem>>) dst(%dma_wait3A_319 : memref<80x16xf32, #tpu.memory_space<vmem_shared>>)
      tpu.yield
    }) : () -> ()
    %mul3A_106 = arith.constant 640 : i32
    %mul3A_107 = arith.muli %arg1, %mul3A_106 : i32
    %add3A_108 = arith.constant 320 : i32
    %add3A_109 = arith.addi %mul3A_107, %add3A_108 : i32
    "tpu.region"() ({
      %run_scoped3A = tpu.sem_alloc : memref<!tpu.dma_semaphore, #tpu.memory_space<semaphore_mem>>
      %dma_start3A_303 = arith.constant 0 : i32
      %dma_start3A_304 = arith.constant 0 : i32
      %dma_start3A_305 = tpu.memref_slice %arg16[%dma_start3A_303, %dma_start3A_304] : memref<320x64xf32, #tpu.memory_space<vmem>> -> memref<80x64xf32, #tpu.memory_space<vmem>>
      %dma_start3A_306 = arith.constant 0 : i32
      %dma_start3A_307 = tpu.memref_slice %arg20[%add3A_109, %dma_start3A_306] : memref<10240x64xf32, #tpu.memory_space<vmem_shared>> -> memref<80x64xf32, #tpu.memory_space<vmem_shared>>
      %dma_start3A_308 = arith.constant 0 : i32
      %dma_start3A_309 = tpu.memref_slice %arg20[%add3A_109, %dma_start3A_308] : memref<10240x64xf32, #tpu.memory_space<vmem_shared>> -> memref<80x64xf32, #tpu.memory_space<vmem_shared>>
      %dma_start3A_310 = arith.constant 0 : i32
      %dma_start3A_311 = arith.constant 0 : i32
      %dma_start3A_312 = tpu.memref_slice %arg16[%dma_start3A_310, %dma_start3A_311] : memref<320x64xf32, #tpu.memory_space<vmem>> -> memref<80x64xf32, #tpu.memory_space<vmem>>
      tpu.enqueue_dma source(%dma_start3A_312 : memref<80x64xf32, #tpu.memory_space<vmem>>) target(%dma_start3A_309 : memref<80x64xf32, #tpu.memory_space<vmem_shared>>) target_semaphore(%run_scoped3A : memref<!tpu.dma_semaphore, #tpu.memory_space<semaphore_mem>>)
      %dma_wait3A_313 = arith.constant 0 : i32
      %dma_wait3A_314 = arith.constant 0 : i32
      %dma_wait3A_315 = tpu.memref_slice %arg16[%dma_wait3A_313, %dma_wait3A_314] : memref<320x64xf32, #tpu.memory_space<vmem>> -> memref<80x64xf32, #tpu.memory_space<vmem>>
      %dma_wait3A_316 = arith.constant 0 : i32
      %dma_wait3A_317 = tpu.memref_slice %arg20[%add3A_109, %dma_wait3A_316] : memref<10240x64xf32, #tpu.memory_space<vmem_shared>> -> memref<80x64xf32, #tpu.memory_space<vmem_shared>>
      %dma_wait3A_318 = arith.constant 0 : i32
      %dma_wait3A_319 = tpu.memref_slice %arg20[%add3A_109, %dma_wait3A_318] : memref<10240x64xf32, #tpu.memory_space<vmem_shared>> -> memref<80x64xf32, #tpu.memory_space<vmem_shared>>
      %dma_wait3A_320 = arith.constant 0 : i32
      %dma_wait3A_321 = arith.constant 0 : i32
      %dma_wait3A_322 = tpu.memref_slice %arg16[%dma_wait3A_320, %dma_wait3A_321] : memref<320x64xf32, #tpu.memory_space<vmem>> -> memref<80x64xf32, #tpu.memory_space<vmem>>
      tpu.wait_dma2 semaphore(%run_scoped3A : memref<!tpu.dma_semaphore, #tpu.memory_space<semaphore_mem>>) src(%dma_wait3A_322 : memref<80x64xf32, #tpu.memory_space<vmem>>) dst(%dma_wait3A_319 : memref<80x64xf32, #tpu.memory_space<vmem_shared>>)
      tpu.yield
    }) : () -> ()
    %mul3A_110 = arith.constant 640 : i32
    %mul3A_111 = arith.muli %arg1, %mul3A_110 : i32
    %add3A_112 = arith.constant 320 : i32
    %add3A_113 = arith.addi %mul3A_111, %add3A_112 : i32
    "tpu.region"() ({
      %run_scoped3A = tpu.sem_alloc : memref<!tpu.dma_semaphore, #tpu.memory_space<semaphore_mem>>
      %dma_start3A_303 = arith.constant 0 : i32
      %dma_start3A_304 = arith.constant 0 : i32
      %dma_start3A_305 = tpu.memref_slice %arg17[%dma_start3A_303, %dma_start3A_304] : memref<320x16xf32, #tpu.memory_space<vmem>> -> memref<80x16xf32, #tpu.memory_space<vmem>>
      %dma_start3A_306 = arith.constant 0 : i32
      %dma_start3A_307 = tpu.memref_slice %arg21[%add3A_113, %dma_start3A_306] : memref<10240x16xf32, #tpu.memory_space<vmem_shared>> -> memref<80x16xf32, #tpu.memory_space<vmem_shared>>
      %dma_start3A_308 = arith.constant 0 : i32
      %dma_start3A_309 = tpu.memref_slice %arg21[%add3A_113, %dma_start3A_308] : memref<10240x16xf32, #tpu.memory_space<vmem_shared>> -> memref<80x16xf32, #tpu.memory_space<vmem_shared>>
      %dma_start3A_310 = arith.constant 0 : i32
      %dma_start3A_311 = arith.constant 0 : i32
      %dma_start3A_312 = tpu.memref_slice %arg17[%dma_start3A_310, %dma_start3A_311] : memref<320x16xf32, #tpu.memory_space<vmem>> -> memref<80x16xf32, #tpu.memory_space<vmem>>
      tpu.enqueue_dma source(%dma_start3A_312 : memref<80x16xf32, #tpu.memory_space<vmem>>) target(%dma_start3A_309 : memref<80x16xf32, #tpu.memory_space<vmem_shared>>) target_semaphore(%run_scoped3A : memref<!tpu.dma_semaphore, #tpu.memory_space<semaphore_mem>>)
      %dma_wait3A_313 = arith.constant 0 : i32
      %dma_wait3A_314 = arith.constant 0 : i32
      %dma_wait3A_315 = tpu.memref_slice %arg17[%dma_wait3A_313, %dma_wait3A_314] : memref<320x16xf32, #tpu.memory_space<vmem>> -> memref<80x16xf32, #tpu.memory_space<vmem>>
      %dma_wait3A_316 = arith.constant 0 : i32
      %dma_wait3A_317 = tpu.memref_slice %arg21[%add3A_113, %dma_wait3A_316] : memref<10240x16xf32, #tpu.memory_space<vmem_shared>> -> memref<80x16xf32, #tpu.memory_space<vmem_shared>>
      %dma_wait3A_318 = arith.constant 0 : i32
      %dma_wait3A_319 = tpu.memref_slice %arg21[%add3A_113, %dma_wait3A_318] : memref<10240x16xf32, #tpu.memory_space<vmem_shared>> -> memref<80x16xf32, #tpu.memory_space<vmem_shared>>
      %dma_wait3A_320 = arith.constant 0 : i32
      %dma_wait3A_321 = arith.constant 0 : i32
      %dma_wait3A_322 = tpu.memref_slice %arg17[%dma_wait3A_320, %dma_wait3A_321] : memref<320x16xf32, #tpu.memory_space<vmem>> -> memref<80x16xf32, #tpu.memory_space<vmem>>
      tpu.wait_dma2 semaphore(%run_scoped3A : memref<!tpu.dma_semaphore, #tpu.memory_space<semaphore_mem>>) src(%dma_wait3A_322 : memref<80x16xf32, #tpu.memory_space<vmem>>) dst(%dma_wait3A_319 : memref<80x16xf32, #tpu.memory_space<vmem_shared>>)
      tpu.yield
    }) : () -> ()
    %mul3A_114 = arith.constant 640 : i32
    %mul3A_115 = arith.muli %arg1, %mul3A_114 : i32
    %add3A_116 = arith.constant 400 : i32
    %add3A_117 = arith.addi %mul3A_115, %add3A_116 : i32
    "tpu.region"() ({
      %run_scoped3A = tpu.sem_alloc : memref<!tpu.dma_semaphore, #tpu.memory_space<semaphore_mem>>
      %dma_start3A_303 = arith.constant 0 : i32
      %dma_start3A_304 = arith.constant 0 : i32
      %dma_start3A_305 = tpu.memref_slice %arg16[%dma_start3A_303, %dma_start3A_304] : memref<320x64xf32, #tpu.memory_space<vmem>> -> memref<80x64xf32, #tpu.memory_space<vmem>>
      %dma_start3A_306 = arith.constant 0 : i32
      %dma_start3A_307 = tpu.memref_slice %arg20[%add3A_117, %dma_start3A_306] : memref<10240x64xf32, #tpu.memory_space<vmem_shared>> -> memref<80x64xf32, #tpu.memory_space<vmem_shared>>
      %dma_start3A_308 = arith.constant 0 : i32
      %dma_start3A_309 = tpu.memref_slice %arg20[%add3A_117, %dma_start3A_308] : memref<10240x64xf32, #tpu.memory_space<vmem_shared>> -> memref<80x64xf32, #tpu.memory_space<vmem_shared>>
      %dma_start3A_310 = arith.constant 0 : i32
      %dma_start3A_311 = arith.constant 0 : i32
      %dma_start3A_312 = tpu.memref_slice %arg16[%dma_start3A_310, %dma_start3A_311] : memref<320x64xf32, #tpu.memory_space<vmem>> -> memref<80x64xf32, #tpu.memory_space<vmem>>
      tpu.enqueue_dma source(%dma_start3A_312 : memref<80x64xf32, #tpu.memory_space<vmem>>) target(%dma_start3A_309 : memref<80x64xf32, #tpu.memory_space<vmem_shared>>) target_semaphore(%run_scoped3A : memref<!tpu.dma_semaphore, #tpu.memory_space<semaphore_mem>>)
      %dma_wait3A_313 = arith.constant 0 : i32
      %dma_wait3A_314 = arith.constant 0 : i32
      %dma_wait3A_315 = tpu.memref_slice %arg16[%dma_wait3A_313, %dma_wait3A_314] : memref<320x64xf32, #tpu.memory_space<vmem>> -> memref<80x64xf32, #tpu.memory_space<vmem>>
      %dma_wait3A_316 = arith.constant 0 : i32
      %dma_wait3A_317 = tpu.memref_slice %arg20[%add3A_117, %dma_wait3A_316] : memref<10240x64xf32, #tpu.memory_space<vmem_shared>> -> memref<80x64xf32, #tpu.memory_space<vmem_shared>>
      %dma_wait3A_318 = arith.constant 0 : i32
      %dma_wait3A_319 = tpu.memref_slice %arg20[%add3A_117, %dma_wait3A_318] : memref<10240x64xf32, #tpu.memory_space<vmem_shared>> -> memref<80x64xf32, #tpu.memory_space<vmem_shared>>
      %dma_wait3A_320 = arith.constant 0 : i32
      %dma_wait3A_321 = arith.constant 0 : i32
      %dma_wait3A_322 = tpu.memref_slice %arg16[%dma_wait3A_320, %dma_wait3A_321] : memref<320x64xf32, #tpu.memory_space<vmem>> -> memref<80x64xf32, #tpu.memory_space<vmem>>
      tpu.wait_dma2 semaphore(%run_scoped3A : memref<!tpu.dma_semaphore, #tpu.memory_space<semaphore_mem>>) src(%dma_wait3A_322 : memref<80x64xf32, #tpu.memory_space<vmem>>) dst(%dma_wait3A_319 : memref<80x64xf32, #tpu.memory_space<vmem_shared>>)
      tpu.yield
    }) : () -> ()
    %mul3A_118 = arith.constant 640 : i32
    %mul3A_119 = arith.muli %arg1, %mul3A_118 : i32
    %add3A_120 = arith.constant 400 : i32
    %add3A_121 = arith.addi %mul3A_119, %add3A_120 : i32
    "tpu.region"() ({
      %run_scoped3A = tpu.sem_alloc : memref<!tpu.dma_semaphore, #tpu.memory_space<semaphore_mem>>
      %dma_start3A_303 = arith.constant 0 : i32
      %dma_start3A_304 = arith.constant 0 : i32
      %dma_start3A_305 = tpu.memref_slice %arg17[%dma_start3A_303, %dma_start3A_304] : memref<320x16xf32, #tpu.memory_space<vmem>> -> memref<80x16xf32, #tpu.memory_space<vmem>>
      %dma_start3A_306 = arith.constant 0 : i32
      %dma_start3A_307 = tpu.memref_slice %arg21[%add3A_121, %dma_start3A_306] : memref<10240x16xf32, #tpu.memory_space<vmem_shared>> -> memref<80x16xf32, #tpu.memory_space<vmem_shared>>
      %dma_start3A_308 = arith.constant 0 : i32
      %dma_start3A_309 = tpu.memref_slice %arg21[%add3A_121, %dma_start3A_308] : memref<10240x16xf32, #tpu.memory_space<vmem_shared>> -> memref<80x16xf32, #tpu.memory_space<vmem_shared>>
      %dma_start3A_310 = arith.constant 0 : i32
      %dma_start3A_311 = arith.constant 0 : i32
      %dma_start3A_312 = tpu.memref_slice %arg17[%dma_start3A_310, %dma_start3A_311] : memref<320x16xf32, #tpu.memory_space<vmem>> -> memref<80x16xf32, #tpu.memory_space<vmem>>
      tpu.enqueue_dma source(%dma_start3A_312 : memref<80x16xf32, #tpu.memory_space<vmem>>) target(%dma_start3A_309 : memref<80x16xf32, #tpu.memory_space<vmem_shared>>) target_semaphore(%run_scoped3A : memref<!tpu.dma_semaphore, #tpu.memory_space<semaphore_mem>>)
      %dma_wait3A_313 = arith.constant 0 : i32
      %dma_wait3A_314 = arith.constant 0 : i32
      %dma_wait3A_315 = tpu.memref_slice %arg17[%dma_wait3A_313, %dma_wait3A_314] : memref<320x16xf32, #tpu.memory_space<vmem>> -> memref<80x16xf32, #tpu.memory_space<vmem>>
      %dma_wait3A_316 = arith.constant 0 : i32
      %dma_wait3A_317 = tpu.memref_slice %arg21[%add3A_121, %dma_wait3A_316] : memref<10240x16xf32, #tpu.memory_space<vmem_shared>> -> memref<80x16xf32, #tpu.memory_space<vmem_shared>>
      %dma_wait3A_318 = arith.constant 0 : i32
      %dma_wait3A_319 = tpu.memref_slice %arg21[%add3A_121, %dma_wait3A_318] : memref<10240x16xf32, #tpu.memory_space<vmem_shared>> -> memref<80x16xf32, #tpu.memory_space<vmem_shared>>
      %dma_wait3A_320 = arith.constant 0 : i32
      %dma_wait3A_321 = arith.constant 0 : i32
      %dma_wait3A_322 = tpu.memref_slice %arg17[%dma_wait3A_320, %dma_wait3A_321] : memref<320x16xf32, #tpu.memory_space<vmem>> -> memref<80x16xf32, #tpu.memory_space<vmem>>
      tpu.wait_dma2 semaphore(%run_scoped3A : memref<!tpu.dma_semaphore, #tpu.memory_space<semaphore_mem>>) src(%dma_wait3A_322 : memref<80x16xf32, #tpu.memory_space<vmem>>) dst(%dma_wait3A_319 : memref<80x16xf32, #tpu.memory_space<vmem_shared>>)
      tpu.yield
    }) : () -> ()
    %mul3A_122 = arith.constant 640 : i32
    %mul3A_123 = arith.muli %arg1, %mul3A_122 : i32
    %add3A_124 = arith.constant 480 : i32
    %add3A_125 = arith.addi %mul3A_123, %add3A_124 : i32
    "tpu.region"() ({
      %run_scoped3A = tpu.sem_alloc : memref<!tpu.dma_semaphore, #tpu.memory_space<semaphore_mem>>
      %dma_start3A_303 = arith.constant 0 : i32
      %dma_start3A_304 = arith.constant 0 : i32
      %dma_start3A_305 = tpu.memref_slice %arg16[%dma_start3A_303, %dma_start3A_304] : memref<320x64xf32, #tpu.memory_space<vmem>> -> memref<80x64xf32, #tpu.memory_space<vmem>>
      %dma_start3A_306 = arith.constant 0 : i32
      %dma_start3A_307 = tpu.memref_slice %arg20[%add3A_125, %dma_start3A_306] : memref<10240x64xf32, #tpu.memory_space<vmem_shared>> -> memref<80x64xf32, #tpu.memory_space<vmem_shared>>
      %dma_start3A_308 = arith.constant 0 : i32
      %dma_start3A_309 = tpu.memref_slice %arg20[%add3A_125, %dma_start3A_308] : memref<10240x64xf32, #tpu.memory_space<vmem_shared>> -> memref<80x64xf32, #tpu.memory_space<vmem_shared>>
      %dma_start3A_310 = arith.constant 0 : i32
      %dma_start3A_311 = arith.constant 0 : i32
      %dma_start3A_312 = tpu.memref_slice %arg16[%dma_start3A_310, %dma_start3A_311] : memref<320x64xf32, #tpu.memory_space<vmem>> -> memref<80x64xf32, #tpu.memory_space<vmem>>
      tpu.enqueue_dma source(%dma_start3A_312 : memref<80x64xf32, #tpu.memory_space<vmem>>) target(%dma_start3A_309 : memref<80x64xf32, #tpu.memory_space<vmem_shared>>) target_semaphore(%run_scoped3A : memref<!tpu.dma_semaphore, #tpu.memory_space<semaphore_mem>>)
      %dma_wait3A_313 = arith.constant 0 : i32
      %dma_wait3A_314 = arith.constant 0 : i32
      %dma_wait3A_315 = tpu.memref_slice %arg16[%dma_wait3A_313, %dma_wait3A_314] : memref<320x64xf32, #tpu.memory_space<vmem>> -> memref<80x64xf32, #tpu.memory_space<vmem>>
      %dma_wait3A_316 = arith.constant 0 : i32
      %dma_wait3A_317 = tpu.memref_slice %arg20[%add3A_125, %dma_wait3A_316] : memref<10240x64xf32, #tpu.memory_space<vmem_shared>> -> memref<80x64xf32, #tpu.memory_space<vmem_shared>>
      %dma_wait3A_318 = arith.constant 0 : i32
      %dma_wait3A_319 = tpu.memref_slice %arg20[%add3A_125, %dma_wait3A_318] : memref<10240x64xf32, #tpu.memory_space<vmem_shared>> -> memref<80x64xf32, #tpu.memory_space<vmem_shared>>
      %dma_wait3A_320 = arith.constant 0 : i32
      %dma_wait3A_321 = arith.constant 0 : i32
      %dma_wait3A_322 = tpu.memref_slice %arg16[%dma_wait3A_320, %dma_wait3A_321] : memref<320x64xf32, #tpu.memory_space<vmem>> -> memref<80x64xf32, #tpu.memory_space<vmem>>
      tpu.wait_dma2 semaphore(%run_scoped3A : memref<!tpu.dma_semaphore, #tpu.memory_space<semaphore_mem>>) src(%dma_wait3A_322 : memref<80x64xf32, #tpu.memory_space<vmem>>) dst(%dma_wait3A_319 : memref<80x64xf32, #tpu.memory_space<vmem_shared>>)
      tpu.yield
    }) : () -> ()
    %mul3A_126 = arith.constant 640 : i32
    %mul3A_127 = arith.muli %arg1, %mul3A_126 : i32
    %add3A_128 = arith.constant 480 : i32
    %add3A_129 = arith.addi %mul3A_127, %add3A_128 : i32
    "tpu.region"() ({
      %run_scoped3A = tpu.sem_alloc : memref<!tpu.dma_semaphore, #tpu.memory_space<semaphore_mem>>
      %dma_start3A_303 = arith.constant 0 : i32
      %dma_start3A_304 = arith.constant 0 : i32
      %dma_start3A_305 = tpu.memref_slice %arg17[%dma_start3A_303, %dma_start3A_304] : memref<320x16xf32, #tpu.memory_space<vmem>> -> memref<80x16xf32, #tpu.memory_space<vmem>>
      %dma_start3A_306 = arith.constant 0 : i32
      %dma_start3A_307 = tpu.memref_slice %arg21[%add3A_129, %dma_start3A_306] : memref<10240x16xf32, #tpu.memory_space<vmem_shared>> -> memref<80x16xf32, #tpu.memory_space<vmem_shared>>
      %dma_start3A_308 = arith.constant 0 : i32
      %dma_start3A_309 = tpu.memref_slice %arg21[%add3A_129, %dma_start3A_308] : memref<10240x16xf32, #tpu.memory_space<vmem_shared>> -> memref<80x16xf32, #tpu.memory_space<vmem_shared>>
      %dma_start3A_310 = arith.constant 0 : i32
      %dma_start3A_311 = arith.constant 0 : i32
      %dma_start3A_312 = tpu.memref_slice %arg17[%dma_start3A_310, %dma_start3A_311] : memref<320x16xf32, #tpu.memory_space<vmem>> -> memref<80x16xf32, #tpu.memory_space<vmem>>
      tpu.enqueue_dma source(%dma_start3A_312 : memref<80x16xf32, #tpu.memory_space<vmem>>) target(%dma_start3A_309 : memref<80x16xf32, #tpu.memory_space<vmem_shared>>) target_semaphore(%run_scoped3A : memref<!tpu.dma_semaphore, #tpu.memory_space<semaphore_mem>>)
      %dma_wait3A_313 = arith.constant 0 : i32
      %dma_wait3A_314 = arith.constant 0 : i32
      %dma_wait3A_315 = tpu.memref_slice %arg17[%dma_wait3A_313, %dma_wait3A_314] : memref<320x16xf32, #tpu.memory_space<vmem>> -> memref<80x16xf32, #tpu.memory_space<vmem>>
      %dma_wait3A_316 = arith.constant 0 : i32
      %dma_wait3A_317 = tpu.memref_slice %arg21[%add3A_129, %dma_wait3A_316] : memref<10240x16xf32, #tpu.memory_space<vmem_shared>> -> memref<80x16xf32, #tpu.memory_space<vmem_shared>>
      %dma_wait3A_318 = arith.constant 0 : i32
      %dma_wait3A_319 = tpu.memref_slice %arg21[%add3A_129, %dma_wait3A_318] : memref<10240x16xf32, #tpu.memory_space<vmem_shared>> -> memref<80x16xf32, #tpu.memory_space<vmem_shared>>
      %dma_wait3A_320 = arith.constant 0 : i32
      %dma_wait3A_321 = arith.constant 0 : i32
      %dma_wait3A_322 = tpu.memref_slice %arg17[%dma_wait3A_320, %dma_wait3A_321] : memref<320x16xf32, #tpu.memory_space<vmem>> -> memref<80x16xf32, #tpu.memory_space<vmem>>
      tpu.wait_dma2 semaphore(%run_scoped3A : memref<!tpu.dma_semaphore, #tpu.memory_space<semaphore_mem>>) src(%dma_wait3A_322 : memref<80x16xf32, #tpu.memory_space<vmem>>) dst(%dma_wait3A_319 : memref<80x16xf32, #tpu.memory_space<vmem_shared>>)
      tpu.yield
    }) : () -> ()
    %mul3A_130 = arith.constant 640 : i32
    %mul3A_131 = arith.muli %arg1, %mul3A_130 : i32
    %add3A_132 = arith.constant 560 : i32
    %add3A_133 = arith.addi %mul3A_131, %add3A_132 : i32
    "tpu.region"() ({
      %run_scoped3A = tpu.sem_alloc : memref<!tpu.dma_semaphore, #tpu.memory_space<semaphore_mem>>
      %dma_start3A_303 = arith.constant 0 : i32
      %dma_start3A_304 = arith.constant 0 : i32
      %dma_start3A_305 = tpu.memref_slice %arg16[%dma_start3A_303, %dma_start3A_304] : memref<320x64xf32, #tpu.memory_space<vmem>> -> memref<80x64xf32, #tpu.memory_space<vmem>>
      %dma_start3A_306 = arith.constant 0 : i32
      %dma_start3A_307 = tpu.memref_slice %arg20[%add3A_133, %dma_start3A_306] : memref<10240x64xf32, #tpu.memory_space<vmem_shared>> -> memref<80x64xf32, #tpu.memory_space<vmem_shared>>
      %dma_start3A_308 = arith.constant 0 : i32
      %dma_start3A_309 = tpu.memref_slice %arg20[%add3A_133, %dma_start3A_308] : memref<10240x64xf32, #tpu.memory_space<vmem_shared>> -> memref<80x64xf32, #tpu.memory_space<vmem_shared>>
      %dma_start3A_310 = arith.constant 0 : i32
      %dma_start3A_311 = arith.constant 0 : i32
      %dma_start3A_312 = tpu.memref_slice %arg16[%dma_start3A_310, %dma_start3A_311] : memref<320x64xf32, #tpu.memory_space<vmem>> -> memref<80x64xf32, #tpu.memory_space<vmem>>
      tpu.enqueue_dma source(%dma_start3A_312 : memref<80x64xf32, #tpu.memory_space<vmem>>) target(%dma_start3A_309 : memref<80x64xf32, #tpu.memory_space<vmem_shared>>) target_semaphore(%run_scoped3A : memref<!tpu.dma_semaphore, #tpu.memory_space<semaphore_mem>>)
      %dma_wait3A_313 = arith.constant 0 : i32
      %dma_wait3A_314 = arith.constant 0 : i32
      %dma_wait3A_315 = tpu.memref_slice %arg16[%dma_wait3A_313, %dma_wait3A_314] : memref<320x64xf32, #tpu.memory_space<vmem>> -> memref<80x64xf32, #tpu.memory_space<vmem>>
      %dma_wait3A_316 = arith.constant 0 : i32
      %dma_wait3A_317 = tpu.memref_slice %arg20[%add3A_133, %dma_wait3A_316] : memref<10240x64xf32, #tpu.memory_space<vmem_shared>> -> memref<80x64xf32, #tpu.memory_space<vmem_shared>>
      %dma_wait3A_318 = arith.constant 0 : i32
      %dma_wait3A_319 = tpu.memref_slice %arg20[%add3A_133, %dma_wait3A_318] : memref<10240x64xf32, #tpu.memory_space<vmem_shared>> -> memref<80x64xf32, #tpu.memory_space<vmem_shared>>
      %dma_wait3A_320 = arith.constant 0 : i32
      %dma_wait3A_321 = arith.constant 0 : i32
      %dma_wait3A_322 = tpu.memref_slice %arg16[%dma_wait3A_320, %dma_wait3A_321] : memref<320x64xf32, #tpu.memory_space<vmem>> -> memref<80x64xf32, #tpu.memory_space<vmem>>
      tpu.wait_dma2 semaphore(%run_scoped3A : memref<!tpu.dma_semaphore, #tpu.memory_space<semaphore_mem>>) src(%dma_wait3A_322 : memref<80x64xf32, #tpu.memory_space<vmem>>) dst(%dma_wait3A_319 : memref<80x64xf32, #tpu.memory_space<vmem_shared>>)
      tpu.yield
    }) : () -> ()
    %mul3A_134 = arith.constant 640 : i32
    %mul3A_135 = arith.muli %arg1, %mul3A_134 : i32
    %add3A_136 = arith.constant 560 : i32
    %add3A_137 = arith.addi %mul3A_135, %add3A_136 : i32
    "tpu.region"() ({
      %run_scoped3A = tpu.sem_alloc : memref<!tpu.dma_semaphore, #tpu.memory_space<semaphore_mem>>
      %dma_start3A_303 = arith.constant 0 : i32
      %dma_start3A_304 = arith.constant 0 : i32
      %dma_start3A_305 = tpu.memref_slice %arg17[%dma_start3A_303, %dma_start3A_304] : memref<320x16xf32, #tpu.memory_space<vmem>> -> memref<80x16xf32, #tpu.memory_space<vmem>>
      %dma_start3A_306 = arith.constant 0 : i32
      %dma_start3A_307 = tpu.memref_slice %arg21[%add3A_137, %dma_start3A_306] : memref<10240x16xf32, #tpu.memory_space<vmem_shared>> -> memref<80x16xf32, #tpu.memory_space<vmem_shared>>
      %dma_start3A_308 = arith.constant 0 : i32
      %dma_start3A_309 = tpu.memref_slice %arg21[%add3A_137, %dma_start3A_308] : memref<10240x16xf32, #tpu.memory_space<vmem_shared>> -> memref<80x16xf32, #tpu.memory_space<vmem_shared>>
      %dma_start3A_310 = arith.constant 0 : i32
      %dma_start3A_311 = arith.constant 0 : i32
      %dma_start3A_312 = tpu.memref_slice %arg17[%dma_start3A_310, %dma_start3A_311] : memref<320x16xf32, #tpu.memory_space<vmem>> -> memref<80x16xf32, #tpu.memory_space<vmem>>
      tpu.enqueue_dma source(%dma_start3A_312 : memref<80x16xf32, #tpu.memory_space<vmem>>) target(%dma_start3A_309 : memref<80x16xf32, #tpu.memory_space<vmem_shared>>) target_semaphore(%run_scoped3A : memref<!tpu.dma_semaphore, #tpu.memory_space<semaphore_mem>>)
      %dma_wait3A_313 = arith.constant 0 : i32
      %dma_wait3A_314 = arith.constant 0 : i32
      %dma_wait3A_315 = tpu.memref_slice %arg17[%dma_wait3A_313, %dma_wait3A_314] : memref<320x16xf32, #tpu.memory_space<vmem>> -> memref<80x16xf32, #tpu.memory_space<vmem>>
      %dma_wait3A_316 = arith.constant 0 : i32
      %dma_wait3A_317 = tpu.memref_slice %arg21[%add3A_137, %dma_wait3A_316] : memref<10240x16xf32, #tpu.memory_space<vmem_shared>> -> memref<80x16xf32, #tpu.memory_space<vmem_shared>>
      %dma_wait3A_318 = arith.constant 0 : i32
      %dma_wait3A_319 = tpu.memref_slice %arg21[%add3A_137, %dma_wait3A_318] : memref<10240x16xf32, #tpu.memory_space<vmem_shared>> -> memref<80x16xf32, #tpu.memory_space<vmem_shared>>
      %dma_wait3A_320 = arith.constant 0 : i32
      %dma_wait3A_321 = arith.constant 0 : i32
      %dma_wait3A_322 = tpu.memref_slice %arg17[%dma_wait3A_320, %dma_wait3A_321] : memref<320x16xf32, #tpu.memory_space<vmem>> -> memref<80x16xf32, #tpu.memory_space<vmem>>
      tpu.wait_dma2 semaphore(%run_scoped3A : memref<!tpu.dma_semaphore, #tpu.memory_space<semaphore_mem>>) src(%dma_wait3A_322 : memref<80x16xf32, #tpu.memory_space<vmem>>) dst(%dma_wait3A_319 : memref<80x16xf32, #tpu.memory_space<vmem_shared>>)
      tpu.yield
    }) : () -> ()
    %barrier3A = arith.constant 0 : index
    tpu.barrier barrier_id(%barrier3A)
    %dma_start3A = arith.constant 0 : i32
    %dma_start3A_138 = arith.constant 0 : i32
    %dma_start3A_139 = arith.constant 0 : i32
    %dma_start3A_140 = tpu.memref_slice %arg13[%dma_start3A_138, %dma_start3A_139] : memref<50x80xi32, #tpu.memory_space<vmem>> -> memref<25x80xi32, #tpu.memory_space<vmem>>
    %dma_start3A_141 = arith.constant 0 : i32
    %dma_start3A_142 = arith.constant 0 : i32
    %dma_start3A_143 = tpu.memref_slice %arg2[%arg1, %dma_start3A, %dma_start3A_141, %dma_start3A_142] : memref<16x10x25x80xi32, #tpu.memory_space<hbm>> -> memref<1x1x25x80xi32, #tpu.memory_space<hbm>>
    %dma_start3A_144 = tpu.memref_squeeze %dma_start3A_143 : memref<1x1x25x80xi32, #tpu.memory_space<hbm>> -> memref<25x80xi32, #tpu.memory_space<hbm>>
    %dma_start3A_145 = arith.constant 0 : i32
    %dma_start3A_146 = arith.constant 0 : i32
    %dma_start3A_147 = tpu.memref_slice %arg13[%dma_start3A_145, %dma_start3A_146] : memref<50x80xi32, #tpu.memory_space<vmem>> -> memref<25x80xi32, #tpu.memory_space<vmem>>
    %dma_start3A_148 = arith.constant 0 : i32
    %dma_start3A_149 = arith.constant 0 : i32
    %dma_start3A_150 = tpu.memref_slice %arg2[%arg1, %dma_start3A, %dma_start3A_148, %dma_start3A_149] : memref<16x10x25x80xi32, #tpu.memory_space<hbm>> -> memref<1x1x25x80xi32, #tpu.memory_space<hbm>>
    %dma_start3A_151 = tpu.memref_squeeze %dma_start3A_150 : memref<1x1x25x80xi32, #tpu.memory_space<hbm>> -> memref<25x80xi32, #tpu.memory_space<hbm>>
    tpu.enqueue_dma source(%dma_start3A_151 : memref<25x80xi32, #tpu.memory_space<hbm>>) target(%dma_start3A_147 : memref<25x80xi32, #tpu.memory_space<vmem>>) target_semaphore(%arg24 : memref<!tpu.dma_semaphore, #tpu.memory_space<semaphore_mem>>)
    %dma_start3A_152 = arith.constant 0 : i32
    %dma_start3A_153 = arith.constant 0 : i32
    %dma_start3A_154 = arith.constant 0 : i32
    %dma_start3A_155 = tpu.memref_slice %arg14[%dma_start3A_153, %dma_start3A_154] : memref<50x80xi32, #tpu.memory_space<vmem>> -> memref<25x80xi32, #tpu.memory_space<vmem>>
    %dma_start3A_156 = arith.constant 0 : i32
    %dma_start3A_157 = arith.constant 0 : i32
    %dma_start3A_158 = tpu.memref_slice %arg3[%arg1, %dma_start3A_152, %dma_start3A_156, %dma_start3A_157] : memref<16x10x25x80xi32, #tpu.memory_space<hbm>> -> memref<1x1x25x80xi32, #tpu.memory_space<hbm>>
    %dma_start3A_159 = tpu.memref_squeeze %dma_start3A_158 : memref<1x1x25x80xi32, #tpu.memory_space<hbm>> -> memref<25x80xi32, #tpu.memory_space<hbm>>
    %dma_start3A_160 = arith.constant 0 : i32
    %dma_start3A_161 = arith.constant 0 : i32
    %dma_start3A_162 = tpu.memref_slice %arg14[%dma_start3A_160, %dma_start3A_161] : memref<50x80xi32, #tpu.memory_space<vmem>> -> memref<25x80xi32, #tpu.memory_space<vmem>>
    %dma_start3A_163 = arith.constant 0 : i32
    %dma_start3A_164 = arith.constant 0 : i32
    %dma_start3A_165 = tpu.memref_slice %arg3[%arg1, %dma_start3A_152, %dma_start3A_163, %dma_start3A_164] : memref<16x10x25x80xi32, #tpu.memory_space<hbm>> -> memref<1x1x25x80xi32, #tpu.memory_space<hbm>>
    %dma_start3A_166 = tpu.memref_squeeze %dma_start3A_165 : memref<1x1x25x80xi32, #tpu.memory_space<hbm>> -> memref<25x80xi32, #tpu.memory_space<hbm>>
    tpu.enqueue_dma source(%dma_start3A_166 : memref<25x80xi32, #tpu.memory_space<hbm>>) target(%dma_start3A_162 : memref<25x80xi32, #tpu.memory_space<vmem>>) target_semaphore(%arg24 : memref<!tpu.dma_semaphore, #tpu.memory_space<semaphore_mem>>)
    %dma_start3A_167 = arith.constant 0 : i32
    %dma_start3A_168 = arith.constant 0 : i32
    %dma_start3A_169 = arith.constant 0 : i32
    %dma_start3A_170 = tpu.memref_slice %arg15[%dma_start3A_168, %dma_start3A_169] : memref<50x80xf32, #tpu.memory_space<vmem>> -> memref<25x80xf32, #tpu.memory_space<vmem>>
    %dma_start3A_171 = arith.constant 0 : i32
    %dma_start3A_172 = arith.constant 0 : i32
    %dma_start3A_173 = tpu.memref_slice %arg4[%arg1, %dma_start3A_167, %dma_start3A_171, %dma_start3A_172] : memref<16x10x25x80xf32, #tpu.memory_space<hbm>> -> memref<1x1x25x80xf32, #tpu.memory_space<hbm>>
    %dma_start3A_174 = tpu.memref_squeeze %dma_start3A_173 : memref<1x1x25x80xf32, #tpu.memory_space<hbm>> -> memref<25x80xf32, #tpu.memory_space<hbm>>
    %dma_start3A_175 = arith.constant 0 : i32
    %dma_start3A_176 = arith.constant 0 : i32
    %dma_start3A_177 = tpu.memref_slice %arg15[%dma_start3A_175, %dma_start3A_176] : memref<50x80xf32, #tpu.memory_space<vmem>> -> memref<25x80xf32, #tpu.memory_space<vmem>>
    %dma_start3A_178 = arith.constant 0 : i32
    %dma_start3A_179 = arith.constant 0 : i32
    %dma_start3A_180 = tpu.memref_slice %arg4[%arg1, %dma_start3A_167, %dma_start3A_178, %dma_start3A_179] : memref<16x10x25x80xf32, #tpu.memory_space<hbm>> -> memref<1x1x25x80xf32, #tpu.memory_space<hbm>>
    %dma_start3A_181 = tpu.memref_squeeze %dma_start3A_180 : memref<1x1x25x80xf32, #tpu.memory_space<hbm>> -> memref<25x80xf32, #tpu.memory_space<hbm>>
    tpu.enqueue_dma source(%dma_start3A_181 : memref<25x80xf32, #tpu.memory_space<hbm>>) target(%dma_start3A_177 : memref<25x80xf32, #tpu.memory_space<vmem>>) target_semaphore(%arg24 : memref<!tpu.dma_semaphore, #tpu.memory_space<semaphore_mem>>)
    %dma_wait3A = arith.constant 0 : i32
    %dma_wait3A_182 = arith.constant 0 : i32
    %dma_wait3A_183 = arith.constant 0 : i32
    %dma_wait3A_184 = tpu.memref_slice %arg13[%dma_wait3A_182, %dma_wait3A_183] : memref<50x80xi32, #tpu.memory_space<vmem>> -> memref<25x80xi32, #tpu.memory_space<vmem>>
    %dma_wait3A_185 = arith.constant 0 : i32
    %dma_wait3A_186 = arith.constant 0 : i32
    %dma_wait3A_187 = tpu.memref_slice %arg2[%arg1, %dma_wait3A, %dma_wait3A_185, %dma_wait3A_186] : memref<16x10x25x80xi32, #tpu.memory_space<hbm>> -> memref<1x1x25x80xi32, #tpu.memory_space<hbm>>
    %dma_wait3A_188 = tpu.memref_squeeze %dma_wait3A_187 : memref<1x1x25x80xi32, #tpu.memory_space<hbm>> -> memref<25x80xi32, #tpu.memory_space<hbm>>
    %dma_wait3A_189 = arith.constant 0 : i32
    %dma_wait3A_190 = arith.constant 0 : i32
    %dma_wait3A_191 = tpu.memref_slice %arg13[%dma_wait3A_189, %dma_wait3A_190] : memref<50x80xi32, #tpu.memory_space<vmem>> -> memref<25x80xi32, #tpu.memory_space<vmem>>
    %dma_wait3A_192 = arith.constant 0 : i32
    %dma_wait3A_193 = arith.constant 0 : i32
    %dma_wait3A_194 = tpu.memref_slice %arg2[%arg1, %dma_wait3A, %dma_wait3A_192, %dma_wait3A_193] : memref<16x10x25x80xi32, #tpu.memory_space<hbm>> -> memref<1x1x25x80xi32, #tpu.memory_space<hbm>>
    %dma_wait3A_195 = tpu.memref_squeeze %dma_wait3A_194 : memref<1x1x25x80xi32, #tpu.memory_space<hbm>> -> memref<25x80xi32, #tpu.memory_space<hbm>>
    tpu.wait_dma2 semaphore(%arg24 : memref<!tpu.dma_semaphore, #tpu.memory_space<semaphore_mem>>) src(%dma_wait3A_195 : memref<25x80xi32, #tpu.memory_space<hbm>>) dst(%dma_wait3A_191 : memref<25x80xi32, #tpu.memory_space<vmem>>)
    %dma_wait3A_196 = arith.constant 0 : i32
    %dma_wait3A_197 = arith.constant 0 : i32
    %dma_wait3A_198 = arith.constant 0 : i32
    %dma_wait3A_199 = tpu.memref_slice %arg14[%dma_wait3A_197, %dma_wait3A_198] : memref<50x80xi32, #tpu.memory_space<vmem>> -> memref<25x80xi32, #tpu.memory_space<vmem>>
    %dma_wait3A_200 = arith.constant 0 : i32
    %dma_wait3A_201 = arith.constant 0 : i32
    %dma_wait3A_202 = tpu.memref_slice %arg3[%arg1, %dma_wait3A_196, %dma_wait3A_200, %dma_wait3A_201] : memref<16x10x25x80xi32, #tpu.memory_space<hbm>> -> memref<1x1x25x80xi32, #tpu.memory_space<hbm>>
    %dma_wait3A_203 = tpu.memref_squeeze %dma_wait3A_202 : memref<1x1x25x80xi32, #tpu.memory_space<hbm>> -> memref<25x80xi32, #tpu.memory_space<hbm>>
    %dma_wait3A_204 = arith.constant 0 : i32
    %dma_wait3A_205 = arith.constant 0 : i32
    %dma_wait3A_206 = tpu.memref_slice %arg14[%dma_wait3A_204, %dma_wait3A_205] : memref<50x80xi32, #tpu.memory_space<vmem>> -> memref<25x80xi32, #tpu.memory_space<vmem>>
    %dma_wait3A_207 = arith.constant 0 : i32
    %dma_wait3A_208 = arith.constant 0 : i32
    %dma_wait3A_209 = tpu.memref_slice %arg3[%arg1, %dma_wait3A_196, %dma_wait3A_207, %dma_wait3A_208] : memref<16x10x25x80xi32, #tpu.memory_space<hbm>> -> memref<1x1x25x80xi32, #tpu.memory_space<hbm>>
    %dma_wait3A_210 = tpu.memref_squeeze %dma_wait3A_209 : memref<1x1x25x80xi32, #tpu.memory_space<hbm>> -> memref<25x80xi32, #tpu.memory_space<hbm>>
    tpu.wait_dma2 semaphore(%arg24 : memref<!tpu.dma_semaphore, #tpu.memory_space<semaphore_mem>>) src(%dma_wait3A_210 : memref<25x80xi32, #tpu.memory_space<hbm>>) dst(%dma_wait3A_206 : memref<25x80xi32, #tpu.memory_space<vmem>>)
    %dma_wait3A_211 = arith.constant 0 : i32
    %dma_wait3A_212 = arith.constant 0 : i32
    %dma_wait3A_213 = arith.constant 0 : i32
    %dma_wait3A_214 = tpu.memref_slice %arg15[%dma_wait3A_212, %dma_wait3A_213] : memref<50x80xf32, #tpu.memory_space<vmem>> -> memref<25x80xf32, #tpu.memory_space<vmem>>
    %dma_wait3A_215 = arith.constant 0 : i32
    %dma_wait3A_216 = arith.constant 0 : i32
    %dma_wait3A_217 = tpu.memref_slice %arg4[%arg1, %dma_wait3A_211, %dma_wait3A_215, %dma_wait3A_216] : memref<16x10x25x80xf32, #tpu.memory_space<hbm>> -> memref<1x1x25x80xf32, #tpu.memory_space<hbm>>
    %dma_wait3A_218 = tpu.memref_squeeze %dma_wait3A_217 : memref<1x1x25x80xf32, #tpu.memory_space<hbm>> -> memref<25x80xf32, #tpu.memory_space<hbm>>
    %dma_wait3A_219 = arith.constant 0 : i32
    %dma_wait3A_220 = arith.constant 0 : i32
    %dma_wait3A_221 = tpu.memref_slice %arg15[%dma_wait3A_219, %dma_wait3A_220] : memref<50x80xf32, #tpu.memory_space<vmem>> -> memref<25x80xf32, #tpu.memory_space<vmem>>
    %dma_wait3A_222 = arith.constant 0 : i32
    %dma_wait3A_223 = arith.constant 0 : i32
    %dma_wait3A_224 = tpu.memref_slice %arg4[%arg1, %dma_wait3A_211, %dma_wait3A_222, %dma_wait3A_223] : memref<16x10x25x80xf32, #tpu.memory_space<hbm>> -> memref<1x1x25x80xf32, #tpu.memory_space<hbm>>
    %dma_wait3A_225 = tpu.memref_squeeze %dma_wait3A_224 : memref<1x1x25x80xf32, #tpu.memory_space<hbm>> -> memref<25x80xf32, #tpu.memory_space<hbm>>
    tpu.wait_dma2 semaphore(%arg24 : memref<!tpu.dma_semaphore, #tpu.memory_space<semaphore_mem>>) src(%dma_wait3A_225 : memref<25x80xf32, #tpu.memory_space<hbm>>) dst(%dma_wait3A_221 : memref<25x80xf32, #tpu.memory_space<vmem>>)
    %eq3A = arith.constant 0 : i32
    %eq3A_226 = arith.cmpi eq, %arg0, %eq3A : i32
    %convert_element_type3A = arith.extui %eq3A_226 : i1 to i32
    %cond3A = arith.constant 0 : i32
    %cond3A_227 = arith.constant 0 : i32
    %cond3A_228 = arith.cmpi ne, %convert_element_type3A, %cond3A_227 : i32
    scf.if %cond3A_228 {
      %dma_start3A_303 = arith.constant 0 : i32
      %dma_start3A_304 = arith.constant 0 : i32
      %dma_start3A_305 = tpu.memref_slice %arg16[%dma_start3A_303, %dma_start3A_304] : memref<320x64xf32, #tpu.memory_space<vmem>> -> memref<80x64xf32, #tpu.memory_space<vmem>>
      %dma_start3A_306 = arith.constant 0 : i32
      %dma_start3A_307 = tpu.memref_slice %arg14[%cond3A, %dma_start3A_306] : memref<50x80xi32, #tpu.memory_space<vmem>> -> memref<1x80xi32, #tpu.memory_space<vmem>>
      %dma_start3A_308 = tpu.memref_squeeze %dma_start3A_307 : memref<1x80xi32, #tpu.memory_space<vmem>> -> memref<80xi32, #tpu.memory_space<vmem>>
      %dma_start3A_309 = arith.constant 0 : i32
      %dma_start3A_310 = arith.constant 0 : i32
      %dma_start3A_311 = tpu.memref_slice %arg7[%dma_start3A_309, %dma_start3A_310] : memref<10000x64xf32, #tpu.memory_space<hbm>> -> memref<10000x64xf32, #tpu.memory_space<hbm>>
      tpu.enqueue_indirect_dma source(%dma_start3A_311 : memref<10000x64xf32, #tpu.memory_space<hbm>>) target(%dma_start3A_305 : memref<80x64xf32, #tpu.memory_space<vmem>>) offsets(%dma_start3A_308 : memref<80xi32, #tpu.memory_space<vmem>>) semaphore(%arg22 : memref<!tpu.dma_semaphore, #tpu.memory_space<semaphore_mem>>)
    } else {
    }
    %eq3A_229 = arith.constant 1 : i32
    %eq3A_230 = arith.cmpi eq, %arg0, %eq3A_229 : i32
    %convert_element_type3A_231 = arith.extui %eq3A_230 : i1 to i32
    %cond3A_232 = arith.constant 0 : i32
    %cond3A_233 = arith.constant 0 : i32
    %cond3A_234 = arith.cmpi ne, %convert_element_type3A_231, %cond3A_233 : i32
    scf.if %cond3A_234 {
      %dma_start3A_303 = arith.constant 0 : i32
      %dma_start3A_304 = arith.constant 0 : i32
      %dma_start3A_305 = tpu.memref_slice %arg16[%dma_start3A_303, %dma_start3A_304] : memref<320x64xf32, #tpu.memory_space<vmem>> -> memref<80x64xf32, #tpu.memory_space<vmem>>
      %dma_start3A_306 = arith.constant 0 : i32
      %dma_start3A_307 = tpu.memref_slice %arg14[%cond3A_232, %dma_start3A_306] : memref<50x80xi32, #tpu.memory_space<vmem>> -> memref<1x80xi32, #tpu.memory_space<vmem>>
      %dma_start3A_308 = tpu.memref_squeeze %dma_start3A_307 : memref<1x80xi32, #tpu.memory_space<vmem>> -> memref<80xi32, #tpu.memory_space<vmem>>
      %dma_start3A_309 = arith.constant 0 : i32
      %dma_start3A_310 = arith.constant 0 : i32
      %dma_start3A_311 = tpu.memref_slice %arg8[%dma_start3A_309, %dma_start3A_310] : memref<10000x64xf32, #tpu.memory_space<hbm>> -> memref<10000x64xf32, #tpu.memory_space<hbm>>
      tpu.enqueue_indirect_dma source(%dma_start3A_311 : memref<10000x64xf32, #tpu.memory_space<hbm>>) target(%dma_start3A_305 : memref<80x64xf32, #tpu.memory_space<vmem>>) offsets(%dma_start3A_308 : memref<80xi32, #tpu.memory_space<vmem>>) semaphore(%arg22 : memref<!tpu.dma_semaphore, #tpu.memory_space<semaphore_mem>>)
    } else {
    }
    %eq3A_235 = arith.constant 0 : i32
    %eq3A_236 = arith.cmpi eq, %arg0, %eq3A_235 : i32
    %convert_element_type3A_237 = arith.extui %eq3A_236 : i1 to i32
    %cond3A_238 = arith.constant 1 : i32
    %cond3A_239 = arith.constant 0 : i32
    %cond3A_240 = arith.cmpi ne, %convert_element_type3A_237, %cond3A_239 : i32
    scf.if %cond3A_240 {
      %dma_start3A_303 = arith.constant 80 : i32
      %dma_start3A_304 = arith.constant 0 : i32
      %dma_start3A_305 = tpu.memref_slice %arg16[%dma_start3A_303, %dma_start3A_304] : memref<320x64xf32, #tpu.memory_space<vmem>> -> memref<80x64xf32, #tpu.memory_space<vmem>>
      %dma_start3A_306 = arith.constant 0 : i32
      %dma_start3A_307 = tpu.memref_slice %arg14[%cond3A_238, %dma_start3A_306] : memref<50x80xi32, #tpu.memory_space<vmem>> -> memref<1x80xi32, #tpu.memory_space<vmem>>
      %dma_start3A_308 = tpu.memref_squeeze %dma_start3A_307 : memref<1x80xi32, #tpu.memory_space<vmem>> -> memref<80xi32, #tpu.memory_space<vmem>>
      %dma_start3A_309 = arith.constant 0 : i32
      %dma_start3A_310 = arith.constant 0 : i32
      %dma_start3A_311 = tpu.memref_slice %arg7[%dma_start3A_309, %dma_start3A_310] : memref<10000x64xf32, #tpu.memory_space<hbm>> -> memref<10000x64xf32, #tpu.memory_space<hbm>>
      tpu.enqueue_indirect_dma source(%dma_start3A_311 : memref<10000x64xf32, #tpu.memory_space<hbm>>) target(%dma_start3A_305 : memref<80x64xf32, #tpu.memory_space<vmem>>) offsets(%dma_start3A_308 : memref<80xi32, #tpu.memory_space<vmem>>) semaphore(%arg22 : memref<!tpu.dma_semaphore, #tpu.memory_space<semaphore_mem>>)
    } else {
    }
    %eq3A_241 = arith.constant 1 : i32
    %eq3A_242 = arith.cmpi eq, %arg0, %eq3A_241 : i32
    %convert_element_type3A_243 = arith.extui %eq3A_242 : i1 to i32
    %cond3A_244 = arith.constant 1 : i32
    %cond3A_245 = arith.constant 0 : i32
    %cond3A_246 = arith.cmpi ne, %convert_element_type3A_243, %cond3A_245 : i32
    scf.if %cond3A_246 {
      %dma_start3A_303 = arith.constant 80 : i32
      %dma_start3A_304 = arith.constant 0 : i32
      %dma_start3A_305 = tpu.memref_slice %arg16[%dma_start3A_303, %dma_start3A_304] : memref<320x64xf32, #tpu.memory_space<vmem>> -> memref<80x64xf32, #tpu.memory_space<vmem>>
      %dma_start3A_306 = arith.constant 0 : i32
      %dma_start3A_307 = tpu.memref_slice %arg14[%cond3A_244, %dma_start3A_306] : memref<50x80xi32, #tpu.memory_space<vmem>> -> memref<1x80xi32, #tpu.memory_space<vmem>>
      %dma_start3A_308 = tpu.memref_squeeze %dma_start3A_307 : memref<1x80xi32, #tpu.memory_space<vmem>> -> memref<80xi32, #tpu.memory_space<vmem>>
      %dma_start3A_309 = arith.constant 0 : i32
      %dma_start3A_310 = arith.constant 0 : i32
      %dma_start3A_311 = tpu.memref_slice %arg8[%dma_start3A_309, %dma_start3A_310] : memref<10000x64xf32, #tpu.memory_space<hbm>> -> memref<10000x64xf32, #tpu.memory_space<hbm>>
      tpu.enqueue_indirect_dma source(%dma_start3A_311 : memref<10000x64xf32, #tpu.memory_space<hbm>>) target(%dma_start3A_305 : memref<80x64xf32, #tpu.memory_space<vmem>>) offsets(%dma_start3A_308 : memref<80xi32, #tpu.memory_space<vmem>>) semaphore(%arg22 : memref<!tpu.dma_semaphore, #tpu.memory_space<semaphore_mem>>)
    } else {
    }
    %scan3A_247 = arith.constant 0 : i32
    %scan3A_248 = arith.constant 0 : i32
    %scan3A_249 = arith.constant 10 : i32
    %scan3A_250 = arith.addi %scan3A_248, %scan3A_249 : i32
    %scan3A_251 = arith.constant 1 : i32
    %scan3A_252 = scf.for %scan3A_303 = %scan3A_248 to %scan3A_250 step %scan3A_251 iter_args(%scan3A_304 = %scan3A_247) -> (i32)  : i32 {
      %rem3A = arith.constant 2 : i32
      %rem3A_305 = arith.remsi %scan3A_303, %rem3A : i32
      %scan3A_306 = arith.constant 0 : i32
      %scan3A_307 = arith.constant 0 : i32
      %scan3A_308 = arith.constant 25 : i32
      %scan3A_309 = arith.addi %scan3A_307, %scan3A_308 : i32
      %scan3A_310 = arith.constant 1 : i32
      %scan3A_311 = scf.for %scan3A_314 = %scan3A_307 to %scan3A_309 step %scan3A_310 iter_args(%scan3A_315 = %scan3A_306) -> (i32)  : i32 {
        %mul3A_316 = arith.constant 25 : i32
        %mul3A_317 = arith.muli %scan3A_303, %mul3A_316 : i32
        %add3A_318 = arith.addi %mul3A_317, %scan3A_314 : i32
        %rem3A_319 = arith.constant 4 : i32
        %rem3A_320 = arith.remsi %add3A_318, %rem3A_319 : i32
        %gt3A = arith.constant 1 : i32
        %gt3A_321 = arith.cmpi sgt, %add3A_318, %gt3A : i32
        %convert_element_type3A_322 = arith.extui %gt3A_321 : i1 to i32
        %cond3A_323 = arith.constant 0 : i32
        %cond3A_324 = arith.cmpi ne, %convert_element_type3A_322, %cond3A_323 : i32
        scf.if %cond3A_324 {
          %add3A_493 = arith.constant 2 : i32
          %add3A_494 = arith.addi %add3A_318, %add3A_493 : i32
          %rem3A_495 = arith.constant 4 : i32
          %rem3A_496 = arith.remsi %add3A_494, %rem3A_495 : i32
          %mul3A_497 = arith.constant 80 : i32
          %mul3A_498 = arith.muli %rem3A_496, %mul3A_497 : i32
          %dma_wait3A_499 = arith.constant 0 : i32
          %dma_wait3A_500 = arith.constant 0 : i32
          %dma_wait3A_501 = tpu.memref_slice %arg16[%mul3A_498, %dma_wait3A_500] : memref<320x64xf32, #tpu.memory_space<vmem>> -> memref<80x64xf32, #tpu.memory_space<vmem>>
          %dma_wait3A_502 = arith.constant 0 : i32
          %dma_wait3A_503 = tpu.memref_slice %arg13[%dma_wait3A_499, %dma_wait3A_502] : memref<50x80xi32, #tpu.memory_space<vmem>> -> memref<1x80xi32, #tpu.memory_space<vmem>>
          %dma_wait3A_504 = tpu.memref_squeeze %dma_wait3A_503 : memref<1x80xi32, #tpu.memory_space<vmem>> -> memref<80xi32, #tpu.memory_space<vmem>>
          %dma_wait3A_505 = arith.constant 0 : i32
          %dma_wait3A_506 = arith.constant 0 : i32
          %dma_wait3A_507 = tpu.memref_slice %arg20[%dma_wait3A_505, %dma_wait3A_506] : memref<10240x64xf32, #tpu.memory_space<vmem_shared>> -> memref<10240x64xf32, #tpu.memory_space<vmem_shared>>
          tpu.wait_indirect_dma semaphore(%arg23 : memref<!tpu.dma_semaphore, #tpu.memory_space<semaphore_mem>>) src(%dma_wait3A_501 : memref<80x64xf32, #tpu.memory_space<vmem>>) dst(%dma_wait3A_507 : memref<10240x64xf32, #tpu.memory_space<vmem_shared>>)
          %mul3A_508 = arith.constant 80 : i32
          %mul3A_509 = arith.muli %rem3A_496, %mul3A_508 : i32
          %dma_wait3A_510 = arith.constant 0 : i32
          %dma_wait3A_511 = arith.constant 0 : i32
          %dma_wait3A_512 = tpu.memref_slice %arg17[%mul3A_509, %dma_wait3A_511] : memref<320x16xf32, #tpu.memory_space<vmem>> -> memref<80x16xf32, #tpu.memory_space<vmem>>
          %dma_wait3A_513 = arith.constant 0 : i32
          %dma_wait3A_514 = tpu.memref_slice %arg13[%dma_wait3A_510, %dma_wait3A_513] : memref<50x80xi32, #tpu.memory_space<vmem>> -> memref<1x80xi32, #tpu.memory_space<vmem>>
          %dma_wait3A_515 = tpu.memref_squeeze %dma_wait3A_514 : memref<1x80xi32, #tpu.memory_space<vmem>> -> memref<80xi32, #tpu.memory_space<vmem>>
          %dma_wait3A_516 = arith.constant 0 : i32
          %dma_wait3A_517 = arith.constant 0 : i32
          %dma_wait3A_518 = tpu.memref_slice %arg21[%dma_wait3A_516, %dma_wait3A_517] : memref<10240x16xf32, #tpu.memory_space<vmem_shared>> -> memref<10240x16xf32, #tpu.memory_space<vmem_shared>>
          tpu.wait_indirect_dma semaphore(%arg23 : memref<!tpu.dma_semaphore, #tpu.memory_space<semaphore_mem>>) src(%dma_wait3A_512 : memref<80x16xf32, #tpu.memory_space<vmem>>) dst(%dma_wait3A_518 : memref<10240x16xf32, #tpu.memory_space<vmem_shared>>)
        } else {
        }
        %mul3A_325 = arith.constant 80 : i32
        %mul3A_326 = arith.muli %rem3A_320, %mul3A_325 : i32
        %dma_wait3A_327 = arith.constant 0 : i32
        %dma_wait3A_328 = arith.constant 0 : i32
        %dma_wait3A_329 = tpu.memref_slice %arg16[%mul3A_326, %dma_wait3A_328] : memref<320x64xf32, #tpu.memory_space<vmem>> -> memref<80x64xf32, #tpu.memory_space<vmem>>
        %dma_wait3A_330 = arith.constant 0 : i32
        %dma_wait3A_331 = tpu.memref_slice %arg14[%dma_wait3A_327, %dma_wait3A_330] : memref<50x80xi32, #tpu.memory_space<vmem>> -> memref<1x80xi32, #tpu.memory_space<vmem>>
        %dma_wait3A_332 = tpu.memref_squeeze %dma_wait3A_331 : memref<1x80xi32, #tpu.memory_space<vmem>> -> memref<80xi32, #tpu.memory_space<vmem>>
        %dma_wait3A_333 = arith.constant 0 : i32
        %dma_wait3A_334 = arith.constant 0 : i32
        %dma_wait3A_335 = tpu.memref_slice %arg7[%dma_wait3A_333, %dma_wait3A_334] : memref<10000x64xf32, #tpu.memory_space<hbm>> -> memref<10000x64xf32, #tpu.memory_space<hbm>>
        tpu.wait_indirect_dma semaphore(%arg22 : memref<!tpu.dma_semaphore, #tpu.memory_space<semaphore_mem>>) src(%dma_wait3A_335 : memref<10000x64xf32, #tpu.memory_space<hbm>>) dst(%dma_wait3A_329 : memref<80x64xf32, #tpu.memory_space<vmem>>)
        %eq3A_336 = arith.constant 22 : i32
        %eq3A_337 = arith.cmpi eq, %scan3A_314, %eq3A_336 : i32
        %lt3A = arith.constant 9 : i32
        %lt3A_338 = arith.cmpi slt, %scan3A_303, %lt3A : i32
        %and3A = arith.andi %eq3A_337, %lt3A_338 : i1
        %convert_element_type3A_339 = arith.extui %and3A : i1 to i32
        %cond3A_340 = arith.constant 0 : i32
        %cond3A_341 = arith.cmpi ne, %convert_element_type3A_339, %cond3A_340 : i32
        scf.if %cond3A_341 {
          %sub3A_493 = arith.constant 1 : i32
          %sub3A_494 = arith.subi %sub3A_493, %rem3A_305 : i32
          %mul3A_495 = arith.constant 25 : i32
          %mul3A_496 = arith.muli %sub3A_494, %mul3A_495 : i32
          %dma_wait3A_497 = arith.constant 0 : i32
          %dma_wait3A_498 = arith.constant 0 : i32
          %dma_wait3A_499 = tpu.memref_slice %arg13[%mul3A_496, %dma_wait3A_498] : memref<50x80xi32, #tpu.memory_space<vmem>> -> memref<25x80xi32, #tpu.memory_space<vmem>>
          %dma_wait3A_500 = arith.constant 0 : i32
          %dma_wait3A_501 = arith.constant 0 : i32
          %dma_wait3A_502 = tpu.memref_slice %arg2[%arg1, %dma_wait3A_497, %dma_wait3A_500, %dma_wait3A_501] : memref<16x10x25x80xi32, #tpu.memory_space<hbm>> -> memref<1x1x25x80xi32, #tpu.memory_space<hbm>>
          %dma_wait3A_503 = tpu.memref_squeeze %dma_wait3A_502 : memref<1x1x25x80xi32, #tpu.memory_space<hbm>> -> memref<25x80xi32, #tpu.memory_space<hbm>>
          %dma_wait3A_504 = arith.constant 0 : i32
          %dma_wait3A_505 = tpu.memref_slice %arg13[%mul3A_496, %dma_wait3A_504] : memref<50x80xi32, #tpu.memory_space<vmem>> -> memref<25x80xi32, #tpu.memory_space<vmem>>
          %dma_wait3A_506 = arith.constant 0 : i32
          %dma_wait3A_507 = arith.constant 0 : i32
          %dma_wait3A_508 = tpu.memref_slice %arg2[%arg1, %dma_wait3A_497, %dma_wait3A_506, %dma_wait3A_507] : memref<16x10x25x80xi32, #tpu.memory_space<hbm>> -> memref<1x1x25x80xi32, #tpu.memory_space<hbm>>
          %dma_wait3A_509 = tpu.memref_squeeze %dma_wait3A_508 : memref<1x1x25x80xi32, #tpu.memory_space<hbm>> -> memref<25x80xi32, #tpu.memory_space<hbm>>
          tpu.wait_dma2 semaphore(%arg24 : memref<!tpu.dma_semaphore, #tpu.memory_space<semaphore_mem>>) src(%dma_wait3A_509 : memref<25x80xi32, #tpu.memory_space<hbm>>) dst(%dma_wait3A_505 : memref<25x80xi32, #tpu.memory_space<vmem>>)
          %dma_wait3A_510 = arith.constant 0 : i32
          %dma_wait3A_511 = arith.constant 0 : i32
          %dma_wait3A_512 = tpu.memref_slice %arg14[%mul3A_496, %dma_wait3A_511] : memref<50x80xi32, #tpu.memory_space<vmem>> -> memref<25x80xi32, #tpu.memory_space<vmem>>
          %dma_wait3A_513 = arith.constant 0 : i32
          %dma_wait3A_514 = arith.constant 0 : i32
          %dma_wait3A_515 = tpu.memref_slice %arg3[%arg1, %dma_wait3A_510, %dma_wait3A_513, %dma_wait3A_514] : memref<16x10x25x80xi32, #tpu.memory_space<hbm>> -> memref<1x1x25x80xi32, #tpu.memory_space<hbm>>
          %dma_wait3A_516 = tpu.memref_squeeze %dma_wait3A_515 : memref<1x1x25x80xi32, #tpu.memory_space<hbm>> -> memref<25x80xi32, #tpu.memory_space<hbm>>
          %dma_wait3A_517 = arith.constant 0 : i32
          %dma_wait3A_518 = tpu.memref_slice %arg14[%mul3A_496, %dma_wait3A_517] : memref<50x80xi32, #tpu.memory_space<vmem>> -> memref<25x80xi32, #tpu.memory_space<vmem>>
          %dma_wait3A_519 = arith.constant 0 : i32
          %dma_wait3A_520 = arith.constant 0 : i32
          %dma_wait3A_521 = tpu.memref_slice %arg3[%arg1, %dma_wait3A_510, %dma_wait3A_519, %dma_wait3A_520] : memref<16x10x25x80xi32, #tpu.memory_space<hbm>> -> memref<1x1x25x80xi32, #tpu.memory_space<hbm>>
          %dma_wait3A_522 = tpu.memref_squeeze %dma_wait3A_521 : memref<1x1x25x80xi32, #tpu.memory_space<hbm>> -> memref<25x80xi32, #tpu.memory_space<hbm>>
          tpu.wait_dma2 semaphore(%arg24 : memref<!tpu.dma_semaphore, #tpu.memory_space<semaphore_mem>>) src(%dma_wait3A_522 : memref<25x80xi32, #tpu.memory_space<hbm>>) dst(%dma_wait3A_518 : memref<25x80xi32, #tpu.memory_space<vmem>>)
          %dma_wait3A_523 = arith.constant 0 : i32
          %dma_wait3A_524 = arith.constant 0 : i32
          %dma_wait3A_525 = tpu.memref_slice %arg15[%mul3A_496, %dma_wait3A_524] : memref<50x80xf32, #tpu.memory_space<vmem>> -> memref<25x80xf32, #tpu.memory_space<vmem>>
          %dma_wait3A_526 = arith.constant 0 : i32
          %dma_wait3A_527 = arith.constant 0 : i32
          %dma_wait3A_528 = tpu.memref_slice %arg4[%arg1, %dma_wait3A_523, %dma_wait3A_526, %dma_wait3A_527] : memref<16x10x25x80xf32, #tpu.memory_space<hbm>> -> memref<1x1x25x80xf32, #tpu.memory_space<hbm>>
          %dma_wait3A_529 = tpu.memref_squeeze %dma_wait3A_528 : memref<1x1x25x80xf32, #tpu.memory_space<hbm>> -> memref<25x80xf32, #tpu.memory_space<hbm>>
          %dma_wait3A_530 = arith.constant 0 : i32
          %dma_wait3A_531 = tpu.memref_slice %arg15[%mul3A_496, %dma_wait3A_530] : memref<50x80xf32, #tpu.memory_space<vmem>> -> memref<25x80xf32, #tpu.memory_space<vmem>>
          %dma_wait3A_532 = arith.constant 0 : i32
          %dma_wait3A_533 = arith.constant 0 : i32
          %dma_wait3A_534 = tpu.memref_slice %arg4[%arg1, %dma_wait3A_523, %dma_wait3A_532, %dma_wait3A_533] : memref<16x10x25x80xf32, #tpu.memory_space<hbm>> -> memref<1x1x25x80xf32, #tpu.memory_space<hbm>>
          %dma_wait3A_535 = tpu.memref_squeeze %dma_wait3A_534 : memref<1x1x25x80xf32, #tpu.memory_space<hbm>> -> memref<25x80xf32, #tpu.memory_space<hbm>>
          tpu.wait_dma2 semaphore(%arg24 : memref<!tpu.dma_semaphore, #tpu.memory_space<semaphore_mem>>) src(%dma_wait3A_535 : memref<25x80xf32, #tpu.memory_space<hbm>>) dst(%dma_wait3A_531 : memref<25x80xf32, #tpu.memory_space<vmem>>)
        } else {
        }
        %add3A_342 = arith.constant 2 : i32
        %add3A_343 = arith.addi %add3A_318, %add3A_342 : i32
        %rem3A_344 = arith.constant 4 : i32
        %rem3A_345 = arith.remsi %add3A_343, %rem3A_344 : i32
        %lt3A_346 = arith.constant 23 : i32
        %lt3A_347 = arith.cmpi slt, %scan3A_314, %lt3A_346 : i32
        %convert_element_type3A_348 = arith.extui %lt3A_347 : i1 to i32
        %cond3A_349 = arith.constant 0 : i32
        %cond3A_350 = arith.cmpi ne, %convert_element_type3A_348, %cond3A_349 : i32
        scf.if %cond3A_350 {
          %add3A_493 = arith.constant 2 : i32
          %add3A_494 = arith.addi %scan3A_314, %add3A_493 : i32
          %mul3A_495 = arith.constant 25 : i32
          %mul3A_496 = arith.muli %rem3A_305, %mul3A_495 : i32
          %add3A_497 = arith.addi %mul3A_496, %add3A_494 : i32
          %mul3A_498 = arith.constant 80 : i32
          %mul3A_499 = arith.muli %rem3A_345, %mul3A_498 : i32
          %eq3A_500 = arith.constant 0 : i32
          %eq3A_501 = arith.cmpi eq, %arg0, %eq3A_500 : i32
          %convert_element_type3A_502 = arith.extui %eq3A_501 : i1 to i32
          %cond3A_503 = arith.constant 0 : i32
          %cond3A_504 = arith.cmpi ne, %convert_element_type3A_502, %cond3A_503 : i32
          scf.if %cond3A_504 {
            %dma_start3A_510 = arith.constant 0 : i32
            %dma_start3A_511 = tpu.memref_slice %arg16[%mul3A_499, %dma_start3A_510] : memref<320x64xf32, #tpu.memory_space<vmem>> -> memref<80x64xf32, #tpu.memory_space<vmem>>
            %dma_start3A_512 = arith.constant 0 : i32
            %dma_start3A_513 = tpu.memref_slice %arg14[%add3A_497, %dma_start3A_512] : memref<50x80xi32, #tpu.memory_space<vmem>> -> memref<1x80xi32, #tpu.memory_space<vmem>>
            %dma_start3A_514 = tpu.memref_squeeze %dma_start3A_513 : memref<1x80xi32, #tpu.memory_space<vmem>> -> memref<80xi32, #tpu.memory_space<vmem>>
            %dma_start3A_515 = arith.constant 0 : i32
            %dma_start3A_516 = arith.constant 0 : i32
            %dma_start3A_517 = tpu.memref_slice %arg7[%dma_start3A_515, %dma_start3A_516] : memref<10000x64xf32, #tpu.memory_space<hbm>> -> memref<10000x64xf32, #tpu.memory_space<hbm>>
            tpu.enqueue_indirect_dma source(%dma_start3A_517 : memref<10000x64xf32, #tpu.memory_space<hbm>>) target(%dma_start3A_511 : memref<80x64xf32, #tpu.memory_space<vmem>>) offsets(%dma_start3A_514 : memref<80xi32, #tpu.memory_space<vmem>>) semaphore(%arg22 : memref<!tpu.dma_semaphore, #tpu.memory_space<semaphore_mem>>)
          } else {
          }
          %eq3A_505 = arith.constant 1 : i32
          %eq3A_506 = arith.cmpi eq, %arg0, %eq3A_505 : i32
          %convert_element_type3A_507 = arith.extui %eq3A_506 : i1 to i32
          %cond3A_508 = arith.constant 0 : i32
          %cond3A_509 = arith.cmpi ne, %convert_element_type3A_507, %cond3A_508 : i32
          scf.if %cond3A_509 {
            %dma_start3A_510 = arith.constant 0 : i32
            %dma_start3A_511 = tpu.memref_slice %arg16[%mul3A_499, %dma_start3A_510] : memref<320x64xf32, #tpu.memory_space<vmem>> -> memref<80x64xf32, #tpu.memory_space<vmem>>
            %dma_start3A_512 = arith.constant 0 : i32
            %dma_start3A_513 = tpu.memref_slice %arg14[%add3A_497, %dma_start3A_512] : memref<50x80xi32, #tpu.memory_space<vmem>> -> memref<1x80xi32, #tpu.memory_space<vmem>>
            %dma_start3A_514 = tpu.memref_squeeze %dma_start3A_513 : memref<1x80xi32, #tpu.memory_space<vmem>> -> memref<80xi32, #tpu.memory_space<vmem>>
            %dma_start3A_515 = arith.constant 0 : i32
            %dma_start3A_516 = arith.constant 0 : i32
            %dma_start3A_517 = tpu.memref_slice %arg8[%dma_start3A_515, %dma_start3A_516] : memref<10000x64xf32, #tpu.memory_space<hbm>> -> memref<10000x64xf32, #tpu.memory_space<hbm>>
            tpu.enqueue_indirect_dma source(%dma_start3A_517 : memref<10000x64xf32, #tpu.memory_space<hbm>>) target(%dma_start3A_511 : memref<80x64xf32, #tpu.memory_space<vmem>>) offsets(%dma_start3A_514 : memref<80xi32, #tpu.memory_space<vmem>>) semaphore(%arg22 : memref<!tpu.dma_semaphore, #tpu.memory_space<semaphore_mem>>)
          } else {
          }
        } else {
        }
        %ge3A = arith.constant 23 : i32
        %ge3A_351 = arith.cmpi sge, %scan3A_314, %ge3A : i32
        %lt3A_352 = arith.constant 9 : i32
        %lt3A_353 = arith.cmpi slt, %scan3A_303, %lt3A_352 : i32
        %and3A_354 = arith.andi %ge3A_351, %lt3A_353 : i1
        %convert_element_type3A_355 = arith.extui %and3A_354 : i1 to i32
        %cond3A_356 = arith.constant 0 : i32
        %cond3A_357 = arith.cmpi ne, %convert_element_type3A_355, %cond3A_356 : i32
        scf.if %cond3A_357 {
          %sub3A_493 = arith.constant 1 : i32
          %sub3A_494 = arith.subi %sub3A_493, %rem3A_305 : i32
          %add3A_495 = arith.constant 2 : i32
          %add3A_496 = arith.addi %scan3A_314, %add3A_495 : i32
          %sub3A_497 = arith.constant 25 : i32
          %sub3A_498 = arith.subi %add3A_496, %sub3A_497 : i32
          %mul3A_499 = arith.constant 25 : i32
          %mul3A_500 = arith.muli %sub3A_494, %mul3A_499 : i32
          %add3A_501 = arith.addi %mul3A_500, %sub3A_498 : i32
          %mul3A_502 = arith.constant 80 : i32
          %mul3A_503 = arith.muli %rem3A_345, %mul3A_502 : i32
          %eq3A_504 = arith.constant 0 : i32
          %eq3A_505 = arith.cmpi eq, %arg0, %eq3A_504 : i32
          %convert_element_type3A_506 = arith.extui %eq3A_505 : i1 to i32
          %cond3A_507 = arith.constant 0 : i32
          %cond3A_508 = arith.cmpi ne, %convert_element_type3A_506, %cond3A_507 : i32
          scf.if %cond3A_508 {
            %dma_start3A_514 = arith.constant 0 : i32
            %dma_start3A_515 = tpu.memref_slice %arg16[%mul3A_503, %dma_start3A_514] : memref<320x64xf32, #tpu.memory_space<vmem>> -> memref<80x64xf32, #tpu.memory_space<vmem>>
            %dma_start3A_516 = arith.constant 0 : i32
            %dma_start3A_517 = tpu.memref_slice %arg14[%add3A_501, %dma_start3A_516] : memref<50x80xi32, #tpu.memory_space<vmem>> -> memref<1x80xi32, #tpu.memory_space<vmem>>
            %dma_start3A_518 = tpu.memref_squeeze %dma_start3A_517 : memref<1x80xi32, #tpu.memory_space<vmem>> -> memref<80xi32, #tpu.memory_space<vmem>>
            %dma_start3A_519 = arith.constant 0 : i32
            %dma_start3A_520 = arith.constant 0 : i32
            %dma_start3A_521 = tpu.memref_slice %arg7[%dma_start3A_519, %dma_start3A_520] : memref<10000x64xf32, #tpu.memory_space<hbm>> -> memref<10000x64xf32, #tpu.memory_space<hbm>>
            tpu.enqueue_indirect_dma source(%dma_start3A_521 : memref<10000x64xf32, #tpu.memory_space<hbm>>) target(%dma_start3A_515 : memref<80x64xf32, #tpu.memory_space<vmem>>) offsets(%dma_start3A_518 : memref<80xi32, #tpu.memory_space<vmem>>) semaphore(%arg22 : memref<!tpu.dma_semaphore, #tpu.memory_space<semaphore_mem>>)
          } else {
          }
          %eq3A_509 = arith.constant 1 : i32
          %eq3A_510 = arith.cmpi eq, %arg0, %eq3A_509 : i32
          %convert_element_type3A_511 = arith.extui %eq3A_510 : i1 to i32
          %cond3A_512 = arith.constant 0 : i32
          %cond3A_513 = arith.cmpi ne, %convert_element_type3A_511, %cond3A_512 : i32
          scf.if %cond3A_513 {
            %dma_start3A_514 = arith.constant 0 : i32
            %dma_start3A_515 = tpu.memref_slice %arg16[%mul3A_503, %dma_start3A_514] : memref<320x64xf32, #tpu.memory_space<vmem>> -> memref<80x64xf32, #tpu.memory_space<vmem>>
            %dma_start3A_516 = arith.constant 0 : i32
            %dma_start3A_517 = tpu.memref_slice %arg14[%add3A_501, %dma_start3A_516] : memref<50x80xi32, #tpu.memory_space<vmem>> -> memref<1x80xi32, #tpu.memory_space<vmem>>
            %dma_start3A_518 = tpu.memref_squeeze %dma_start3A_517 : memref<1x80xi32, #tpu.memory_space<vmem>> -> memref<80xi32, #tpu.memory_space<vmem>>
            %dma_start3A_519 = arith.constant 0 : i32
            %dma_start3A_520 = arith.constant 0 : i32
            %dma_start3A_521 = tpu.memref_slice %arg8[%dma_start3A_519, %dma_start3A_520] : memref<10000x64xf32, #tpu.memory_space<hbm>> -> memref<10000x64xf32, #tpu.memory_space<hbm>>
            tpu.enqueue_indirect_dma source(%dma_start3A_521 : memref<10000x64xf32, #tpu.memory_space<hbm>>) target(%dma_start3A_515 : memref<80x64xf32, #tpu.memory_space<vmem>>) offsets(%dma_start3A_518 : memref<80xi32, #tpu.memory_space<vmem>>) semaphore(%arg22 : memref<!tpu.dma_semaphore, #tpu.memory_space<semaphore_mem>>)
          } else {
          }
        } else {
        }
        %mul3A_358 = arith.constant 25 : i32
        %mul3A_359 = arith.muli %rem3A_305, %mul3A_358 : i32
        %add3A_360 = arith.addi %mul3A_359, %scan3A_314 : i32
        %get3A = arith.index_cast %add3A_360 : i32 to index
        %get3A_361 = arith.constant 0 : index
        %get3A_362 = tpu.vector_load %arg13[%get3A, %get3A_361] {strides = array<i32>} : memref<50x80xi32, #tpu.memory_space<vmem>>, vector<16xi32>,
        %get3A_363 = arith.index_cast %add3A_360 : i32 to index
        %get3A_364 = arith.constant 0 : index
        %get3A_365 = tpu.vector_load %arg14[%get3A_363, %get3A_364] {strides = array<i32>} : memref<50x80xi32, #tpu.memory_space<vmem>>, vector<16xi32>,
        %gather3A_366 = tpu.vector_load_idx %arg11[%get3A_362] : memref<10000xf32, #tpu.memory_space<vmem>>[vector<16xi32>], vector<16xf32>,
        %gather3A_367 = tpu.vector_load_idx %arg12[%get3A_365] : memref<10000xf32, #tpu.memory_space<vmem>>[vector<16xi32>], vector<16xf32>,
        %add3A_368 = arith.addf %gather3A_366, %gather3A_367 : vector<16xf32>
        %sub3A = arith.subf %add3A_368, %add3A : vector<16xf32>
        %exp3A = math.exp %sub3A : vector<16xf32>
        %swap3A = arith.constant 0 : index
        %swap3A_369 = tpu.vector_load %arg18[%swap3A] {strides = array<i32>} : memref<80xf32, #tpu.memory_space<vmem>>, vector<16xf32>,
        tpu.vector_store %arg18[%swap3A], %exp3A {strides = array<i32>} : memref<80xf32, #tpu.memory_space<vmem>>, vector<16xf32>,
        %get3A_370 = arith.index_cast %add3A_360 : i32 to index
        %get3A_371 = arith.constant 0 : index
        %get3A_372 = tpu.vector_load %arg15[%get3A_370, %get3A_371] {strides = array<i32>} : memref<50x80xf32, #tpu.memory_space<vmem>>, vector<16xf32>,
        %mul3A_373 = arith.mulf %exp3A, %get3A_372 : vector<16xf32>
        %swap3A_374 = arith.constant 0 : index
        %swap3A_375 = tpu.vector_load %arg19[%swap3A_374] {strides = array<i32>} : memref<80xf32, #tpu.memory_space<vmem>>, vector<16xf32>,
        tpu.vector_store %arg19[%swap3A_374], %mul3A_373 {strides = array<i32>} : memref<80xf32, #tpu.memory_space<vmem>>, vector<16xf32>,
        %get3A_376 = arith.index_cast %add3A_360 : i32 to index
        %get3A_377 = arith.constant 16 : index
        %get3A_378 = tpu.vector_load %arg13[%get3A_376, %get3A_377] {strides = array<i32>} : memref<50x80xi32, #tpu.memory_space<vmem>>, vector<16xi32>,
        %get3A_379 = arith.index_cast %add3A_360 : i32 to index
        %get3A_380 = arith.constant 16 : index
        %get3A_381 = tpu.vector_load %arg14[%get3A_379, %get3A_380] {strides = array<i32>} : memref<50x80xi32, #tpu.memory_space<vmem>>, vector<16xi32>,
        %gather3A_382 = tpu.vector_load_idx %arg11[%get3A_378] : memref<10000xf32, #tpu.memory_space<vmem>>[vector<16xi32>], vector<16xf32>,
        %gather3A_383 = tpu.vector_load_idx %arg12[%get3A_381] : memref<10000xf32, #tpu.memory_space<vmem>>[vector<16xi32>], vector<16xf32>,
        %add3A_384 = arith.addf %gather3A_382, %gather3A_383 : vector<16xf32>
        %sub3A_385 = arith.subf %add3A_384, %add3A : vector<16xf32>
        %exp3A_386 = math.exp %sub3A_385 : vector<16xf32>
        %swap3A_387 = arith.constant 16 : index
        %swap3A_388 = tpu.vector_load %arg18[%swap3A_387] {strides = array<i32>} : memref<80xf32, #tpu.memory_space<vmem>>, vector<16xf32>,
        tpu.vector_store %arg18[%swap3A_387], %exp3A_386 {strides = array<i32>} : memref<80xf32, #tpu.memory_space<vmem>>, vector<16xf32>,
        %get3A_389 = arith.index_cast %add3A_360 : i32 to index
        %get3A_390 = arith.constant 16 : index
        %get3A_391 = tpu.vector_load %arg15[%get3A_389, %get3A_390] {strides = array<i32>} : memref<50x80xf32, #tpu.memory_space<vmem>>, vector<16xf32>,
        %mul3A_392 = arith.mulf %exp3A_386, %get3A_391 : vector<16xf32>
        %swap3A_393 = arith.constant 16 : index
        %swap3A_394 = tpu.vector_load %arg19[%swap3A_393] {strides = array<i32>} : memref<80xf32, #tpu.memory_space<vmem>>, vector<16xf32>,
        tpu.vector_store %arg19[%swap3A_393], %mul3A_392 {strides = array<i32>} : memref<80xf32, #tpu.memory_space<vmem>>, vector<16xf32>,
        %get3A_395 = arith.index_cast %add3A_360 : i32 to index
        %get3A_396 = arith.constant 32 : index
        %get3A_397 = tpu.vector_load %arg13[%get3A_395, %get3A_396] {strides = array<i32>} : memref<50x80xi32, #tpu.memory_space<vmem>>, vector<16xi32>,
        %get3A_398 = arith.index_cast %add3A_360 : i32 to index
        %get3A_399 = arith.constant 32 : index
        %get3A_400 = tpu.vector_load %arg14[%get3A_398, %get3A_399] {strides = array<i32>} : memref<50x80xi32, #tpu.memory_space<vmem>>, vector<16xi32>,
        %gather3A_401 = tpu.vector_load_idx %arg11[%get3A_397] : memref<10000xf32, #tpu.memory_space<vmem>>[vector<16xi32>], vector<16xf32>,
        %gather3A_402 = tpu.vector_load_idx %arg12[%get3A_400] : memref<10000xf32, #tpu.memory_space<vmem>>[vector<16xi32>], vector<16xf32>,
        %add3A_403 = arith.addf %gather3A_401, %gather3A_402 : vector<16xf32>
        %sub3A_404 = arith.subf %add3A_403, %add3A : vector<16xf32>
        %exp3A_405 = math.exp %sub3A_404 : vector<16xf32>
        %swap3A_406 = arith.constant 32 : index
        %swap3A_407 = tpu.vector_load %arg18[%swap3A_406] {strides = array<i32>} : memref<80xf32, #tpu.memory_space<vmem>>, vector<16xf32>,
        tpu.vector_store %arg18[%swap3A_406], %exp3A_405 {strides = array<i32>} : memref<80xf32, #tpu.memory_space<vmem>>, vector<16xf32>,
        %get3A_408 = arith.index_cast %add3A_360 : i32 to index
        %get3A_409 = arith.constant 32 : index
        %get3A_410 = tpu.vector_load %arg15[%get3A_408, %get3A_409] {strides = array<i32>} : memref<50x80xf32, #tpu.memory_space<vmem>>, vector<16xf32>,
        %mul3A_411 = arith.mulf %exp3A_405, %get3A_410 : vector<16xf32>
        %swap3A_412 = arith.constant 32 : index
        %swap3A_413 = tpu.vector_load %arg19[%swap3A_412] {strides = array<i32>} : memref<80xf32, #tpu.memory_space<vmem>>, vector<16xf32>,
        tpu.vector_store %arg19[%swap3A_412], %mul3A_411 {strides = array<i32>} : memref<80xf32, #tpu.memory_space<vmem>>, vector<16xf32>,
        %get3A_414 = arith.index_cast %add3A_360 : i32 to index
        %get3A_415 = arith.constant 48 : index
        %get3A_416 = tpu.vector_load %arg13[%get3A_414, %get3A_415] {strides = array<i32>} : memref<50x80xi32, #tpu.memory_space<vmem>>, vector<16xi32>,
        %get3A_417 = arith.index_cast %add3A_360 : i32 to index
        %get3A_418 = arith.constant 48 : index
        %get3A_419 = tpu.vector_load %arg14[%get3A_417, %get3A_418] {strides = array<i32>} : memref<50x80xi32, #tpu.memory_space<vmem>>, vector<16xi32>,
        %gather3A_420 = tpu.vector_load_idx %arg11[%get3A_416] : memref<10000xf32, #tpu.memory_space<vmem>>[vector<16xi32>], vector<16xf32>,
        %gather3A_421 = tpu.vector_load_idx %arg12[%get3A_419] : memref<10000xf32, #tpu.memory_space<vmem>>[vector<16xi32>], vector<16xf32>,
        %add3A_422 = arith.addf %gather3A_420, %gather3A_421 : vector<16xf32>
        %sub3A_423 = arith.subf %add3A_422, %add3A : vector<16xf32>
        %exp3A_424 = math.exp %sub3A_423 : vector<16xf32>
        %swap3A_425 = arith.constant 48 : index
        %swap3A_426 = tpu.vector_load %arg18[%swap3A_425] {strides = array<i32>} : memref<80xf32, #tpu.memory_space<vmem>>, vector<16xf32>,
        tpu.vector_store %arg18[%swap3A_425], %exp3A_424 {strides = array<i32>} : memref<80xf32, #tpu.memory_space<vmem>>, vector<16xf32>,
        %get3A_427 = arith.index_cast %add3A_360 : i32 to index
        %get3A_428 = arith.constant 48 : index
        %get3A_429 = tpu.vector_load %arg15[%get3A_427, %get3A_428] {strides = array<i32>} : memref<50x80xf32, #tpu.memory_space<vmem>>, vector<16xf32>,
        %mul3A_430 = arith.mulf %exp3A_424, %get3A_429 : vector<16xf32>
        %swap3A_431 = arith.constant 48 : index
        %swap3A_432 = tpu.vector_load %arg19[%swap3A_431] {strides = array<i32>} : memref<80xf32, #tpu.memory_space<vmem>>, vector<16xf32>,
        tpu.vector_store %arg19[%swap3A_431], %mul3A_430 {strides = array<i32>} : memref<80xf32, #tpu.memory_space<vmem>>, vector<16xf32>,
        %get3A_433 = arith.index_cast %add3A_360 : i32 to index
        %get3A_434 = arith.constant 64 : index
        %get3A_435 = tpu.vector_load %arg13[%get3A_433, %get3A_434] {strides = array<i32>} : memref<50x80xi32, #tpu.memory_space<vmem>>, vector<16xi32>,
        %get3A_436 = arith.index_cast %add3A_360 : i32 to index
        %get3A_437 = arith.constant 64 : index
        %get3A_438 = tpu.vector_load %arg14[%get3A_436, %get3A_437] {strides = array<i32>} : memref<50x80xi32, #tpu.memory_space<vmem>>, vector<16xi32>,
        %gather3A_439 = tpu.vector_load_idx %arg11[%get3A_435] : memref<10000xf32, #tpu.memory_space<vmem>>[vector<16xi32>], vector<16xf32>,
        %gather3A_440 = tpu.vector_load_idx %arg12[%get3A_438] : memref<10000xf32, #tpu.memory_space<vmem>>[vector<16xi32>], vector<16xf32>,
        %add3A_441 = arith.addf %gather3A_439, %gather3A_440 : vector<16xf32>
        %sub3A_442 = arith.subf %add3A_441, %add3A : vector<16xf32>
        %exp3A_443 = math.exp %sub3A_442 : vector<16xf32>
        %swap3A_444 = arith.constant 64 : index
        %swap3A_445 = tpu.vector_load %arg18[%swap3A_444] {strides = array<i32>} : memref<80xf32, #tpu.memory_space<vmem>>, vector<16xf32>,
        tpu.vector_store %arg18[%swap3A_444], %exp3A_443 {strides = array<i32>} : memref<80xf32, #tpu.memory_space<vmem>>, vector<16xf32>,
        %get3A_446 = arith.index_cast %add3A_360 : i32 to index
        %get3A_447 = arith.constant 64 : index
        %get3A_448 = tpu.vector_load %arg15[%get3A_446, %get3A_447] {strides = array<i32>} : memref<50x80xf32, #tpu.memory_space<vmem>>, vector<16xf32>,
        %mul3A_449 = arith.mulf %exp3A_443, %get3A_448 : vector<16xf32>
        %swap3A_450 = arith.constant 64 : index
        %swap3A_451 = tpu.vector_load %arg19[%swap3A_450] {strides = array<i32>} : memref<80xf32, #tpu.memory_space<vmem>>, vector<16xf32>,
        tpu.vector_store %arg19[%swap3A_450], %mul3A_449 {strides = array<i32>} : memref<80xf32, #tpu.memory_space<vmem>>, vector<16xf32>,
        %mul3A_452 = arith.constant 80 : i32
        %mul3A_453 = arith.muli %rem3A_320, %mul3A_452 : i32
        %scan3A_454 = arith.constant 0 : i32
        %scan3A_455 = arith.constant 0 : i32
        %scan3A_456 = arith.constant 5 : i32
        %scan3A_457 = arith.addi %scan3A_455, %scan3A_456 : i32
        %scan3A_458 = arith.constant 1 : i32
        %scan3A_459 = scf.for %scan3A_493 = %scan3A_455 to %scan3A_457 step %scan3A_458 iter_args(%scan3A_494 = %scan3A_454) -> (i32)  : i32 {
          %mul3A_495 = arith.constant 16 : i32
          %mul3A_496 = arith.muli %scan3A_493, %mul3A_495 : i32
          %get3A_497 = arith.index_cast %mul3A_496 : i32 to index
          %get3A_498 = tpu.vector_load %arg19[%get3A_497] {strides = array<i32>} : memref<80xf32, #tpu.memory_space<vmem>>, vector<16xf32>,
          %mul3A_499 = arith.constant 16 : i32
          %mul3A_500 = arith.muli %scan3A_493, %mul3A_499 : i32
          %get3A_501 = arith.index_cast %mul3A_500 : i32 to index
          %get3A_502 = tpu.vector_load %arg18[%get3A_501] {strides = array<i32>} : memref<80xf32, #tpu.memory_space<vmem>>, vector<16xf32>,
          %broadcast_in_dim3A_503 = arith.constant 0 : i32
          %broadcast_in_dim3A_504 = vector.broadcast %broadcast_in_dim3A_503 : i32 to vector<16xi32>
          %broadcast_in_dim3A_505 = vector.shape_cast %broadcast_in_dim3A_504 : vector<16xi32> to vector<16x1xi32>
          %gather3A_506 = vector.shape_cast %broadcast_in_dim3A_505 : vector<16x1xi32> to vector<16xi32>
          %gather3A_507 = tpu.dynamic_gather %get3A_498[%gather3A_506] in [0] : vector<16xf32>, vector<16xi32> -> vector<16xf32>
          %broadcast_in_dim3A_508 = vector.shape_cast %broadcast_in_dim3A_504 : vector<16xi32> to vector<16x1xi32>
          %gather3A_509 = vector.shape_cast %broadcast_in_dim3A_508 : vector<16x1xi32> to vector<16xi32>
          %gather3A_510 = tpu.dynamic_gather %get3A_502[%gather3A_509] in [0] : vector<16xf32>, vector<16xi32> -> vector<16xf32>
          %mul3A_511 = arith.constant 16 : i32
          %mul3A_512 = arith.muli %scan3A_493, %mul3A_511 : i32
          %add3A_513 = arith.addi %mul3A_453, %mul3A_512 : i32
          %add3A_514 = arith.constant 0 : i32
          %add3A_515 = arith.addi %add3A_513, %add3A_514 : i32
          %get3A_516 = arith.index_cast %add3A_515 : i32 to index
          %get3A_517 = arith.constant 0 : index
          %get3A_518 = tpu.vector_load %arg16[%get3A_516, %get3A_517] {strides = array<i32>} : memref<320x64xf32, #tpu.memory_space<vmem>>, vector<16xf32>,
          %mul3A_519 = arith.mulf %get3A_518, %gather3A_507 : vector<16xf32>
          %swap3A_520 = arith.index_cast %add3A_515 : i32 to index
          %swap3A_521 = arith.constant 0 : index
          %swap3A_522 = tpu.vector_load %arg16[%swap3A_520, %swap3A_521] {strides = array<i32>} : memref<320x64xf32, #tpu.memory_space<vmem>>, vector<16xf32>,
          tpu.vector_store %arg16[%swap3A_520, %swap3A_521], %mul3A_519 {strides = array<i32>} : memref<320x64xf32, #tpu.memory_space<vmem>>, vector<16xf32>,
          %get3A_523 = arith.index_cast %add3A_515 : i32 to index
          %get3A_524 = arith.constant 16 : index
          %get3A_525 = tpu.vector_load %arg16[%get3A_523, %get3A_524] {strides = array<i32>} : memref<320x64xf32, #tpu.memory_space<vmem>>, vector<16xf32>,
          %mul3A_526 = arith.mulf %get3A_525, %gather3A_507 : vector<16xf32>
          %swap3A_527 = arith.index_cast %add3A_515 : i32 to index
          %swap3A_528 = arith.constant 16 : index
          %swap3A_529 = tpu.vector_load %arg16[%swap3A_527, %swap3A_528] {strides = array<i32>} : memref<320x64xf32, #tpu.memory_space<vmem>>, vector<16xf32>,
          tpu.vector_store %arg16[%swap3A_527, %swap3A_528], %mul3A_526 {strides = array<i32>} : memref<320x64xf32, #tpu.memory_space<vmem>>, vector<16xf32>,
          %get3A_530 = arith.index_cast %add3A_515 : i32 to index
          %get3A_531 = arith.constant 32 : index
          %get3A_532 = tpu.vector_load %arg16[%get3A_530, %get3A_531] {strides = array<i32>} : memref<320x64xf32, #tpu.memory_space<vmem>>, vector<16xf32>,
          %mul3A_533 = arith.mulf %get3A_532, %gather3A_507 : vector<16xf32>
          %swap3A_534 = arith.index_cast %add3A_515 : i32 to index
          %swap3A_535 = arith.constant 32 : index
          %swap3A_536 = tpu.vector_load %arg16[%swap3A_534, %swap3A_535] {strides = array<i32>} : memref<320x64xf32, #tpu.memory_space<vmem>>, vector<16xf32>,
          tpu.vector_store %arg16[%swap3A_534, %swap3A_535], %mul3A_533 {strides = array<i32>} : memref<320x64xf32, #tpu.memory_space<vmem>>, vector<16xf32>,
          %get3A_537 = arith.index_cast %add3A_515 : i32 to index
          %get3A_538 = arith.constant 48 : index
          %get3A_539 = tpu.vector_load %arg16[%get3A_537, %get3A_538] {strides = array<i32>} : memref<320x64xf32, #tpu.memory_space<vmem>>, vector<16xf32>,
          %mul3A_540 = arith.mulf %get3A_539, %gather3A_507 : vector<16xf32>
          %swap3A_541 = arith.index_cast %add3A_515 : i32 to index
          %swap3A_542 = arith.constant 48 : index
          %swap3A_543 = tpu.vector_load %arg16[%swap3A_541, %swap3A_542] {strides = array<i32>} : memref<320x64xf32, #tpu.memory_space<vmem>>, vector<16xf32>,
          tpu.vector_store %arg16[%swap3A_541, %swap3A_542], %mul3A_540 {strides = array<i32>} : memref<320x64xf32, #tpu.memory_space<vmem>>, vector<16xf32>,
          %mul3A_544 = arith.constant 16 : i32
          %mul3A_545 = arith.muli %scan3A_493, %mul3A_544 : i32
          %add3A_546 = arith.addi %mul3A_453, %mul3A_545 : i32
          %add3A_547 = arith.constant 0 : i32
          %add3A_548 = arith.addi %add3A_546, %add3A_547 : i32
          %swap3A_549 = arith.index_cast %add3A_548 : i32 to index
          %swap3A_550 = arith.constant 0 : index
          %swap3A_551 = tpu.vector_load %arg17[%swap3A_549, %swap3A_550] {strides = array<i32>} : memref<320x16xf32, #tpu.memory_space<vmem>>, vector<16xf32>,
          tpu.vector_store %arg17[%swap3A_549, %swap3A_550], %gather3A_510 {strides = array<i32>} : memref<320x16xf32, #tpu.memory_space<vmem>>, vector<16xf32>,
          %broadcast_in_dim3A_552 = arith.constant 1 : i32
          %broadcast_in_dim3A_553 = vector.broadcast %broadcast_in_dim3A_552 : i32 to vector<16xi32>
          %broadcast_in_dim3A_554 = vector.shape_cast %broadcast_in_dim3A_553 : vector<16xi32> to vector<16x1xi32>
          %gather3A_555 = vector.shape_cast %broadcast_in_dim3A_554 : vector<16x1xi32> to vector<16xi32>
          %gather3A_556 = tpu.dynamic_gather %get3A_498[%gather3A_555] in [0] : vector<16xf32>, vector<16xi32> -> vector<16xf32>
          %broadcast_in_dim3A_557 = vector.shape_cast %broadcast_in_dim3A_553 : vector<16xi32> to vector<16x1xi32>
          %gather3A_558 = vector.shape_cast %broadcast_in_dim3A_557 : vector<16x1xi32> to vector<16xi32>
          %gather3A_559 = tpu.dynamic_gather %get3A_502[%gather3A_558] in [0] : vector<16xf32>, vector<16xi32> -> vector<16xf32>
          %mul3A_560 = arith.constant 16 : i32
          %mul3A_561 = arith.muli %scan3A_493, %mul3A_560 : i32
          %add3A_562 = arith.addi %mul3A_453, %mul3A_561 : i32
          %add3A_563 = arith.constant 1 : i32
          %add3A_564 = arith.addi %add3A_562, %add3A_563 : i32
          %get3A_565 = arith.index_cast %add3A_564 : i32 to index
          %get3A_566 = arith.constant 0 : index
          %get3A_567 = tpu.vector_load %arg16[%get3A_565, %get3A_566] {strides = array<i32>} : memref<320x64xf32, #tpu.memory_space<vmem>>, vector<16xf32>,
          %mul3A_568 = arith.mulf %get3A_567, %gather3A_556 : vector<16xf32>
          %swap3A_569 = arith.index_cast %add3A_564 : i32 to index
          %swap3A_570 = arith.constant 0 : index
          %swap3A_571 = tpu.vector_load %arg16[%swap3A_569, %swap3A_570] {strides = array<i32>} : memref<320x64xf32, #tpu.memory_space<vmem>>, vector<16xf32>,
          tpu.vector_store %arg16[%swap3A_569, %swap3A_570], %mul3A_568 {strides = array<i32>} : memref<320x64xf32, #tpu.memory_space<vmem>>, vector<16xf32>,
          %get3A_572 = arith.index_cast %add3A_564 : i32 to index
          %get3A_573 = arith.constant 16 : index
          %get3A_574 = tpu.vector_load %arg16[%get3A_572, %get3A_573] {strides = array<i32>} : memref<320x64xf32, #tpu.memory_space<vmem>>, vector<16xf32>,
          %mul3A_575 = arith.mulf %get3A_574, %gather3A_556 : vector<16xf32>
          %swap3A_576 = arith.index_cast %add3A_564 : i32 to index
          %swap3A_577 = arith.constant 16 : index
          %swap3A_578 = tpu.vector_load %arg16[%swap3A_576, %swap3A_577] {strides = array<i32>} : memref<320x64xf32, #tpu.memory_space<vmem>>, vector<16xf32>,
          tpu.vector_store %arg16[%swap3A_576, %swap3A_577], %mul3A_575 {strides = array<i32>} : memref<320x64xf32, #tpu.memory_space<vmem>>, vector<16xf32>,
          %get3A_579 = arith.index_cast %add3A_564 : i32 to index
          %get3A_580 = arith.constant 32 : index
          %get3A_581 = tpu.vector_load %arg16[%get3A_579, %get3A_580] {strides = array<i32>} : memref<320x64xf32, #tpu.memory_space<vmem>>, vector<16xf32>,
          %mul3A_582 = arith.mulf %get3A_581, %gather3A_556 : vector<16xf32>
          %swap3A_583 = arith.index_cast %add3A_564 : i32 to index
          %swap3A_584 = arith.constant 32 : index
          %swap3A_585 = tpu.vector_load %arg16[%swap3A_583, %swap3A_584] {strides = array<i32>} : memref<320x64xf32, #tpu.memory_space<vmem>>, vector<16xf32>,
          tpu.vector_store %arg16[%swap3A_583, %swap3A_584], %mul3A_582 {strides = array<i32>} : memref<320x64xf32, #tpu.memory_space<vmem>>, vector<16xf32>,
          %get3A_586 = arith.index_cast %add3A_564 : i32 to index
          %get3A_587 = arith.constant 48 : index
          %get3A_588 = tpu.vector_load %arg16[%get3A_586, %get3A_587] {strides = array<i32>} : memref<320x64xf32, #tpu.memory_space<vmem>>, vector<16xf32>,
          %mul3A_589 = arith.mulf %get3A_588, %gather3A_556 : vector<16xf32>
          %swap3A_590 = arith.index_cast %add3A_564 : i32 to index
          %swap3A_591 = arith.constant 48 : index
          %swap3A_592 = tpu.vector_load %arg16[%swap3A_590, %swap3A_591] {strides = array<i32>} : memref<320x64xf32, #tpu.memory_space<vmem>>, vector<16xf32>,
          tpu.vector_store %arg16[%swap3A_590, %swap3A_591], %mul3A_589 {strides = array<i32>} : memref<320x64xf32, #tpu.memory_space<vmem>>, vector<16xf32>,
          %mul3A_593 = arith.constant 16 : i32
          %mul3A_594 = arith.muli %scan3A_493, %mul3A_593 : i32
          %add3A_595 = arith.addi %mul3A_453, %mul3A_594 : i32
          %add3A_596 = arith.constant 1 : i32
          %add3A_597 = arith.addi %add3A_595, %add3A_596 : i32
          %swap3A_598 = arith.index_cast %add3A_597 : i32 to index
          %swap3A_599 = arith.constant 0 : index
          %swap3A_600 = tpu.vector_load %arg17[%swap3A_598, %swap3A_599] {strides = array<i32>} : memref<320x16xf32, #tpu.memory_space<vmem>>, vector<16xf32>,
          tpu.vector_store %arg17[%swap3A_598, %swap3A_599], %gather3A_559 {strides = array<i32>} : memref<320x16xf32, #tpu.memory_space<vmem>>, vector<16xf32>,
          %broadcast_in_dim3A_601 = arith.constant 2 : i32
          %broadcast_in_dim3A_602 = vector.broadcast %broadcast_in_dim3A_601 : i32 to vector<16xi32>
          %broadcast_in_dim3A_603 = vector.shape_cast %broadcast_in_dim3A_602 : vector<16xi32> to vector<16x1xi32>
          %gather3A_604 = vector.shape_cast %broadcast_in_dim3A_603 : vector<16x1xi32> to vector<16xi32>
          %gather3A_605 = tpu.dynamic_gather %get3A_498[%gather3A_604] in [0] : vector<16xf32>, vector<16xi32> -> vector<16xf32>
          %broadcast_in_dim3A_606 = vector.shape_cast %broadcast_in_dim3A_602 : vector<16xi32> to vector<16x1xi32>
          %gather3A_607 = vector.shape_cast %broadcast_in_dim3A_606 : vector<16x1xi32> to vector<16xi32>
          %gather3A_608 = tpu.dynamic_gather %get3A_502[%gather3A_607] in [0] : vector<16xf32>, vector<16xi32> -> vector<16xf32>
          %mul3A_609 = arith.constant 16 : i32
          %mul3A_610 = arith.muli %scan3A_493, %mul3A_609 : i32
          %add3A_611 = arith.addi %mul3A_453, %mul3A_610 : i32
          %add3A_612 = arith.constant 2 : i32
          %add3A_613 = arith.addi %add3A_611, %add3A_612 : i32
          %get3A_614 = arith.index_cast %add3A_613 : i32 to index
          %get3A_615 = arith.constant 0 : index
          %get3A_616 = tpu.vector_load %arg16[%get3A_614, %get3A_615] {strides = array<i32>} : memref<320x64xf32, #tpu.memory_space<vmem>>, vector<16xf32>,
          %mul3A_617 = arith.mulf %get3A_616, %gather3A_605 : vector<16xf32>
          %swap3A_618 = arith.index_cast %add3A_613 : i32 to index
          %swap3A_619 = arith.constant 0 : index
          %swap3A_620 = tpu.vector_load %arg16[%swap3A_618, %swap3A_619] {strides = array<i32>} : memref<320x64xf32, #tpu.memory_space<vmem>>, vector<16xf32>,
          tpu.vector_store %arg16[%swap3A_618, %swap3A_619], %mul3A_617 {strides = array<i32>} : memref<320x64xf32, #tpu.memory_space<vmem>>, vector<16xf32>,
          %get3A_621 = arith.index_cast %add3A_613 : i32 to index
          %get3A_622 = arith.constant 16 : index
          %get3A_623 = tpu.vector_load %arg16[%get3A_621, %get3A_622] {strides = array<i32>} : memref<320x64xf32, #tpu.memory_space<vmem>>, vector<16xf32>,
          %mul3A_624 = arith.mulf %get3A_623, %gather3A_605 : vector<16xf32>
          %swap3A_625 = arith.index_cast %add3A_613 : i32 to index
          %swap3A_626 = arith.constant 16 : index
          %swap3A_627 = tpu.vector_load %arg16[%swap3A_625, %swap3A_626] {strides = array<i32>} : memref<320x64xf32, #tpu.memory_space<vmem>>, vector<16xf32>,
          tpu.vector_store %arg16[%swap3A_625, %swap3A_626], %mul3A_624 {strides = array<i32>} : memref<320x64xf32, #tpu.memory_space<vmem>>, vector<16xf32>,
          %get3A_628 = arith.index_cast %add3A_613 : i32 to index
          %get3A_629 = arith.constant 32 : index
          %get3A_630 = tpu.vector_load %arg16[%get3A_628, %get3A_629] {strides = array<i32>} : memref<320x64xf32, #tpu.memory_space<vmem>>, vector<16xf32>,
          %mul3A_631 = arith.mulf %get3A_630, %gather3A_605 : vector<16xf32>
          %swap3A_632 = arith.index_cast %add3A_613 : i32 to index
          %swap3A_633 = arith.constant 32 : index
          %swap3A_634 = tpu.vector_load %arg16[%swap3A_632, %swap3A_633] {strides = array<i32>} : memref<320x64xf32, #tpu.memory_space<vmem>>, vector<16xf32>,
          tpu.vector_store %arg16[%swap3A_632, %swap3A_633], %mul3A_631 {strides = array<i32>} : memref<320x64xf32, #tpu.memory_space<vmem>>, vector<16xf32>,
          %get3A_635 = arith.index_cast %add3A_613 : i32 to index
          %get3A_636 = arith.constant 48 : index
          %get3A_637 = tpu.vector_load %arg16[%get3A_635, %get3A_636] {strides = array<i32>} : memref<320x64xf32, #tpu.memory_space<vmem>>, vector<16xf32>,
          %mul3A_638 = arith.mulf %get3A_637, %gather3A_605 : vector<16xf32>
          %swap3A_639 = arith.index_cast %add3A_613 : i32 to index
          %swap3A_640 = arith.constant 48 : index
          %swap3A_641 = tpu.vector_load %arg16[%swap3A_639, %swap3A_640] {strides = array<i32>} : memref<320x64xf32, #tpu.memory_space<vmem>>, vector<16xf32>,
          tpu.vector_store %arg16[%swap3A_639, %swap3A_640], %mul3A_638 {strides = array<i32>} : memref<320x64xf32, #tpu.memory_space<vmem>>, vector<16xf32>,
          %mul3A_642 = arith.constant 16 : i32
          %mul3A_643 = arith.muli %scan3A_493, %mul3A_642 : i32
          %add3A_644 = arith.addi %mul3A_453, %mul3A_643 : i32
          %add3A_645 = arith.constant 2 : i32
          %add3A_646 = arith.addi %add3A_644, %add3A_645 : i32
          %swap3A_647 = arith.index_cast %add3A_646 : i32 to index
          %swap3A_648 = arith.constant 0 : index
          %swap3A_649 = tpu.vector_load %arg17[%swap3A_647, %swap3A_648] {strides = array<i32>} : memref<320x16xf32, #tpu.memory_space<vmem>>, vector<16xf32>,
          tpu.vector_store %arg17[%swap3A_647, %swap3A_648], %gather3A_608 {strides = array<i32>} : memref<320x16xf32, #tpu.memory_space<vmem>>, vector<16xf32>,
          %broadcast_in_dim3A_650 = arith.constant 3 : i32
          %broadcast_in_dim3A_651 = vector.broadcast %broadcast_in_dim3A_650 : i32 to vector<16xi32>
          %broadcast_in_dim3A_652 = vector.shape_cast %broadcast_in_dim3A_651 : vector<16xi32> to vector<16x1xi32>
          %gather3A_653 = vector.shape_cast %broadcast_in_dim3A_652 : vector<16x1xi32> to vector<16xi32>
          %gather3A_654 = tpu.dynamic_gather %get3A_498[%gather3A_653] in [0] : vector<16xf32>, vector<16xi32> -> vector<16xf32>
          %broadcast_in_dim3A_655 = vector.shape_cast %broadcast_in_dim3A_651 : vector<16xi32> to vector<16x1xi32>
          %gather3A_656 = vector.shape_cast %broadcast_in_dim3A_655 : vector<16x1xi32> to vector<16xi32>
          %gather3A_657 = tpu.dynamic_gather %get3A_502[%gather3A_656] in [0] : vector<16xf32>, vector<16xi32> -> vector<16xf32>
          %mul3A_658 = arith.constant 16 : i32
          %mul3A_659 = arith.muli %scan3A_493, %mul3A_658 : i32
          %add3A_660 = arith.addi %mul3A_453, %mul3A_659 : i32
          %add3A_661 = arith.constant 3 : i32
          %add3A_662 = arith.addi %add3A_660, %add3A_661 : i32
          %get3A_663 = arith.index_cast %add3A_662 : i32 to index
          %get3A_664 = arith.constant 0 : index
          %get3A_665 = tpu.vector_load %arg16[%get3A_663, %get3A_664] {strides = array<i32>} : memref<320x64xf32, #tpu.memory_space<vmem>>, vector<16xf32>,
          %mul3A_666 = arith.mulf %get3A_665, %gather3A_654 : vector<16xf32>
          %swap3A_667 = arith.index_cast %add3A_662 : i32 to index
          %swap3A_668 = arith.constant 0 : index
          %swap3A_669 = tpu.vector_load %arg16[%swap3A_667, %swap3A_668] {strides = array<i32>} : memref<320x64xf32, #tpu.memory_space<vmem>>, vector<16xf32>,
          tpu.vector_store %arg16[%swap3A_667, %swap3A_668], %mul3A_666 {strides = array<i32>} : memref<320x64xf32, #tpu.memory_space<vmem>>, vector<16xf32>,
          %get3A_670 = arith.index_cast %add3A_662 : i32 to index
          %get3A_671 = arith.constant 16 : index
          %get3A_672 = tpu.vector_load %arg16[%get3A_670, %get3A_671] {strides = array<i32>} : memref<320x64xf32, #tpu.memory_space<vmem>>, vector<16xf32>,
          %mul3A_673 = arith.mulf %get3A_672, %gather3A_654 : vector<16xf32>
          %swap3A_674 = arith.index_cast %add3A_662 : i32 to index
          %swap3A_675 = arith.constant 16 : index
          %swap3A_676 = tpu.vector_load %arg16[%swap3A_674, %swap3A_675] {strides = array<i32>} : memref<320x64xf32, #tpu.memory_space<vmem>>, vector<16xf32>,
          tpu.vector_store %arg16[%swap3A_674, %swap3A_675], %mul3A_673 {strides = array<i32>} : memref<320x64xf32, #tpu.memory_space<vmem>>, vector<16xf32>,
          %get3A_677 = arith.index_cast %add3A_662 : i32 to index
          %get3A_678 = arith.constant 32 : index
          %get3A_679 = tpu.vector_load %arg16[%get3A_677, %get3A_678] {strides = array<i32>} : memref<320x64xf32, #tpu.memory_space<vmem>>, vector<16xf32>,
          %mul3A_680 = arith.mulf %get3A_679, %gather3A_654 : vector<16xf32>
          %swap3A_681 = arith.index_cast %add3A_662 : i32 to index
          %swap3A_682 = arith.constant 32 : index
          %swap3A_683 = tpu.vector_load %arg16[%swap3A_681, %swap3A_682] {strides = array<i32>} : memref<320x64xf32, #tpu.memory_space<vmem>>, vector<16xf32>,
          tpu.vector_store %arg16[%swap3A_681, %swap3A_682], %mul3A_680 {strides = array<i32>} : memref<320x64xf32, #tpu.memory_space<vmem>>, vector<16xf32>,
          %get3A_684 = arith.index_cast %add3A_662 : i32 to index
          %get3A_685 = arith.constant 48 : index
          %get3A_686 = tpu.vector_load %arg16[%get3A_684, %get3A_685] {strides = array<i32>} : memref<320x64xf32, #tpu.memory_space<vmem>>, vector<16xf32>,
          %mul3A_687 = arith.mulf %get3A_686, %gather3A_654 : vector<16xf32>
          %swap3A_688 = arith.index_cast %add3A_662 : i32 to index
          %swap3A_689 = arith.constant 48 : index
          %swap3A_690 = tpu.vector_load %arg16[%swap3A_688, %swap3A_689] {strides = array<i32>} : memref<320x64xf32, #tpu.memory_space<vmem>>, vector<16xf32>,
          tpu.vector_store %arg16[%swap3A_688, %swap3A_689], %mul3A_687 {strides = array<i32>} : memref<320x64xf32, #tpu.memory_space<vmem>>, vector<16xf32>,
          %mul3A_691 = arith.constant 16 : i32
          %mul3A_692 = arith.muli %scan3A_493, %mul3A_691 : i32
          %add3A_693 = arith.addi %mul3A_453, %mul3A_692 : i32
          %add3A_694 = arith.constant 3 : i32
          %add3A_695 = arith.addi %add3A_693, %add3A_694 : i32
          %swap3A_696 = arith.index_cast %add3A_695 : i32 to index
          %swap3A_697 = arith.constant 0 : index
          %swap3A_698 = tpu.vector_load %arg17[%swap3A_696, %swap3A_697] {strides = array<i32>} : memref<320x16xf32, #tpu.memory_space<vmem>>, vector<16xf32>,
          tpu.vector_store %arg17[%swap3A_696, %swap3A_697], %gather3A_657 {strides = array<i32>} : memref<320x16xf32, #tpu.memory_space<vmem>>, vector<16xf32>,
          %broadcast_in_dim3A_699 = arith.constant 4 : i32
          %broadcast_in_dim3A_700 = vector.broadcast %broadcast_in_dim3A_699 : i32 to vector<16xi32>
          %broadcast_in_dim3A_701 = vector.shape_cast %broadcast_in_dim3A_700 : vector<16xi32> to vector<16x1xi32>
          %gather3A_702 = vector.shape_cast %broadcast_in_dim3A_701 : vector<16x1xi32> to vector<16xi32>
          %gather3A_703 = tpu.dynamic_gather %get3A_498[%gather3A_702] in [0] : vector<16xf32>, vector<16xi32> -> vector<16xf32>
          %broadcast_in_dim3A_704 = vector.shape_cast %broadcast_in_dim3A_700 : vector<16xi32> to vector<16x1xi32>
          %gather3A_705 = vector.shape_cast %broadcast_in_dim3A_704 : vector<16x1xi32> to vector<16xi32>
          %gather3A_706 = tpu.dynamic_gather %get3A_502[%gather3A_705] in [0] : vector<16xf32>, vector<16xi32> -> vector<16xf32>
          %mul3A_707 = arith.constant 16 : i32
          %mul3A_708 = arith.muli %scan3A_493, %mul3A_707 : i32
          %add3A_709 = arith.addi %mul3A_453, %mul3A_708 : i32
          %add3A_710 = arith.constant 4 : i32
          %add3A_711 = arith.addi %add3A_709, %add3A_710 : i32
          %get3A_712 = arith.index_cast %add3A_711 : i32 to index
          %get3A_713 = arith.constant 0 : index
          %get3A_714 = tpu.vector_load %arg16[%get3A_712, %get3A_713] {strides = array<i32>} : memref<320x64xf32, #tpu.memory_space<vmem>>, vector<16xf32>,
          %mul3A_715 = arith.mulf %get3A_714, %gather3A_703 : vector<16xf32>
          %swap3A_716 = arith.index_cast %add3A_711 : i32 to index
          %swap3A_717 = arith.constant 0 : index
          %swap3A_718 = tpu.vector_load %arg16[%swap3A_716, %swap3A_717] {strides = array<i32>} : memref<320x64xf32, #tpu.memory_space<vmem>>, vector<16xf32>,
          tpu.vector_store %arg16[%swap3A_716, %swap3A_717], %mul3A_715 {strides = array<i32>} : memref<320x64xf32, #tpu.memory_space<vmem>>, vector<16xf32>,
          %get3A_719 = arith.index_cast %add3A_711 : i32 to index
          %get3A_720 = arith.constant 16 : index
          %get3A_721 = tpu.vector_load %arg16[%get3A_719, %get3A_720] {strides = array<i32>} : memref<320x64xf32, #tpu.memory_space<vmem>>, vector<16xf32>,
          %mul3A_722 = arith.mulf %get3A_721, %gather3A_703 : vector<16xf32>
          %swap3A_723 = arith.index_cast %add3A_711 : i32 to index
          %swap3A_724 = arith.constant 16 : index
          %swap3A_725 = tpu.vector_load %arg16[%swap3A_723, %swap3A_724] {strides = array<i32>} : memref<320x64xf32, #tpu.memory_space<vmem>>, vector<16xf32>,
          tpu.vector_store %arg16[%swap3A_723, %swap3A_724], %mul3A_722 {strides = array<i32>} : memref<320x64xf32, #tpu.memory_space<vmem>>, vector<16xf32>,
          %get3A_726 = arith.index_cast %add3A_711 : i32 to index
          %get3A_727 = arith.constant 32 : index
          %get3A_728 = tpu.vector_load %arg16[%get3A_726, %get3A_727] {strides = array<i32>} : memref<320x64xf32, #tpu.memory_space<vmem>>, vector<16xf32>,
          %mul3A_729 = arith.mulf %get3A_728, %gather3A_703 : vector<16xf32>
          %swap3A_730 = arith.index_cast %add3A_711 : i32 to index
          %swap3A_731 = arith.constant 32 : index
          %swap3A_732 = tpu.vector_load %arg16[%swap3A_730, %swap3A_731] {strides = array<i32>} : memref<320x64xf32, #tpu.memory_space<vmem>>, vector<16xf32>,
          tpu.vector_store %arg16[%swap3A_730, %swap3A_731], %mul3A_729 {strides = array<i32>} : memref<320x64xf32, #tpu.memory_space<vmem>>, vector<16xf32>,
          %get3A_733 = arith.index_cast %add3A_711 : i32 to index
          %get3A_734 = arith.constant 48 : index
          %get3A_735 = tpu.vector_load %arg16[%get3A_733, %get3A_734] {strides = array<i32>} : memref<320x64xf32, #tpu.memory_space<vmem>>, vector<16xf32>,
          %mul3A_736 = arith.mulf %get3A_735, %gather3A_703 : vector<16xf32>
          %swap3A_737 = arith.index_cast %add3A_711 : i32 to index
          %swap3A_738 = arith.constant 48 : index
          %swap3A_739 = tpu.vector_load %arg16[%swap3A_737, %swap3A_738] {strides = array<i32>} : memref<320x64xf32, #tpu.memory_space<vmem>>, vector<16xf32>,
          tpu.vector_store %arg16[%swap3A_737, %swap3A_738], %mul3A_736 {strides = array<i32>} : memref<320x64xf32, #tpu.memory_space<vmem>>, vector<16xf32>,
          %mul3A_740 = arith.constant 16 : i32
          %mul3A_741 = arith.muli %scan3A_493, %mul3A_740 : i32
          %add3A_742 = arith.addi %mul3A_453, %mul3A_741 : i32
          %add3A_743 = arith.constant 4 : i32
          %add3A_744 = arith.addi %add3A_742, %add3A_743 : i32
          %swap3A_745 = arith.index_cast %add3A_744 : i32 to index
          %swap3A_746 = arith.constant 0 : index
          %swap3A_747 = tpu.vector_load %arg17[%swap3A_745, %swap3A_746] {strides = array<i32>} : memref<320x16xf32, #tpu.memory_space<vmem>>, vector<16xf32>,
          tpu.vector_store %arg17[%swap3A_745, %swap3A_746], %gather3A_706 {strides = array<i32>} : memref<320x16xf32, #tpu.memory_space<vmem>>, vector<16xf32>,
          %broadcast_in_dim3A_748 = arith.constant 5 : i32
          %broadcast_in_dim3A_749 = vector.broadcast %broadcast_in_dim3A_748 : i32 to vector<16xi32>
          %broadcast_in_dim3A_750 = vector.shape_cast %broadcast_in_dim3A_749 : vector<16xi32> to vector<16x1xi32>
          %gather3A_751 = vector.shape_cast %broadcast_in_dim3A_750 : vector<16x1xi32> to vector<16xi32>
          %gather3A_752 = tpu.dynamic_gather %get3A_498[%gather3A_751] in [0] : vector<16xf32>, vector<16xi32> -> vector<16xf32>
          %broadcast_in_dim3A_753 = vector.shape_cast %broadcast_in_dim3A_749 : vector<16xi32> to vector<16x1xi32>
          %gather3A_754 = vector.shape_cast %broadcast_in_dim3A_753 : vector<16x1xi32> to vector<16xi32>
          %gather3A_755 = tpu.dynamic_gather %get3A_502[%gather3A_754] in [0] : vector<16xf32>, vector<16xi32> -> vector<16xf32>
          %mul3A_756 = arith.constant 16 : i32
          %mul3A_757 = arith.muli %scan3A_493, %mul3A_756 : i32
          %add3A_758 = arith.addi %mul3A_453, %mul3A_757 : i32
          %add3A_759 = arith.constant 5 : i32
          %add3A_760 = arith.addi %add3A_758, %add3A_759 : i32
          %get3A_761 = arith.index_cast %add3A_760 : i32 to index
          %get3A_762 = arith.constant 0 : index
          %get3A_763 = tpu.vector_load %arg16[%get3A_761, %get3A_762] {strides = array<i32>} : memref<320x64xf32, #tpu.memory_space<vmem>>, vector<16xf32>,
          %mul3A_764 = arith.mulf %get3A_763, %gather3A_752 : vector<16xf32>
          %swap3A_765 = arith.index_cast %add3A_760 : i32 to index
          %swap3A_766 = arith.constant 0 : index
          %swap3A_767 = tpu.vector_load %arg16[%swap3A_765, %swap3A_766] {strides = array<i32>} : memref<320x64xf32, #tpu.memory_space<vmem>>, vector<16xf32>,
          tpu.vector_store %arg16[%swap3A_765, %swap3A_766], %mul3A_764 {strides = array<i32>} : memref<320x64xf32, #tpu.memory_space<vmem>>, vector<16xf32>,
          %get3A_768 = arith.index_cast %add3A_760 : i32 to index
          %get3A_769 = arith.constant 16 : index
          %get3A_770 = tpu.vector_load %arg16[%get3A_768, %get3A_769] {strides = array<i32>} : memref<320x64xf32, #tpu.memory_space<vmem>>, vector<16xf32>,
          %mul3A_771 = arith.mulf %get3A_770, %gather3A_752 : vector<16xf32>
          %swap3A_772 = arith.index_cast %add3A_760 : i32 to index
          %swap3A_773 = arith.constant 16 : index
          %swap3A_774 = tpu.vector_load %arg16[%swap3A_772, %swap3A_773] {strides = array<i32>} : memref<320x64xf32, #tpu.memory_space<vmem>>, vector<16xf32>,
          tpu.vector_store %arg16[%swap3A_772, %swap3A_773], %mul3A_771 {strides = array<i32>} : memref<320x64xf32, #tpu.memory_space<vmem>>, vector<16xf32>,
          %get3A_775 = arith.index_cast %add3A_760 : i32 to index
          %get3A_776 = arith.constant 32 : index
          %get3A_777 = tpu.vector_load %arg16[%get3A_775, %get3A_776] {strides = array<i32>} : memref<320x64xf32, #tpu.memory_space<vmem>>, vector<16xf32>,
          %mul3A_778 = arith.mulf %get3A_777, %gather3A_752 : vector<16xf32>
          %swap3A_779 = arith.index_cast %add3A_760 : i32 to index
          %swap3A_780 = arith.constant 32 : index
          %swap3A_781 = tpu.vector_load %arg16[%swap3A_779, %swap3A_780] {strides = array<i32>} : memref<320x64xf32, #tpu.memory_space<vmem>>, vector<16xf32>,
          tpu.vector_store %arg16[%swap3A_779, %swap3A_780], %mul3A_778 {strides = array<i32>} : memref<320x64xf32, #tpu.memory_space<vmem>>, vector<16xf32>,
          %get3A_782 = arith.index_cast %add3A_760 : i32 to index
          %get3A_783 = arith.constant 48 : index
          %get3A_784 = tpu.vector_load %arg16[%get3A_782, %get3A_783] {strides = array<i32>} : memref<320x64xf32, #tpu.memory_space<vmem>>, vector<16xf32>,
          %mul3A_785 = arith.mulf %get3A_784, %gather3A_752 : vector<16xf32>
          %swap3A_786 = arith.index_cast %add3A_760 : i32 to index
          %swap3A_787 = arith.constant 48 : index
          %swap3A_788 = tpu.vector_load %arg16[%swap3A_786, %swap3A_787] {strides = array<i32>} : memref<320x64xf32, #tpu.memory_space<vmem>>, vector<16xf32>,
          tpu.vector_store %arg16[%swap3A_786, %swap3A_787], %mul3A_785 {strides = array<i32>} : memref<320x64xf32, #tpu.memory_space<vmem>>, vector<16xf32>,
          %mul3A_789 = arith.constant 16 : i32
          %mul3A_790 = arith.muli %scan3A_493, %mul3A_789 : i32
          %add3A_791 = arith.addi %mul3A_453, %mul3A_790 : i32
          %add3A_792 = arith.constant 5 : i32
          %add3A_793 = arith.addi %add3A_791, %add3A_792 : i32
          %swap3A_794 = arith.index_cast %add3A_793 : i32 to index
          %swap3A_795 = arith.constant 0 : index
          %swap3A_796 = tpu.vector_load %arg17[%swap3A_794, %swap3A_795] {strides = array<i32>} : memref<320x16xf32, #tpu.memory_space<vmem>>, vector<16xf32>,
          tpu.vector_store %arg17[%swap3A_794, %swap3A_795], %gather3A_755 {strides = array<i32>} : memref<320x16xf32, #tpu.memory_space<vmem>>, vector<16xf32>,
          %broadcast_in_dim3A_797 = arith.constant 6 : i32
          %broadcast_in_dim3A_798 = vector.broadcast %broadcast_in_dim3A_797 : i32 to vector<16xi32>
          %broadcast_in_dim3A_799 = vector.shape_cast %broadcast_in_dim3A_798 : vector<16xi32> to vector<16x1xi32>
          %gather3A_800 = vector.shape_cast %broadcast_in_dim3A_799 : vector<16x1xi32> to vector<16xi32>
          %gather3A_801 = tpu.dynamic_gather %get3A_498[%gather3A_800] in [0] : vector<16xf32>, vector<16xi32> -> vector<16xf32>
          %broadcast_in_dim3A_802 = vector.shape_cast %broadcast_in_dim3A_798 : vector<16xi32> to vector<16x1xi32>
          %gather3A_803 = vector.shape_cast %broadcast_in_dim3A_802 : vector<16x1xi32> to vector<16xi32>
          %gather3A_804 = tpu.dynamic_gather %get3A_502[%gather3A_803] in [0] : vector<16xf32>, vector<16xi32> -> vector<16xf32>
          %mul3A_805 = arith.constant 16 : i32
          %mul3A_806 = arith.muli %scan3A_493, %mul3A_805 : i32
          %add3A_807 = arith.addi %mul3A_453, %mul3A_806 : i32
          %add3A_808 = arith.constant 6 : i32
          %add3A_809 = arith.addi %add3A_807, %add3A_808 : i32
          %get3A_810 = arith.index_cast %add3A_809 : i32 to index
          %get3A_811 = arith.constant 0 : index
          %get3A_812 = tpu.vector_load %arg16[%get3A_810, %get3A_811] {strides = array<i32>} : memref<320x64xf32, #tpu.memory_space<vmem>>, vector<16xf32>,
          %mul3A_813 = arith.mulf %get3A_812, %gather3A_801 : vector<16xf32>
          %swap3A_814 = arith.index_cast %add3A_809 : i32 to index
          %swap3A_815 = arith.constant 0 : index
          %swap3A_816 = tpu.vector_load %arg16[%swap3A_814, %swap3A_815] {strides = array<i32>} : memref<320x64xf32, #tpu.memory_space<vmem>>, vector<16xf32>,
          tpu.vector_store %arg16[%swap3A_814, %swap3A_815], %mul3A_813 {strides = array<i32>} : memref<320x64xf32, #tpu.memory_space<vmem>>, vector<16xf32>,
          %get3A_817 = arith.index_cast %add3A_809 : i32 to index
          %get3A_818 = arith.constant 16 : index
          %get3A_819 = tpu.vector_load %arg16[%get3A_817, %get3A_818] {strides = array<i32>} : memref<320x64xf32, #tpu.memory_space<vmem>>, vector<16xf32>,
          %mul3A_820 = arith.mulf %get3A_819, %gather3A_801 : vector<16xf32>
          %swap3A_821 = arith.index_cast %add3A_809 : i32 to index
          %swap3A_822 = arith.constant 16 : index
          %swap3A_823 = tpu.vector_load %arg16[%swap3A_821, %swap3A_822] {strides = array<i32>} : memref<320x64xf32, #tpu.memory_space<vmem>>, vector<16xf32>,
          tpu.vector_store %arg16[%swap3A_821, %swap3A_822], %mul3A_820 {strides = array<i32>} : memref<320x64xf32, #tpu.memory_space<vmem>>, vector<16xf32>,
          %get3A_824 = arith.index_cast %add3A_809 : i32 to index
          %get3A_825 = arith.constant 32 : index
          %get3A_826 = tpu.vector_load %arg16[%get3A_824, %get3A_825] {strides = array<i32>} : memref<320x64xf32, #tpu.memory_space<vmem>>, vector<16xf32>,
          %mul3A_827 = arith.mulf %get3A_826, %gather3A_801 : vector<16xf32>
          %swap3A_828 = arith.index_cast %add3A_809 : i32 to index
          %swap3A_829 = arith.constant 32 : index
          %swap3A_830 = tpu.vector_load %arg16[%swap3A_828, %swap3A_829] {strides = array<i32>} : memref<320x64xf32, #tpu.memory_space<vmem>>, vector<16xf32>,
          tpu.vector_store %arg16[%swap3A_828, %swap3A_829], %mul3A_827 {strides = array<i32>} : memref<320x64xf32, #tpu.memory_space<vmem>>, vector<16xf32>,
          %get3A_831 = arith.index_cast %add3A_809 : i32 to index
          %get3A_832 = arith.constant 48 : index
          %get3A_833 = tpu.vector_load %arg16[%get3A_831, %get3A_832] {strides = array<i32>} : memref<320x64xf32, #tpu.memory_space<vmem>>, vector<16xf32>,
          %mul3A_834 = arith.mulf %get3A_833, %gather3A_801 : vector<16xf32>
          %swap3A_835 = arith.index_cast %add3A_809 : i32 to index
          %swap3A_836 = arith.constant 48 : index
          %swap3A_837 = tpu.vector_load %arg16[%swap3A_835, %swap3A_836] {strides = array<i32>} : memref<320x64xf32, #tpu.memory_space<vmem>>, vector<16xf32>,
          tpu.vector_store %arg16[%swap3A_835, %swap3A_836], %mul3A_834 {strides = array<i32>} : memref<320x64xf32, #tpu.memory_space<vmem>>, vector<16xf32>,
          %mul3A_838 = arith.constant 16 : i32
          %mul3A_839 = arith.muli %scan3A_493, %mul3A_838 : i32
          %add3A_840 = arith.addi %mul3A_453, %mul3A_839 : i32
          %add3A_841 = arith.constant 6 : i32
          %add3A_842 = arith.addi %add3A_840, %add3A_841 : i32
          %swap3A_843 = arith.index_cast %add3A_842 : i32 to index
          %swap3A_844 = arith.constant 0 : index
          %swap3A_845 = tpu.vector_load %arg17[%swap3A_843, %swap3A_844] {strides = array<i32>} : memref<320x16xf32, #tpu.memory_space<vmem>>, vector<16xf32>,
          tpu.vector_store %arg17[%swap3A_843, %swap3A_844], %gather3A_804 {strides = array<i32>} : memref<320x16xf32, #tpu.memory_space<vmem>>, vector<16xf32>,
          %broadcast_in_dim3A_846 = arith.constant 7 : i32
          %broadcast_in_dim3A_847 = vector.broadcast %broadcast_in_dim3A_846 : i32 to vector<16xi32>
          %broadcast_in_dim3A_848 = vector.shape_cast %broadcast_in_dim3A_847 : vector<16xi32> to vector<16x1xi32>
          %gather3A_849 = vector.shape_cast %broadcast_in_dim3A_848 : vector<16x1xi32> to vector<16xi32>
          %gather3A_850 = tpu.dynamic_gather %get3A_498[%gather3A_849] in [0] : vector<16xf32>, vector<16xi32> -> vector<16xf32>
          %broadcast_in_dim3A_851 = vector.shape_cast %broadcast_in_dim3A_847 : vector<16xi32> to vector<16x1xi32>
          %gather3A_852 = vector.shape_cast %broadcast_in_dim3A_851 : vector<16x1xi32> to vector<16xi32>
          %gather3A_853 = tpu.dynamic_gather %get3A_502[%gather3A_852] in [0] : vector<16xf32>, vector<16xi32> -> vector<16xf32>
          %mul3A_854 = arith.constant 16 : i32
          %mul3A_855 = arith.muli %scan3A_493, %mul3A_854 : i32
          %add3A_856 = arith.addi %mul3A_453, %mul3A_855 : i32
          %add3A_857 = arith.constant 7 : i32
          %add3A_858 = arith.addi %add3A_856, %add3A_857 : i32
          %get3A_859 = arith.index_cast %add3A_858 : i32 to index
          %get3A_860 = arith.constant 0 : index
          %get3A_861 = tpu.vector_load %arg16[%get3A_859, %get3A_860] {strides = array<i32>} : memref<320x64xf32, #tpu.memory_space<vmem>>, vector<16xf32>,
          %mul3A_862 = arith.mulf %get3A_861, %gather3A_850 : vector<16xf32>
          %swap3A_863 = arith.index_cast %add3A_858 : i32 to index
          %swap3A_864 = arith.constant 0 : index
          %swap3A_865 = tpu.vector_load %arg16[%swap3A_863, %swap3A_864] {strides = array<i32>} : memref<320x64xf32, #tpu.memory_space<vmem>>, vector<16xf32>,
          tpu.vector_store %arg16[%swap3A_863, %swap3A_864], %mul3A_862 {strides = array<i32>} : memref<320x64xf32, #tpu.memory_space<vmem>>, vector<16xf32>,
          %get3A_866 = arith.index_cast %add3A_858 : i32 to index
          %get3A_867 = arith.constant 16 : index
          %get3A_868 = tpu.vector_load %arg16[%get3A_866, %get3A_867] {strides = array<i32>} : memref<320x64xf32, #tpu.memory_space<vmem>>, vector<16xf32>,
          %mul3A_869 = arith.mulf %get3A_868, %gather3A_850 : vector<16xf32>
          %swap3A_870 = arith.index_cast %add3A_858 : i32 to index
          %swap3A_871 = arith.constant 16 : index
          %swap3A_872 = tpu.vector_load %arg16[%swap3A_870, %swap3A_871] {strides = array<i32>} : memref<320x64xf32, #tpu.memory_space<vmem>>, vector<16xf32>,
          tpu.vector_store %arg16[%swap3A_870, %swap3A_871], %mul3A_869 {strides = array<i32>} : memref<320x64xf32, #tpu.memory_space<vmem>>, vector<16xf32>,
          %get3A_873 = arith.index_cast %add3A_858 : i32 to index
          %get3A_874 = arith.constant 32 : index
          %get3A_875 = tpu.vector_load %arg16[%get3A_873, %get3A_874] {strides = array<i32>} : memref<320x64xf32, #tpu.memory_space<vmem>>, vector<16xf32>,
          %mul3A_876 = arith.mulf %get3A_875, %gather3A_850 : vector<16xf32>
          %swap3A_877 = arith.index_cast %add3A_858 : i32 to index
          %swap3A_878 = arith.constant 32 : index
          %swap3A_879 = tpu.vector_load %arg16[%swap3A_877, %swap3A_878] {strides = array<i32>} : memref<320x64xf32, #tpu.memory_space<vmem>>, vector<16xf32>,
          tpu.vector_store %arg16[%swap3A_877, %swap3A_878], %mul3A_876 {strides = array<i32>} : memref<320x64xf32, #tpu.memory_space<vmem>>, vector<16xf32>,
          %get3A_880 = arith.index_cast %add3A_858 : i32 to index
          %get3A_881 = arith.constant 48 : index
          %get3A_882 = tpu.vector_load %arg16[%get3A_880, %get3A_881] {strides = array<i32>} : memref<320x64xf32, #tpu.memory_space<vmem>>, vector<16xf32>,
          %mul3A_883 = arith.mulf %get3A_882, %gather3A_850 : vector<16xf32>
          %swap3A_884 = arith.index_cast %add3A_858 : i32 to index
          %swap3A_885 = arith.constant 48 : index
          %swap3A_886 = tpu.vector_load %arg16[%swap3A_884, %swap3A_885] {strides = array<i32>} : memref<320x64xf32, #tpu.memory_space<vmem>>, vector<16xf32>,
          tpu.vector_store %arg16[%swap3A_884, %swap3A_885], %mul3A_883 {strides = array<i32>} : memref<320x64xf32, #tpu.memory_space<vmem>>, vector<16xf32>,
          %mul3A_887 = arith.constant 16 : i32
          %mul3A_888 = arith.muli %scan3A_493, %mul3A_887 : i32
          %add3A_889 = arith.addi %mul3A_453, %mul3A_888 : i32
          %add3A_890 = arith.constant 7 : i32
          %add3A_891 = arith.addi %add3A_889, %add3A_890 : i32
          %swap3A_892 = arith.index_cast %add3A_891 : i32 to index
          %swap3A_893 = arith.constant 0 : index
          %swap3A_894 = tpu.vector_load %arg17[%swap3A_892, %swap3A_893] {strides = array<i32>} : memref<320x16xf32, #tpu.memory_space<vmem>>, vector<16xf32>,
          tpu.vector_store %arg17[%swap3A_892, %swap3A_893], %gather3A_853 {strides = array<i32>} : memref<320x16xf32, #tpu.memory_space<vmem>>, vector<16xf32>,
          %broadcast_in_dim3A_895 = arith.constant 8 : i32
          %broadcast_in_dim3A_896 = vector.broadcast %broadcast_in_dim3A_895 : i32 to vector<16xi32>
          %broadcast_in_dim3A_897 = vector.shape_cast %broadcast_in_dim3A_896 : vector<16xi32> to vector<16x1xi32>
          %gather3A_898 = vector.shape_cast %broadcast_in_dim3A_897 : vector<16x1xi32> to vector<16xi32>
          %gather3A_899 = tpu.dynamic_gather %get3A_498[%gather3A_898] in [0] : vector<16xf32>, vector<16xi32> -> vector<16xf32>
          %broadcast_in_dim3A_900 = vector.shape_cast %broadcast_in_dim3A_896 : vector<16xi32> to vector<16x1xi32>
          %gather3A_901 = vector.shape_cast %broadcast_in_dim3A_900 : vector<16x1xi32> to vector<16xi32>
          %gather3A_902 = tpu.dynamic_gather %get3A_502[%gather3A_901] in [0] : vector<16xf32>, vector<16xi32> -> vector<16xf32>
          %mul3A_903 = arith.constant 16 : i32
          %mul3A_904 = arith.muli %scan3A_493, %mul3A_903 : i32
          %add3A_905 = arith.addi %mul3A_453, %mul3A_904 : i32
          %add3A_906 = arith.constant 8 : i32
          %add3A_907 = arith.addi %add3A_905, %add3A_906 : i32
          %get3A_908 = arith.index_cast %add3A_907 : i32 to index
          %get3A_909 = arith.constant 0 : index
          %get3A_910 = tpu.vector_load %arg16[%get3A_908, %get3A_909] {strides = array<i32>} : memref<320x64xf32, #tpu.memory_space<vmem>>, vector<16xf32>,
          %mul3A_911 = arith.mulf %get3A_910, %gather3A_899 : vector<16xf32>
          %swap3A_912 = arith.index_cast %add3A_907 : i32 to index
          %swap3A_913 = arith.constant 0 : index
          %swap3A_914 = tpu.vector_load %arg16[%swap3A_912, %swap3A_913] {strides = array<i32>} : memref<320x64xf32, #tpu.memory_space<vmem>>, vector<16xf32>,
          tpu.vector_store %arg16[%swap3A_912, %swap3A_913], %mul3A_911 {strides = array<i32>} : memref<320x64xf32, #tpu.memory_space<vmem>>, vector<16xf32>,
          %get3A_915 = arith.index_cast %add3A_907 : i32 to index
          %get3A_916 = arith.constant 16 : index
          %get3A_917 = tpu.vector_load %arg16[%get3A_915, %get3A_916] {strides = array<i32>} : memref<320x64xf32, #tpu.memory_space<vmem>>, vector<16xf32>,
          %mul3A_918 = arith.mulf %get3A_917, %gather3A_899 : vector<16xf32>
          %swap3A_919 = arith.index_cast %add3A_907 : i32 to index
          %swap3A_920 = arith.constant 16 : index
          %swap3A_921 = tpu.vector_load %arg16[%swap3A_919, %swap3A_920] {strides = array<i32>} : memref<320x64xf32, #tpu.memory_space<vmem>>, vector<16xf32>,
          tpu.vector_store %arg16[%swap3A_919, %swap3A_920], %mul3A_918 {strides = array<i32>} : memref<320x64xf32, #tpu.memory_space<vmem>>, vector<16xf32>,
          %get3A_922 = arith.index_cast %add3A_907 : i32 to index
          %get3A_923 = arith.constant 32 : index
          %get3A_924 = tpu.vector_load %arg16[%get3A_922, %get3A_923] {strides = array<i32>} : memref<320x64xf32, #tpu.memory_space<vmem>>, vector<16xf32>,
          %mul3A_925 = arith.mulf %get3A_924, %gather3A_899 : vector<16xf32>
          %swap3A_926 = arith.index_cast %add3A_907 : i32 to index
          %swap3A_927 = arith.constant 32 : index
          %swap3A_928 = tpu.vector_load %arg16[%swap3A_926, %swap3A_927] {strides = array<i32>} : memref<320x64xf32, #tpu.memory_space<vmem>>, vector<16xf32>,
          tpu.vector_store %arg16[%swap3A_926, %swap3A_927], %mul3A_925 {strides = array<i32>} : memref<320x64xf32, #tpu.memory_space<vmem>>, vector<16xf32>,
          %get3A_929 = arith.index_cast %add3A_907 : i32 to index
          %get3A_930 = arith.constant 48 : index
          %get3A_931 = tpu.vector_load %arg16[%get3A_929, %get3A_930] {strides = array<i32>} : memref<320x64xf32, #tpu.memory_space<vmem>>, vector<16xf32>,
          %mul3A_932 = arith.mulf %get3A_931, %gather3A_899 : vector<16xf32>
          %swap3A_933 = arith.index_cast %add3A_907 : i32 to index
          %swap3A_934 = arith.constant 48 : index
          %swap3A_935 = tpu.vector_load %arg16[%swap3A_933, %swap3A_934] {strides = array<i32>} : memref<320x64xf32, #tpu.memory_space<vmem>>, vector<16xf32>,
          tpu.vector_store %arg16[%swap3A_933, %swap3A_934], %mul3A_932 {strides = array<i32>} : memref<320x64xf32, #tpu.memory_space<vmem>>, vector<16xf32>,
          %mul3A_936 = arith.constant 16 : i32
          %mul3A_937 = arith.muli %scan3A_493, %mul3A_936 : i32
          %add3A_938 = arith.addi %mul3A_453, %mul3A_937 : i32
          %add3A_939 = arith.constant 8 : i32
          %add3A_940 = arith.addi %add3A_938, %add3A_939 : i32
          %swap3A_941 = arith.index_cast %add3A_940 : i32 to index
          %swap3A_942 = arith.constant 0 : index
          %swap3A_943 = tpu.vector_load %arg17[%swap3A_941, %swap3A_942] {strides = array<i32>} : memref<320x16xf32, #tpu.memory_space<vmem>>, vector<16xf32>,
          tpu.vector_store %arg17[%swap3A_941, %swap3A_942], %gather3A_902 {strides = array<i32>} : memref<320x16xf32, #tpu.memory_space<vmem>>, vector<16xf32>,
          %broadcast_in_dim3A_944 = arith.constant 9 : i32
          %broadcast_in_dim3A_945 = vector.broadcast %broadcast_in_dim3A_944 : i32 to vector<16xi32>
          %broadcast_in_dim3A_946 = vector.shape_cast %broadcast_in_dim3A_945 : vector<16xi32> to vector<16x1xi32>
          %gather3A_947 = vector.shape_cast %broadcast_in_dim3A_946 : vector<16x1xi32> to vector<16xi32>
          %gather3A_948 = tpu.dynamic_gather %get3A_498[%gather3A_947] in [0] : vector<16xf32>, vector<16xi32> -> vector<16xf32>
          %broadcast_in_dim3A_949 = vector.shape_cast %broadcast_in_dim3A_945 : vector<16xi32> to vector<16x1xi32>
          %gather3A_950 = vector.shape_cast %broadcast_in_dim3A_949 : vector<16x1xi32> to vector<16xi32>
          %gather3A_951 = tpu.dynamic_gather %get3A_502[%gather3A_950] in [0] : vector<16xf32>, vector<16xi32> -> vector<16xf32>
          %mul3A_952 = arith.constant 16 : i32
          %mul3A_953 = arith.muli %scan3A_493, %mul3A_952 : i32
          %add3A_954 = arith.addi %mul3A_453, %mul3A_953 : i32
          %add3A_955 = arith.constant 9 : i32
          %add3A_956 = arith.addi %add3A_954, %add3A_955 : i32
          %get3A_957 = arith.index_cast %add3A_956 : i32 to index
          %get3A_958 = arith.constant 0 : index
          %get3A_959 = tpu.vector_load %arg16[%get3A_957, %get3A_958] {strides = array<i32>} : memref<320x64xf32, #tpu.memory_space<vmem>>, vector<16xf32>,
          %mul3A_960 = arith.mulf %get3A_959, %gather3A_948 : vector<16xf32>
          %swap3A_961 = arith.index_cast %add3A_956 : i32 to index
          %swap3A_962 = arith.constant 0 : index
          %swap3A_963 = tpu.vector_load %arg16[%swap3A_961, %swap3A_962] {strides = array<i32>} : memref<320x64xf32, #tpu.memory_space<vmem>>, vector<16xf32>,
          tpu.vector_store %arg16[%swap3A_961, %swap3A_962], %mul3A_960 {strides = array<i32>} : memref<320x64xf32, #tpu.memory_space<vmem>>, vector<16xf32>,
          %get3A_964 = arith.index_cast %add3A_956 : i32 to index
          %get3A_965 = arith.constant 16 : index
          %get3A_966 = tpu.vector_load %arg16[%get3A_964, %get3A_965] {strides = array<i32>} : memref<320x64xf32, #tpu.memory_space<vmem>>, vector<16xf32>,
          %mul3A_967 = arith.mulf %get3A_966, %gather3A_948 : vector<16xf32>
          %swap3A_968 = arith.index_cast %add3A_956 : i32 to index
          %swap3A_969 = arith.constant 16 : index
          %swap3A_970 = tpu.vector_load %arg16[%swap3A_968, %swap3A_969] {strides = array<i32>} : memref<320x64xf32, #tpu.memory_space<vmem>>, vector<16xf32>,
          tpu.vector_store %arg16[%swap3A_968, %swap3A_969], %mul3A_967 {strides = array<i32>} : memref<320x64xf32, #tpu.memory_space<vmem>>, vector<16xf32>,
          %get3A_971 = arith.index_cast %add3A_956 : i32 to index
          %get3A_972 = arith.constant 32 : index
          %get3A_973 = tpu.vector_load %arg16[%get3A_971, %get3A_972] {strides = array<i32>} : memref<320x64xf32, #tpu.memory_space<vmem>>, vector<16xf32>,
          %mul3A_974 = arith.mulf %get3A_973, %gather3A_948 : vector<16xf32>
          %swap3A_975 = arith.index_cast %add3A_956 : i32 to index
          %swap3A_976 = arith.constant 32 : index
          %swap3A_977 = tpu.vector_load %arg16[%swap3A_975, %swap3A_976] {strides = array<i32>} : memref<320x64xf32, #tpu.memory_space<vmem>>, vector<16xf32>,
          tpu.vector_store %arg16[%swap3A_975, %swap3A_976], %mul3A_974 {strides = array<i32>} : memref<320x64xf32, #tpu.memory_space<vmem>>, vector<16xf32>,
          %get3A_978 = arith.index_cast %add3A_956 : i32 to index
          %get3A_979 = arith.constant 48 : index
          %get3A_980 = tpu.vector_load %arg16[%get3A_978, %get3A_979] {strides = array<i32>} : memref<320x64xf32, #tpu.memory_space<vmem>>, vector<16xf32>,
          %mul3A_981 = arith.mulf %get3A_980, %gather3A_948 : vector<16xf32>
          %swap3A_982 = arith.index_cast %add3A_956 : i32 to index
          %swap3A_983 = arith.constant 48 : index
          %swap3A_984 = tpu.vector_load %arg16[%swap3A_982, %swap3A_983] {strides = array<i32>} : memref<320x64xf32, #tpu.memory_space<vmem>>, vector<16xf32>,
          tpu.vector_store %arg16[%swap3A_982, %swap3A_983], %mul3A_981 {strides = array<i32>} : memref<320x64xf32, #tpu.memory_space<vmem>>, vector<16xf32>,
          %mul3A_985 = arith.constant 16 : i32
          %mul3A_986 = arith.muli %scan3A_493, %mul3A_985 : i32
          %add3A_987 = arith.addi %mul3A_453, %mul3A_986 : i32
          %add3A_988 = arith.constant 9 : i32
          %add3A_989 = arith.addi %add3A_987, %add3A_988 : i32
          %swap3A_990 = arith.index_cast %add3A_989 : i32 to index
          %swap3A_991 = arith.constant 0 : index
          %swap3A_992 = tpu.vector_load %arg17[%swap3A_990, %swap3A_991] {strides = array<i32>} : memref<320x16xf32, #tpu.memory_space<vmem>>, vector<16xf32>,
          tpu.vector_store %arg17[%swap3A_990, %swap3A_991], %gather3A_951 {strides = array<i32>} : memref<320x16xf32, #tpu.memory_space<vmem>>, vector<16xf32>,
          %broadcast_in_dim3A_993 = arith.constant 10 : i32
          %broadcast_in_dim3A_994 = vector.broadcast %broadcast_in_dim3A_993 : i32 to vector<16xi32>
          %broadcast_in_dim3A_995 = vector.shape_cast %broadcast_in_dim3A_994 : vector<16xi32> to vector<16x1xi32>
          %gather3A_996 = vector.shape_cast %broadcast_in_dim3A_995 : vector<16x1xi32> to vector<16xi32>
          %gather3A_997 = tpu.dynamic_gather %get3A_498[%gather3A_996] in [0] : vector<16xf32>, vector<16xi32> -> vector<16xf32>
          %broadcast_in_dim3A_998 = vector.shape_cast %broadcast_in_dim3A_994 : vector<16xi32> to vector<16x1xi32>
          %gather3A_999 = vector.shape_cast %broadcast_in_dim3A_998 : vector<16x1xi32> to vector<16xi32>
          %gather3A_1000 = tpu.dynamic_gather %get3A_502[%gather3A_999] in [0] : vector<16xf32>, vector<16xi32> -> vector<16xf32>
          %mul3A_1001 = arith.constant 16 : i32
          %mul3A_1002 = arith.muli %scan3A_493, %mul3A_1001 : i32
          %add3A_1003 = arith.addi %mul3A_453, %mul3A_1002 : i32
          %add3A_1004 = arith.constant 10 : i32
          %add3A_1005 = arith.addi %add3A_1003, %add3A_1004 : i32
          %get3A_1006 = arith.index_cast %add3A_1005 : i32 to index
          %get3A_1007 = arith.constant 0 : index
          %get3A_1008 = tpu.vector_load %arg16[%get3A_1006, %get3A_1007] {strides = array<i32>} : memref<320x64xf32, #tpu.memory_space<vmem>>, vector<16xf32>,
          %mul3A_1009 = arith.mulf %get3A_1008, %gather3A_997 : vector<16xf32>
          %swap3A_1010 = arith.index_cast %add3A_1005 : i32 to index
          %swap3A_1011 = arith.constant 0 : index
          %swap3A_1012 = tpu.vector_load %arg16[%swap3A_1010, %swap3A_1011] {strides = array<i32>} : memref<320x64xf32, #tpu.memory_space<vmem>>, vector<16xf32>,
          tpu.vector_store %arg16[%swap3A_1010, %swap3A_1011], %mul3A_1009 {strides = array<i32>} : memref<320x64xf32, #tpu.memory_space<vmem>>, vector<16xf32>,
          %get3A_1013 = arith.index_cast %add3A_1005 : i32 to index
          %get3A_1014 = arith.constant 16 : index
          %get3A_1015 = tpu.vector_load %arg16[%get3A_1013, %get3A_1014] {strides = array<i32>} : memref<320x64xf32, #tpu.memory_space<vmem>>, vector<16xf32>,
          %mul3A_1016 = arith.mulf %get3A_1015, %gather3A_997 : vector<16xf32>
          %swap3A_1017 = arith.index_cast %add3A_1005 : i32 to index
          %swap3A_1018 = arith.constant 16 : index
          %swap3A_1019 = tpu.vector_load %arg16[%swap3A_1017, %swap3A_1018] {strides = array<i32>} : memref<320x64xf32, #tpu.memory_space<vmem>>, vector<16xf32>,
          tpu.vector_store %arg16[%swap3A_1017, %swap3A_1018], %mul3A_1016 {strides = array<i32>} : memref<320x64xf32, #tpu.memory_space<vmem>>, vector<16xf32>,
          %get3A_1020 = arith.index_cast %add3A_1005 : i32 to index
          %get3A_1021 = arith.constant 32 : index
          %get3A_1022 = tpu.vector_load %arg16[%get3A_1020, %get3A_1021] {strides = array<i32>} : memref<320x64xf32, #tpu.memory_space<vmem>>, vector<16xf32>,
          %mul3A_1023 = arith.mulf %get3A_1022, %gather3A_997 : vector<16xf32>
          %swap3A_1024 = arith.index_cast %add3A_1005 : i32 to index
          %swap3A_1025 = arith.constant 32 : index
          %swap3A_1026 = tpu.vector_load %arg16[%swap3A_1024, %swap3A_1025] {strides = array<i32>} : memref<320x64xf32, #tpu.memory_space<vmem>>, vector<16xf32>,
          tpu.vector_store %arg16[%swap3A_1024, %swap3A_1025], %mul3A_1023 {strides = array<i32>} : memref<320x64xf32, #tpu.memory_space<vmem>>, vector<16xf32>,
          %get3A_1027 = arith.index_cast %add3A_1005 : i32 to index
          %get3A_1028 = arith.constant 48 : index
          %get3A_1029 = tpu.vector_load %arg16[%get3A_1027, %get3A_1028] {strides = array<i32>} : memref<320x64xf32, #tpu.memory_space<vmem>>, vector<16xf32>,
          %mul3A_1030 = arith.mulf %get3A_1029, %gather3A_997 : vector<16xf32>
          %swap3A_1031 = arith.index_cast %add3A_1005 : i32 to index
          %swap3A_1032 = arith.constant 48 : index
          %swap3A_1033 = tpu.vector_load %arg16[%swap3A_1031, %swap3A_1032] {strides = array<i32>} : memref<320x64xf32, #tpu.memory_space<vmem>>, vector<16xf32>,
          tpu.vector_store %arg16[%swap3A_1031, %swap3A_1032], %mul3A_1030 {strides = array<i32>} : memref<320x64xf32, #tpu.memory_space<vmem>>, vector<16xf32>,
          %mul3A_1034 = arith.constant 16 : i32
          %mul3A_1035 = arith.muli %scan3A_493, %mul3A_1034 : i32
          %add3A_1036 = arith.addi %mul3A_453, %mul3A_1035 : i32
          %add3A_1037 = arith.constant 10 : i32
          %add3A_1038 = arith.addi %add3A_1036, %add3A_1037 : i32
          %swap3A_1039 = arith.index_cast %add3A_1038 : i32 to index
          %swap3A_1040 = arith.constant 0 : index
          %swap3A_1041 = tpu.vector_load %arg17[%swap3A_1039, %swap3A_1040] {strides = array<i32>} : memref<320x16xf32, #tpu.memory_space<vmem>>, vector<16xf32>,
          tpu.vector_store %arg17[%swap3A_1039, %swap3A_1040], %gather3A_1000 {strides = array<i32>} : memref<320x16xf32, #tpu.memory_space<vmem>>, vector<16xf32>,
          %broadcast_in_dim3A_1042 = arith.constant 11 : i32
          %broadcast_in_dim3A_1043 = vector.broadcast %broadcast_in_dim3A_1042 : i32 to vector<16xi32>
          %broadcast_in_dim3A_1044 = vector.shape_cast %broadcast_in_dim3A_1043 : vector<16xi32> to vector<16x1xi32>
          %gather3A_1045 = vector.shape_cast %broadcast_in_dim3A_1044 : vector<16x1xi32> to vector<16xi32>
          %gather3A_1046 = tpu.dynamic_gather %get3A_498[%gather3A_1045] in [0] : vector<16xf32>, vector<16xi32> -> vector<16xf32>
          %broadcast_in_dim3A_1047 = vector.shape_cast %broadcast_in_dim3A_1043 : vector<16xi32> to vector<16x1xi32>
          %gather3A_1048 = vector.shape_cast %broadcast_in_dim3A_1047 : vector<16x1xi32> to vector<16xi32>
          %gather3A_1049 = tpu.dynamic_gather %get3A_502[%gather3A_1048] in [0] : vector<16xf32>, vector<16xi32> -> vector<16xf32>
          %mul3A_1050 = arith.constant 16 : i32
          %mul3A_1051 = arith.muli %scan3A_493, %mul3A_1050 : i32
          %add3A_1052 = arith.addi %mul3A_453, %mul3A_1051 : i32
          %add3A_1053 = arith.constant 11 : i32
          %add3A_1054 = arith.addi %add3A_1052, %add3A_1053 : i32
          %get3A_1055 = arith.index_cast %add3A_1054 : i32 to index
          %get3A_1056 = arith.constant 0 : index
          %get3A_1057 = tpu.vector_load %arg16[%get3A_1055, %get3A_1056] {strides = array<i32>} : memref<320x64xf32, #tpu.memory_space<vmem>>, vector<16xf32>,
          %mul3A_1058 = arith.mulf %get3A_1057, %gather3A_1046 : vector<16xf32>
          %swap3A_1059 = arith.index_cast %add3A_1054 : i32 to index
          %swap3A_1060 = arith.constant 0 : index
          %swap3A_1061 = tpu.vector_load %arg16[%swap3A_1059, %swap3A_1060] {strides = array<i32>} : memref<320x64xf32, #tpu.memory_space<vmem>>, vector<16xf32>,
          tpu.vector_store %arg16[%swap3A_1059, %swap3A_1060], %mul3A_1058 {strides = array<i32>} : memref<320x64xf32, #tpu.memory_space<vmem>>, vector<16xf32>,
          %get3A_1062 = arith.index_cast %add3A_1054 : i32 to index
          %get3A_1063 = arith.constant 16 : index
          %get3A_1064 = tpu.vector_load %arg16[%get3A_1062, %get3A_1063] {strides = array<i32>} : memref<320x64xf32, #tpu.memory_space<vmem>>, vector<16xf32>,
          %mul3A_1065 = arith.mulf %get3A_1064, %gather3A_1046 : vector<16xf32>
          %swap3A_1066 = arith.index_cast %add3A_1054 : i32 to index
          %swap3A_1067 = arith.constant 16 : index
          %swap3A_1068 = tpu.vector_load %arg16[%swap3A_1066, %swap3A_1067] {strides = array<i32>} : memref<320x64xf32, #tpu.memory_space<vmem>>, vector<16xf32>,
          tpu.vector_store %arg16[%swap3A_1066, %swap3A_1067], %mul3A_1065 {strides = array<i32>} : memref<320x64xf32, #tpu.memory_space<vmem>>, vector<16xf32>,
          %get3A_1069 = arith.index_cast %add3A_1054 : i32 to index
          %get3A_1070 = arith.constant 32 : index
          %get3A_1071 = tpu.vector_load %arg16[%get3A_1069, %get3A_1070] {strides = array<i32>} : memref<320x64xf32, #tpu.memory_space<vmem>>, vector<16xf32>,
          %mul3A_1072 = arith.mulf %get3A_1071, %gather3A_1046 : vector<16xf32>
          %swap3A_1073 = arith.index_cast %add3A_1054 : i32 to index
          %swap3A_1074 = arith.constant 32 : index
          %swap3A_1075 = tpu.vector_load %arg16[%swap3A_1073, %swap3A_1074] {strides = array<i32>} : memref<320x64xf32, #tpu.memory_space<vmem>>, vector<16xf32>,
          tpu.vector_store %arg16[%swap3A_1073, %swap3A_1074], %mul3A_1072 {strides = array<i32>} : memref<320x64xf32, #tpu.memory_space<vmem>>, vector<16xf32>,
          %get3A_1076 = arith.index_cast %add3A_1054 : i32 to index
          %get3A_1077 = arith.constant 48 : index
          %get3A_1078 = tpu.vector_load %arg16[%get3A_1076, %get3A_1077] {strides = array<i32>} : memref<320x64xf32, #tpu.memory_space<vmem>>, vector<16xf32>,
          %mul3A_1079 = arith.mulf %get3A_1078, %gather3A_1046 : vector<16xf32>
          %swap3A_1080 = arith.index_cast %add3A_1054 : i32 to index
          %swap3A_1081 = arith.constant 48 : index
          %swap3A_1082 = tpu.vector_load %arg16[%swap3A_1080, %swap3A_1081] {strides = array<i32>} : memref<320x64xf32, #tpu.memory_space<vmem>>, vector<16xf32>,
          tpu.vector_store %arg16[%swap3A_1080, %swap3A_1081], %mul3A_1079 {strides = array<i32>} : memref<320x64xf32, #tpu.memory_space<vmem>>, vector<16xf32>,
          %mul3A_1083 = arith.constant 16 : i32
          %mul3A_1084 = arith.muli %scan3A_493, %mul3A_1083 : i32
          %add3A_1085 = arith.addi %mul3A_453, %mul3A_1084 : i32
          %add3A_1086 = arith.constant 11 : i32
          %add3A_1087 = arith.addi %add3A_1085, %add3A_1086 : i32
          %swap3A_1088 = arith.index_cast %add3A_1087 : i32 to index
          %swap3A_1089 = arith.constant 0 : index
          %swap3A_1090 = tpu.vector_load %arg17[%swap3A_1088, %swap3A_1089] {strides = array<i32>} : memref<320x16xf32, #tpu.memory_space<vmem>>, vector<16xf32>,
          tpu.vector_store %arg17[%swap3A_1088, %swap3A_1089], %gather3A_1049 {strides = array<i32>} : memref<320x16xf32, #tpu.memory_space<vmem>>, vector<16xf32>,
          %broadcast_in_dim3A_1091 = arith.constant 12 : i32
          %broadcast_in_dim3A_1092 = vector.broadcast %broadcast_in_dim3A_1091 : i32 to vector<16xi32>
          %broadcast_in_dim3A_1093 = vector.shape_cast %broadcast_in_dim3A_1092 : vector<16xi32> to vector<16x1xi32>
          %gather3A_1094 = vector.shape_cast %broadcast_in_dim3A_1093 : vector<16x1xi32> to vector<16xi32>
          %gather3A_1095 = tpu.dynamic_gather %get3A_498[%gather3A_1094] in [0] : vector<16xf32>, vector<16xi32> -> vector<16xf32>
          %broadcast_in_dim3A_1096 = vector.shape_cast %broadcast_in_dim3A_1092 : vector<16xi32> to vector<16x1xi32>
          %gather3A_1097 = vector.shape_cast %broadcast_in_dim3A_1096 : vector<16x1xi32> to vector<16xi32>
          %gather3A_1098 = tpu.dynamic_gather %get3A_502[%gather3A_1097] in [0] : vector<16xf32>, vector<16xi32> -> vector<16xf32>
          %mul3A_1099 = arith.constant 16 : i32
          %mul3A_1100 = arith.muli %scan3A_493, %mul3A_1099 : i32
          %add3A_1101 = arith.addi %mul3A_453, %mul3A_1100 : i32
          %add3A_1102 = arith.constant 12 : i32
          %add3A_1103 = arith.addi %add3A_1101, %add3A_1102 : i32
          %get3A_1104 = arith.index_cast %add3A_1103 : i32 to index
          %get3A_1105 = arith.constant 0 : index
          %get3A_1106 = tpu.vector_load %arg16[%get3A_1104, %get3A_1105] {strides = array<i32>} : memref<320x64xf32, #tpu.memory_space<vmem>>, vector<16xf32>,
          %mul3A_1107 = arith.mulf %get3A_1106, %gather3A_1095 : vector<16xf32>
          %swap3A_1108 = arith.index_cast %add3A_1103 : i32 to index
          %swap3A_1109 = arith.constant 0 : index
          %swap3A_1110 = tpu.vector_load %arg16[%swap3A_1108, %swap3A_1109] {strides = array<i32>} : memref<320x64xf32, #tpu.memory_space<vmem>>, vector<16xf32>,
          tpu.vector_store %arg16[%swap3A_1108, %swap3A_1109], %mul3A_1107 {strides = array<i32>} : memref<320x64xf32, #tpu.memory_space<vmem>>, vector<16xf32>,
          %get3A_1111 = arith.index_cast %add3A_1103 : i32 to index
          %get3A_1112 = arith.constant 16 : index
          %get3A_1113 = tpu.vector_load %arg16[%get3A_1111, %get3A_1112] {strides = array<i32>} : memref<320x64xf32, #tpu.memory_space<vmem>>, vector<16xf32>,
          %mul3A_1114 = arith.mulf %get3A_1113, %gather3A_1095 : vector<16xf32>
          %swap3A_1115 = arith.index_cast %add3A_1103 : i32 to index
          %swap3A_1116 = arith.constant 16 : index
          %swap3A_1117 = tpu.vector_load %arg16[%swap3A_1115, %swap3A_1116] {strides = array<i32>} : memref<320x64xf32, #tpu.memory_space<vmem>>, vector<16xf32>,
          tpu.vector_store %arg16[%swap3A_1115, %swap3A_1116], %mul3A_1114 {strides = array<i32>} : memref<320x64xf32, #tpu.memory_space<vmem>>, vector<16xf32>,
          %get3A_1118 = arith.index_cast %add3A_1103 : i32 to index
          %get3A_1119 = arith.constant 32 : index
          %get3A_1120 = tpu.vector_load %arg16[%get3A_1118, %get3A_1119] {strides = array<i32>} : memref<320x64xf32, #tpu.memory_space<vmem>>, vector<16xf32>,
          %mul3A_1121 = arith.mulf %get3A_1120, %gather3A_1095 : vector<16xf32>
          %swap3A_1122 = arith.index_cast %add3A_1103 : i32 to index
          %swap3A_1123 = arith.constant 32 : index
          %swap3A_1124 = tpu.vector_load %arg16[%swap3A_1122, %swap3A_1123] {strides = array<i32>} : memref<320x64xf32, #tpu.memory_space<vmem>>, vector<16xf32>,
          tpu.vector_store %arg16[%swap3A_1122, %swap3A_1123], %mul3A_1121 {strides = array<i32>} : memref<320x64xf32, #tpu.memory_space<vmem>>, vector<16xf32>,
          %get3A_1125 = arith.index_cast %add3A_1103 : i32 to index
          %get3A_1126 = arith.constant 48 : index
          %get3A_1127 = tpu.vector_load %arg16[%get3A_1125, %get3A_1126] {strides = array<i32>} : memref<320x64xf32, #tpu.memory_space<vmem>>, vector<16xf32>,
          %mul3A_1128 = arith.mulf %get3A_1127, %gather3A_1095 : vector<16xf32>
          %swap3A_1129 = arith.index_cast %add3A_1103 : i32 to index
          %swap3A_1130 = arith.constant 48 : index
          %swap3A_1131 = tpu.vector_load %arg16[%swap3A_1129, %swap3A_1130] {strides = array<i32>} : memref<320x64xf32, #tpu.memory_space<vmem>>, vector<16xf32>,
          tpu.vector_store %arg16[%swap3A_1129, %swap3A_1130], %mul3A_1128 {strides = array<i32>} : memref<320x64xf32, #tpu.memory_space<vmem>>, vector<16xf32>,
          %mul3A_1132 = arith.constant 16 : i32
          %mul3A_1133 = arith.muli %scan3A_493, %mul3A_1132 : i32
          %add3A_1134 = arith.addi %mul3A_453, %mul3A_1133 : i32
          %add3A_1135 = arith.constant 12 : i32
          %add3A_1136 = arith.addi %add3A_1134, %add3A_1135 : i32
          %swap3A_1137 = arith.index_cast %add3A_1136 : i32 to index
          %swap3A_1138 = arith.constant 0 : index
          %swap3A_1139 = tpu.vector_load %arg17[%swap3A_1137, %swap3A_1138] {strides = array<i32>} : memref<320x16xf32, #tpu.memory_space<vmem>>, vector<16xf32>,
          tpu.vector_store %arg17[%swap3A_1137, %swap3A_1138], %gather3A_1098 {strides = array<i32>} : memref<320x16xf32, #tpu.memory_space<vmem>>, vector<16xf32>,
          %broadcast_in_dim3A_1140 = arith.constant 13 : i32
          %broadcast_in_dim3A_1141 = vector.broadcast %broadcast_in_dim3A_1140 : i32 to vector<16xi32>
          %broadcast_in_dim3A_1142 = vector.shape_cast %broadcast_in_dim3A_1141 : vector<16xi32> to vector<16x1xi32>
          %gather3A_1143 = vector.shape_cast %broadcast_in_dim3A_1142 : vector<16x1xi32> to vector<16xi32>
          %gather3A_1144 = tpu.dynamic_gather %get3A_498[%gather3A_1143] in [0] : vector<16xf32>, vector<16xi32> -> vector<16xf32>
          %broadcast_in_dim3A_1145 = vector.shape_cast %broadcast_in_dim3A_1141 : vector<16xi32> to vector<16x1xi32>
          %gather3A_1146 = vector.shape_cast %broadcast_in_dim3A_1145 : vector<16x1xi32> to vector<16xi32>
          %gather3A_1147 = tpu.dynamic_gather %get3A_502[%gather3A_1146] in [0] : vector<16xf32>, vector<16xi32> -> vector<16xf32>
          %mul3A_1148 = arith.constant 16 : i32
          %mul3A_1149 = arith.muli %scan3A_493, %mul3A_1148 : i32
          %add3A_1150 = arith.addi %mul3A_453, %mul3A_1149 : i32
          %add3A_1151 = arith.constant 13 : i32
          %add3A_1152 = arith.addi %add3A_1150, %add3A_1151 : i32
          %get3A_1153 = arith.index_cast %add3A_1152 : i32 to index
          %get3A_1154 = arith.constant 0 : index
          %get3A_1155 = tpu.vector_load %arg16[%get3A_1153, %get3A_1154] {strides = array<i32>} : memref<320x64xf32, #tpu.memory_space<vmem>>, vector<16xf32>,
          %mul3A_1156 = arith.mulf %get3A_1155, %gather3A_1144 : vector<16xf32>
          %swap3A_1157 = arith.index_cast %add3A_1152 : i32 to index
          %swap3A_1158 = arith.constant 0 : index
          %swap3A_1159 = tpu.vector_load %arg16[%swap3A_1157, %swap3A_1158] {strides = array<i32>} : memref<320x64xf32, #tpu.memory_space<vmem>>, vector<16xf32>,
          tpu.vector_store %arg16[%swap3A_1157, %swap3A_1158], %mul3A_1156 {strides = array<i32>} : memref<320x64xf32, #tpu.memory_space<vmem>>, vector<16xf32>,
          %get3A_1160 = arith.index_cast %add3A_1152 : i32 to index
          %get3A_1161 = arith.constant 16 : index
          %get3A_1162 = tpu.vector_load %arg16[%get3A_1160, %get3A_1161] {strides = array<i32>} : memref<320x64xf32, #tpu.memory_space<vmem>>, vector<16xf32>,
          %mul3A_1163 = arith.mulf %get3A_1162, %gather3A_1144 : vector<16xf32>
          %swap3A_1164 = arith.index_cast %add3A_1152 : i32 to index
          %swap3A_1165 = arith.constant 16 : index
          %swap3A_1166 = tpu.vector_load %arg16[%swap3A_1164, %swap3A_1165] {strides = array<i32>} : memref<320x64xf32, #tpu.memory_space<vmem>>, vector<16xf32>,
          tpu.vector_store %arg16[%swap3A_1164, %swap3A_1165], %mul3A_1163 {strides = array<i32>} : memref<320x64xf32, #tpu.memory_space<vmem>>, vector<16xf32>,
          %get3A_1167 = arith.index_cast %add3A_1152 : i32 to index
          %get3A_1168 = arith.constant 32 : index
          %get3A_1169 = tpu.vector_load %arg16[%get3A_1167, %get3A_1168] {strides = array<i32>} : memref<320x64xf32, #tpu.memory_space<vmem>>, vector<16xf32>,
          %mul3A_1170 = arith.mulf %get3A_1169, %gather3A_1144 : vector<16xf32>
          %swap3A_1171 = arith.index_cast %add3A_1152 : i32 to index
          %swap3A_1172 = arith.constant 32 : index
          %swap3A_1173 = tpu.vector_load %arg16[%swap3A_1171, %swap3A_1172] {strides = array<i32>} : memref<320x64xf32, #tpu.memory_space<vmem>>, vector<16xf32>,
          tpu.vector_store %arg16[%swap3A_1171, %swap3A_1172], %mul3A_1170 {strides = array<i32>} : memref<320x64xf32, #tpu.memory_space<vmem>>, vector<16xf32>,
          %get3A_1174 = arith.index_cast %add3A_1152 : i32 to index
          %get3A_1175 = arith.constant 48 : index
          %get3A_1176 = tpu.vector_load %arg16[%get3A_1174, %get3A_1175] {strides = array<i32>} : memref<320x64xf32, #tpu.memory_space<vmem>>, vector<16xf32>,
          %mul3A_1177 = arith.mulf %get3A_1176, %gather3A_1144 : vector<16xf32>
          %swap3A_1178 = arith.index_cast %add3A_1152 : i32 to index
          %swap3A_1179 = arith.constant 48 : index
          %swap3A_1180 = tpu.vector_load %arg16[%swap3A_1178, %swap3A_1179] {strides = array<i32>} : memref<320x64xf32, #tpu.memory_space<vmem>>, vector<16xf32>,
          tpu.vector_store %arg16[%swap3A_1178, %swap3A_1179], %mul3A_1177 {strides = array<i32>} : memref<320x64xf32, #tpu.memory_space<vmem>>, vector<16xf32>,
          %mul3A_1181 = arith.constant 16 : i32
          %mul3A_1182 = arith.muli %scan3A_493, %mul3A_1181 : i32
          %add3A_1183 = arith.addi %mul3A_453, %mul3A_1182 : i32
          %add3A_1184 = arith.constant 13 : i32
          %add3A_1185 = arith.addi %add3A_1183, %add3A_1184 : i32
          %swap3A_1186 = arith.index_cast %add3A_1185 : i32 to index
          %swap3A_1187 = arith.constant 0 : index
          %swap3A_1188 = tpu.vector_load %arg17[%swap3A_1186, %swap3A_1187] {strides = array<i32>} : memref<320x16xf32, #tpu.memory_space<vmem>>, vector<16xf32>,
          tpu.vector_store %arg17[%swap3A_1186, %swap3A_1187], %gather3A_1147 {strides = array<i32>} : memref<320x16xf32, #tpu.memory_space<vmem>>, vector<16xf32>,
          %broadcast_in_dim3A_1189 = arith.constant 14 : i32
          %broadcast_in_dim3A_1190 = vector.broadcast %broadcast_in_dim3A_1189 : i32 to vector<16xi32>
          %broadcast_in_dim3A_1191 = vector.shape_cast %broadcast_in_dim3A_1190 : vector<16xi32> to vector<16x1xi32>
          %gather3A_1192 = vector.shape_cast %broadcast_in_dim3A_1191 : vector<16x1xi32> to vector<16xi32>
          %gather3A_1193 = tpu.dynamic_gather %get3A_498[%gather3A_1192] in [0] : vector<16xf32>, vector<16xi32> -> vector<16xf32>
          %broadcast_in_dim3A_1194 = vector.shape_cast %broadcast_in_dim3A_1190 : vector<16xi32> to vector<16x1xi32>
          %gather3A_1195 = vector.shape_cast %broadcast_in_dim3A_1194 : vector<16x1xi32> to vector<16xi32>
          %gather3A_1196 = tpu.dynamic_gather %get3A_502[%gather3A_1195] in [0] : vector<16xf32>, vector<16xi32> -> vector<16xf32>
          %mul3A_1197 = arith.constant 16 : i32
          %mul3A_1198 = arith.muli %scan3A_493, %mul3A_1197 : i32
          %add3A_1199 = arith.addi %mul3A_453, %mul3A_1198 : i32
          %add3A_1200 = arith.constant 14 : i32
          %add3A_1201 = arith.addi %add3A_1199, %add3A_1200 : i32
          %get3A_1202 = arith.index_cast %add3A_1201 : i32 to index
          %get3A_1203 = arith.constant 0 : index
          %get3A_1204 = tpu.vector_load %arg16[%get3A_1202, %get3A_1203] {strides = array<i32>} : memref<320x64xf32, #tpu.memory_space<vmem>>, vector<16xf32>,
          %mul3A_1205 = arith.mulf %get3A_1204, %gather3A_1193 : vector<16xf32>
          %swap3A_1206 = arith.index_cast %add3A_1201 : i32 to index
          %swap3A_1207 = arith.constant 0 : index
          %swap3A_1208 = tpu.vector_load %arg16[%swap3A_1206, %swap3A_1207] {strides = array<i32>} : memref<320x64xf32, #tpu.memory_space<vmem>>, vector<16xf32>,
          tpu.vector_store %arg16[%swap3A_1206, %swap3A_1207], %mul3A_1205 {strides = array<i32>} : memref<320x64xf32, #tpu.memory_space<vmem>>, vector<16xf32>,
          %get3A_1209 = arith.index_cast %add3A_1201 : i32 to index
          %get3A_1210 = arith.constant 16 : index
          %get3A_1211 = tpu.vector_load %arg16[%get3A_1209, %get3A_1210] {strides = array<i32>} : memref<320x64xf32, #tpu.memory_space<vmem>>, vector<16xf32>,
          %mul3A_1212 = arith.mulf %get3A_1211, %gather3A_1193 : vector<16xf32>
          %swap3A_1213 = arith.index_cast %add3A_1201 : i32 to index
          %swap3A_1214 = arith.constant 16 : index
          %swap3A_1215 = tpu.vector_load %arg16[%swap3A_1213, %swap3A_1214] {strides = array<i32>} : memref<320x64xf32, #tpu.memory_space<vmem>>, vector<16xf32>,
          tpu.vector_store %arg16[%swap3A_1213, %swap3A_1214], %mul3A_1212 {strides = array<i32>} : memref<320x64xf32, #tpu.memory_space<vmem>>, vector<16xf32>,
          %get3A_1216 = arith.index_cast %add3A_1201 : i32 to index
          %get3A_1217 = arith.constant 32 : index
          %get3A_1218 = tpu.vector_load %arg16[%get3A_1216, %get3A_1217] {strides = array<i32>} : memref<320x64xf32, #tpu.memory_space<vmem>>, vector<16xf32>,
          %mul3A_1219 = arith.mulf %get3A_1218, %gather3A_1193 : vector<16xf32>
          %swap3A_1220 = arith.index_cast %add3A_1201 : i32 to index
          %swap3A_1221 = arith.constant 32 : index
          %swap3A_1222 = tpu.vector_load %arg16[%swap3A_1220, %swap3A_1221] {strides = array<i32>} : memref<320x64xf32, #tpu.memory_space<vmem>>, vector<16xf32>,
          tpu.vector_store %arg16[%swap3A_1220, %swap3A_1221], %mul3A_1219 {strides = array<i32>} : memref<320x64xf32, #tpu.memory_space<vmem>>, vector<16xf32>,
          %get3A_1223 = arith.index_cast %add3A_1201 : i32 to index
          %get3A_1224 = arith.constant 48 : index
          %get3A_1225 = tpu.vector_load %arg16[%get3A_1223, %get3A_1224] {strides = array<i32>} : memref<320x64xf32, #tpu.memory_space<vmem>>, vector<16xf32>,
          %mul3A_1226 = arith.mulf %get3A_1225, %gather3A_1193 : vector<16xf32>
          %swap3A_1227 = arith.index_cast %add3A_1201 : i32 to index
          %swap3A_1228 = arith.constant 48 : index
          %swap3A_1229 = tpu.vector_load %arg16[%swap3A_1227, %swap3A_1228] {strides = array<i32>} : memref<320x64xf32, #tpu.memory_space<vmem>>, vector<16xf32>,
          tpu.vector_store %arg16[%swap3A_1227, %swap3A_1228], %mul3A_1226 {strides = array<i32>} : memref<320x64xf32, #tpu.memory_space<vmem>>, vector<16xf32>,
          %mul3A_1230 = arith.constant 16 : i32
          %mul3A_1231 = arith.muli %scan3A_493, %mul3A_1230 : i32
          %add3A_1232 = arith.addi %mul3A_453, %mul3A_1231 : i32
          %add3A_1233 = arith.constant 14 : i32
          %add3A_1234 = arith.addi %add3A_1232, %add3A_1233 : i32
          %swap3A_1235 = arith.index_cast %add3A_1234 : i32 to index
          %swap3A_1236 = arith.constant 0 : index
          %swap3A_1237 = tpu.vector_load %arg17[%swap3A_1235, %swap3A_1236] {strides = array<i32>} : memref<320x16xf32, #tpu.memory_space<vmem>>, vector<16xf32>,
          tpu.vector_store %arg17[%swap3A_1235, %swap3A_1236], %gather3A_1196 {strides = array<i32>} : memref<320x16xf32, #tpu.memory_space<vmem>>, vector<16xf32>,
          %broadcast_in_dim3A_1238 = arith.constant 15 : i32
          %broadcast_in_dim3A_1239 = vector.broadcast %broadcast_in_dim3A_1238 : i32 to vector<16xi32>
          %broadcast_in_dim3A_1240 = vector.shape_cast %broadcast_in_dim3A_1239 : vector<16xi32> to vector<16x1xi32>
          %gather3A_1241 = vector.shape_cast %broadcast_in_dim3A_1240 : vector<16x1xi32> to vector<16xi32>
          %gather3A_1242 = tpu.dynamic_gather %get3A_498[%gather3A_1241] in [0] : vector<16xf32>, vector<16xi32> -> vector<16xf32>
          %broadcast_in_dim3A_1243 = vector.shape_cast %broadcast_in_dim3A_1239 : vector<16xi32> to vector<16x1xi32>
          %gather3A_1244 = vector.shape_cast %broadcast_in_dim3A_1243 : vector<16x1xi32> to vector<16xi32>
          %gather3A_1245 = tpu.dynamic_gather %get3A_502[%gather3A_1244] in [0] : vector<16xf32>, vector<16xi32> -> vector<16xf32>
          %mul3A_1246 = arith.constant 16 : i32
          %mul3A_1247 = arith.muli %scan3A_493, %mul3A_1246 : i32
          %add3A_1248 = arith.addi %mul3A_453, %mul3A_1247 : i32
          %add3A_1249 = arith.constant 15 : i32
          %add3A_1250 = arith.addi %add3A_1248, %add3A_1249 : i32
          %get3A_1251 = arith.index_cast %add3A_1250 : i32 to index
          %get3A_1252 = arith.constant 0 : index
          %get3A_1253 = tpu.vector_load %arg16[%get3A_1251, %get3A_1252] {strides = array<i32>} : memref<320x64xf32, #tpu.memory_space<vmem>>, vector<16xf32>,
          %mul3A_1254 = arith.mulf %get3A_1253, %gather3A_1242 : vector<16xf32>
          %swap3A_1255 = arith.index_cast %add3A_1250 : i32 to index
          %swap3A_1256 = arith.constant 0 : index
          %swap3A_1257 = tpu.vector_load %arg16[%swap3A_1255, %swap3A_1256] {strides = array<i32>} : memref<320x64xf32, #tpu.memory_space<vmem>>, vector<16xf32>,
          tpu.vector_store %arg16[%swap3A_1255, %swap3A_1256], %mul3A_1254 {strides = array<i32>} : memref<320x64xf32, #tpu.memory_space<vmem>>, vector<16xf32>,
          %get3A_1258 = arith.index_cast %add3A_1250 : i32 to index
          %get3A_1259 = arith.constant 16 : index
          %get3A_1260 = tpu.vector_load %arg16[%get3A_1258, %get3A_1259] {strides = array<i32>} : memref<320x64xf32, #tpu.memory_space<vmem>>, vector<16xf32>,
          %mul3A_1261 = arith.mulf %get3A_1260, %gather3A_1242 : vector<16xf32>
          %swap3A_1262 = arith.index_cast %add3A_1250 : i32 to index
          %swap3A_1263 = arith.constant 16 : index
          %swap3A_1264 = tpu.vector_load %arg16[%swap3A_1262, %swap3A_1263] {strides = array<i32>} : memref<320x64xf32, #tpu.memory_space<vmem>>, vector<16xf32>,
          tpu.vector_store %arg16[%swap3A_1262, %swap3A_1263], %mul3A_1261 {strides = array<i32>} : memref<320x64xf32, #tpu.memory_space<vmem>>, vector<16xf32>,
          %get3A_1265 = arith.index_cast %add3A_1250 : i32 to index
          %get3A_1266 = arith.constant 32 : index
          %get3A_1267 = tpu.vector_load %arg16[%get3A_1265, %get3A_1266] {strides = array<i32>} : memref<320x64xf32, #tpu.memory_space<vmem>>, vector<16xf32>,
          %mul3A_1268 = arith.mulf %get3A_1267, %gather3A_1242 : vector<16xf32>
          %swap3A_1269 = arith.index_cast %add3A_1250 : i32 to index
          %swap3A_1270 = arith.constant 32 : index
          %swap3A_1271 = tpu.vector_load %arg16[%swap3A_1269, %swap3A_1270] {strides = array<i32>} : memref<320x64xf32, #tpu.memory_space<vmem>>, vector<16xf32>,
          tpu.vector_store %arg16[%swap3A_1269, %swap3A_1270], %mul3A_1268 {strides = array<i32>} : memref<320x64xf32, #tpu.memory_space<vmem>>, vector<16xf32>,
          %get3A_1272 = arith.index_cast %add3A_1250 : i32 to index
          %get3A_1273 = arith.constant 48 : index
          %get3A_1274 = tpu.vector_load %arg16[%get3A_1272, %get3A_1273] {strides = array<i32>} : memref<320x64xf32, #tpu.memory_space<vmem>>, vector<16xf32>,
          %mul3A_1275 = arith.mulf %get3A_1274, %gather3A_1242 : vector<16xf32>
          %swap3A_1276 = arith.index_cast %add3A_1250 : i32 to index
          %swap3A_1277 = arith.constant 48 : index
          %swap3A_1278 = tpu.vector_load %arg16[%swap3A_1276, %swap3A_1277] {strides = array<i32>} : memref<320x64xf32, #tpu.memory_space<vmem>>, vector<16xf32>,
          tpu.vector_store %arg16[%swap3A_1276, %swap3A_1277], %mul3A_1275 {strides = array<i32>} : memref<320x64xf32, #tpu.memory_space<vmem>>, vector<16xf32>,
          %mul3A_1279 = arith.constant 16 : i32
          %mul3A_1280 = arith.muli %scan3A_493, %mul3A_1279 : i32
          %add3A_1281 = arith.addi %mul3A_453, %mul3A_1280 : i32
          %add3A_1282 = arith.constant 15 : i32
          %add3A_1283 = arith.addi %add3A_1281, %add3A_1282 : i32
          %swap3A_1284 = arith.index_cast %add3A_1283 : i32 to index
          %swap3A_1285 = arith.constant 0 : index
          %swap3A_1286 = tpu.vector_load %arg17[%swap3A_1284, %swap3A_1285] {strides = array<i32>} : memref<320x16xf32, #tpu.memory_space<vmem>>, vector<16xf32>,
          tpu.vector_store %arg17[%swap3A_1284, %swap3A_1285], %gather3A_1245 {strides = array<i32>} : memref<320x16xf32, #tpu.memory_space<vmem>>, vector<16xf32>,
          %scan3A_1287 = arith.constant 0 : i32
          scf.yield %scan3A_1287 : i32
        }
        %scan3A_460 = arith.constant 5 : i32
        %mul3A_461 = arith.constant 25 : i32
        %mul3A_462 = arith.muli %rem3A_305, %mul3A_461 : i32
        %add3A_463 = arith.addi %mul3A_462, %scan3A_314 : i32
        %mul3A_464 = arith.constant 80 : i32
        %mul3A_465 = arith.muli %rem3A_320, %mul3A_464 : i32
        %dma_start3A_466 = arith.constant 0 : i32
        %dma_start3A_467 = tpu.memref_slice %arg16[%mul3A_465, %dma_start3A_466] : memref<320x64xf32, #tpu.memory_space<vmem>> -> memref<80x64xf32, #tpu.memory_space<vmem>>
        %dma_start3A_468 = arith.constant 0 : i32
        %dma_start3A_469 = tpu.memref_slice %arg13[%add3A_463, %dma_start3A_468] : memref<50x80xi32, #tpu.memory_space<vmem>> -> memref<1x80xi32, #tpu.memory_space<vmem>>
        %dma_start3A_470 = tpu.memref_squeeze %dma_start3A_469 : memref<1x80xi32, #tpu.memory_space<vmem>> -> memref<80xi32, #tpu.memory_space<vmem>>
        %dma_start3A_471 = arith.constant 0 : i32
        %dma_start3A_472 = arith.constant 0 : i32
        %dma_start3A_473 = tpu.memref_slice %arg20[%dma_start3A_471, %dma_start3A_472] : memref<10240x64xf32, #tpu.memory_space<vmem_shared>> -> memref<10240x64xf32, #tpu.memory_space<vmem_shared>>
        tpu.enqueue_indirect_dma source(%dma_start3A_467 : memref<80x64xf32, #tpu.memory_space<vmem>>) target(%dma_start3A_473 : memref<10240x64xf32, #tpu.memory_space<vmem_shared>>) offsets(%dma_start3A_470 : memref<80xi32, #tpu.memory_space<vmem>>) semaphore(%arg23 : memref<!tpu.dma_semaphore, #tpu.memory_space<semaphore_mem>>) {add = true}
        %mul3A_474 = arith.constant 80 : i32
        %mul3A_475 = arith.muli %rem3A_320, %mul3A_474 : i32
        %dma_start3A_476 = arith.constant 0 : i32
        %dma_start3A_477 = tpu.memref_slice %arg17[%mul3A_475, %dma_start3A_476] : memref<320x16xf32, #tpu.memory_space<vmem>> -> memref<80x16xf32, #tpu.memory_space<vmem>>
        %dma_start3A_478 = arith.constant 0 : i32
        %dma_start3A_479 = tpu.memref_slice %arg13[%add3A_463, %dma_start3A_478] : memref<50x80xi32, #tpu.memory_space<vmem>> -> memref<1x80xi32, #tpu.memory_space<vmem>>
        %dma_start3A_480 = tpu.memref_squeeze %dma_start3A_479 : memref<1x80xi32, #tpu.memory_space<vmem>> -> memref<80xi32, #tpu.memory_space<vmem>>
        %dma_start3A_481 = arith.constant 0 : i32
        %dma_start3A_482 = arith.constant 0 : i32
        %dma_start3A_483 = tpu.memref_slice %arg21[%dma_start3A_481, %dma_start3A_482] : memref<10240x16xf32, #tpu.memory_space<vmem_shared>> -> memref<10240x16xf32, #tpu.memory_space<vmem_shared>>
        tpu.enqueue_indirect_dma source(%dma_start3A_477 : memref<80x16xf32, #tpu.memory_space<vmem>>) target(%dma_start3A_483 : memref<10240x16xf32, #tpu.memory_space<vmem_shared>>) offsets(%dma_start3A_480 : memref<80xi32, #tpu.memory_space<vmem>>) semaphore(%arg23 : memref<!tpu.dma_semaphore, #tpu.memory_space<semaphore_mem>>) {add = true}
        %eq3A_484 = arith.constant 1 : i32
        %eq3A_485 = arith.cmpi eq, %scan3A_314, %eq3A_484 : i32
        %lt3A_486 = arith.constant 9 : i32
        %lt3A_487 = arith.cmpi slt, %scan3A_303, %lt3A_486 : i32
        %and3A_488 = arith.andi %eq3A_485, %lt3A_487 : i1
        %convert_element_type3A_489 = arith.extui %and3A_488 : i1 to i32
        %cond3A_490 = arith.constant 0 : i32
        %cond3A_491 = arith.cmpi ne, %convert_element_type3A_489, %cond3A_490 : i32
        scf.if %cond3A_491 {
          %add3A_493 = arith.constant 1 : i32
          %add3A_494 = arith.addi %scan3A_303, %add3A_493 : i32
          %sub3A_495 = arith.constant 1 : i32
          %sub3A_496 = arith.subi %sub3A_495, %rem3A_305 : i32
          %mul3A_497 = arith.constant 25 : i32
          %mul3A_498 = arith.muli %sub3A_496, %mul3A_497 : i32
          %dma_start3A_499 = arith.constant 0 : i32
          %dma_start3A_500 = tpu.memref_slice %arg13[%mul3A_498, %dma_start3A_499] : memref<50x80xi32, #tpu.memory_space<vmem>> -> memref<25x80xi32, #tpu.memory_space<vmem>>
          %dma_start3A_501 = arith.constant 0 : i32
          %dma_start3A_502 = arith.constant 0 : i32
          %dma_start3A_503 = tpu.memref_slice %arg2[%arg1, %add3A_494, %dma_start3A_501, %dma_start3A_502] : memref<16x10x25x80xi32, #tpu.memory_space<hbm>> -> memref<1x1x25x80xi32, #tpu.memory_space<hbm>>
          %dma_start3A_504 = tpu.memref_squeeze %dma_start3A_503 : memref<1x1x25x80xi32, #tpu.memory_space<hbm>> -> memref<25x80xi32, #tpu.memory_space<hbm>>
          %dma_start3A_505 = arith.constant 0 : i32
          %dma_start3A_506 = tpu.memref_slice %arg13[%mul3A_498, %dma_start3A_505] : memref<50x80xi32, #tpu.memory_space<vmem>> -> memref<25x80xi32, #tpu.memory_space<vmem>>
          %dma_start3A_507 = arith.constant 0 : i32
          %dma_start3A_508 = arith.constant 0 : i32
          %dma_start3A_509 = tpu.memref_slice %arg2[%arg1, %add3A_494, %dma_start3A_507, %dma_start3A_508] : memref<16x10x25x80xi32, #tpu.memory_space<hbm>> -> memref<1x1x25x80xi32, #tpu.memory_space<hbm>>
          %dma_start3A_510 = tpu.memref_squeeze %dma_start3A_509 : memref<1x1x25x80xi32, #tpu.memory_space<hbm>> -> memref<25x80xi32, #tpu.memory_space<hbm>>
          tpu.enqueue_dma source(%dma_start3A_510 : memref<25x80xi32, #tpu.memory_space<hbm>>) target(%dma_start3A_506 : memref<25x80xi32, #tpu.memory_space<vmem>>) target_semaphore(%arg24 : memref<!tpu.dma_semaphore, #tpu.memory_space<semaphore_mem>>)
          %dma_start3A_511 = arith.constant 0 : i32
          %dma_start3A_512 = tpu.memref_slice %arg14[%mul3A_498, %dma_start3A_511] : memref<50x80xi32, #tpu.memory_space<vmem>> -> memref<25x80xi32, #tpu.memory_space<vmem>>
          %dma_start3A_513 = arith.constant 0 : i32
          %dma_start3A_514 = arith.constant 0 : i32
          %dma_start3A_515 = tpu.memref_slice %arg3[%arg1, %add3A_494, %dma_start3A_513, %dma_start3A_514] : memref<16x10x25x80xi32, #tpu.memory_space<hbm>> -> memref<1x1x25x80xi32, #tpu.memory_space<hbm>>
          %dma_start3A_516 = tpu.memref_squeeze %dma_start3A_515 : memref<1x1x25x80xi32, #tpu.memory_space<hbm>> -> memref<25x80xi32, #tpu.memory_space<hbm>>
          %dma_start3A_517 = arith.constant 0 : i32
          %dma_start3A_518 = tpu.memref_slice %arg14[%mul3A_498, %dma_start3A_517] : memref<50x80xi32, #tpu.memory_space<vmem>> -> memref<25x80xi32, #tpu.memory_space<vmem>>
          %dma_start3A_519 = arith.constant 0 : i32
          %dma_start3A_520 = arith.constant 0 : i32
          %dma_start3A_521 = tpu.memref_slice %arg3[%arg1, %add3A_494, %dma_start3A_519, %dma_start3A_520] : memref<16x10x25x80xi32, #tpu.memory_space<hbm>> -> memref<1x1x25x80xi32, #tpu.memory_space<hbm>>
          %dma_start3A_522 = tpu.memref_squeeze %dma_start3A_521 : memref<1x1x25x80xi32, #tpu.memory_space<hbm>> -> memref<25x80xi32, #tpu.memory_space<hbm>>
          tpu.enqueue_dma source(%dma_start3A_522 : memref<25x80xi32, #tpu.memory_space<hbm>>) target(%dma_start3A_518 : memref<25x80xi32, #tpu.memory_space<vmem>>) target_semaphore(%arg24 : memref<!tpu.dma_semaphore, #tpu.memory_space<semaphore_mem>>)
          %dma_start3A_523 = arith.constant 0 : i32
          %dma_start3A_524 = tpu.memref_slice %arg15[%mul3A_498, %dma_start3A_523] : memref<50x80xf32, #tpu.memory_space<vmem>> -> memref<25x80xf32, #tpu.memory_space<vmem>>
          %dma_start3A_525 = arith.constant 0 : i32
          %dma_start3A_526 = arith.constant 0 : i32
          %dma_start3A_527 = tpu.memref_slice %arg4[%arg1, %add3A_494, %dma_start3A_525, %dma_start3A_526] : memref<16x10x25x80xf32, #tpu.memory_space<hbm>> -> memref<1x1x25x80xf32, #tpu.memory_space<hbm>>
          %dma_start3A_528 = tpu.memref_squeeze %dma_start3A_527 : memref<1x1x25x80xf32, #tpu.memory_space<hbm>> -> memref<25x80xf32, #tpu.memory_space<hbm>>
          %dma_start3A_529 = arith.constant 0 : i32
          %dma_start3A_530 = tpu.memref_slice %arg15[%mul3A_498, %dma_start3A_529] : memref<50x80xf32, #tpu.memory_space<vmem>> -> memref<25x80xf32, #tpu.memory_space<vmem>>
          %dma_start3A_531 = arith.constant 0 : i32
          %dma_start3A_532 = arith.constant 0 : i32
          %dma_start3A_533 = tpu.memref_slice %arg4[%arg1, %add3A_494, %dma_start3A_531, %dma_start3A_532] : memref<16x10x25x80xf32, #tpu.memory_space<hbm>> -> memref<1x1x25x80xf32, #tpu.memory_space<hbm>>
          %dma_start3A_534 = tpu.memref_squeeze %dma_start3A_533 : memref<1x1x25x80xf32, #tpu.memory_space<hbm>> -> memref<25x80xf32, #tpu.memory_space<hbm>>
          tpu.enqueue_dma source(%dma_start3A_534 : memref<25x80xf32, #tpu.memory_space<hbm>>) target(%dma_start3A_530 : memref<25x80xf32, #tpu.memory_space<vmem>>) target_semaphore(%arg24 : memref<!tpu.dma_semaphore, #tpu.memory_space<semaphore_mem>>)
        } else {
        }
        %scan3A_492 = arith.constant 0 : i32
        scf.yield %scan3A_492 : i32
      }
      %scan3A_312 = arith.constant 25 : i32
      %scan3A_313 = arith.constant 0 : i32
      scf.yield %scan3A_313 : i32
    }
    %scan3A_253 = arith.constant 10 : i32
    %dma_wait3A_254 = arith.constant 0 : i32
    %dma_wait3A_255 = arith.constant 0 : i32
    %dma_wait3A_256 = arith.constant 0 : i32
    %dma_wait3A_257 = tpu.memref_slice %arg16[%dma_wait3A_255, %dma_wait3A_256] : memref<320x64xf32, #tpu.memory_space<vmem>> -> memref<80x64xf32, #tpu.memory_space<vmem>>
    %dma_wait3A_258 = arith.constant 0 : i32
    %dma_wait3A_259 = tpu.memref_slice %arg13[%dma_wait3A_254, %dma_wait3A_258] : memref<50x80xi32, #tpu.memory_space<vmem>> -> memref<1x80xi32, #tpu.memory_space<vmem>>
    %dma_wait3A_260 = tpu.memref_squeeze %dma_wait3A_259 : memref<1x80xi32, #tpu.memory_space<vmem>> -> memref<80xi32, #tpu.memory_space<vmem>>
    %dma_wait3A_261 = arith.constant 0 : i32
    %dma_wait3A_262 = arith.constant 0 : i32
    %dma_wait3A_263 = tpu.memref_slice %arg20[%dma_wait3A_261, %dma_wait3A_262] : memref<10240x64xf32, #tpu.memory_space<vmem_shared>> -> memref<10240x64xf32, #tpu.memory_space<vmem_shared>>
    tpu.wait_indirect_dma semaphore(%arg23 : memref<!tpu.dma_semaphore, #tpu.memory_space<semaphore_mem>>) src(%dma_wait3A_257 : memref<80x64xf32, #tpu.memory_space<vmem>>) dst(%dma_wait3A_263 : memref<10240x64xf32, #tpu.memory_space<vmem_shared>>)
    %dma_wait3A_264 = arith.constant 0 : i32
    %dma_wait3A_265 = arith.constant 0 : i32
    %dma_wait3A_266 = arith.constant 0 : i32
    %dma_wait3A_267 = tpu.memref_slice %arg17[%dma_wait3A_265, %dma_wait3A_266] : memref<320x16xf32, #tpu.memory_space<vmem>> -> memref<80x16xf32, #tpu.memory_space<vmem>>
    %dma_wait3A_268 = arith.constant 0 : i32
    %dma_wait3A_269 = tpu.memref_slice %arg13[%dma_wait3A_264, %dma_wait3A_268] : memref<50x80xi32, #tpu.memory_space<vmem>> -> memref<1x80xi32, #tpu.memory_space<vmem>>
    %dma_wait3A_270 = tpu.memref_squeeze %dma_wait3A_269 : memref<1x80xi32, #tpu.memory_space<vmem>> -> memref<80xi32, #tpu.memory_space<vmem>>
    %dma_wait3A_271 = arith.constant 0 : i32
    %dma_wait3A_272 = arith.constant 0 : i32
    %dma_wait3A_273 = tpu.memref_slice %arg21[%dma_wait3A_271, %dma_wait3A_272] : memref<10240x16xf32, #tpu.memory_space<vmem_shared>> -> memref<10240x16xf32, #tpu.memory_space<vmem_shared>>
    tpu.wait_indirect_dma semaphore(%arg23 : memref<!tpu.dma_semaphore, #tpu.memory_space<semaphore_mem>>) src(%dma_wait3A_267 : memref<80x16xf32, #tpu.memory_space<vmem>>) dst(%dma_wait3A_273 : memref<10240x16xf32, #tpu.memory_space<vmem_shared>>)
    %dma_wait3A_274 = arith.constant 0 : i32
    %dma_wait3A_275 = arith.constant 80 : i32
    %dma_wait3A_276 = arith.constant 0 : i32
    %dma_wait3A_277 = tpu.memref_slice %arg16[%dma_wait3A_275, %dma_wait3A_276] : memref<320x64xf32, #tpu.memory_space<vmem>> -> memref<80x64xf32, #tpu.memory_space<vmem>>
    %dma_wait3A_278 = arith.constant 0 : i32
    %dma_wait3A_279 = tpu.memref_slice %arg13[%dma_wait3A_274, %dma_wait3A_278] : memref<50x80xi32, #tpu.memory_space<vmem>> -> memref<1x80xi32, #tpu.memory_space<vmem>>
    %dma_wait3A_280 = tpu.memref_squeeze %dma_wait3A_279 : memref<1x80xi32, #tpu.memory_space<vmem>> -> memref<80xi32, #tpu.memory_space<vmem>>
    %dma_wait3A_281 = arith.constant 0 : i32
    %dma_wait3A_282 = arith.constant 0 : i32
    %dma_wait3A_283 = tpu.memref_slice %arg20[%dma_wait3A_281, %dma_wait3A_282] : memref<10240x64xf32, #tpu.memory_space<vmem_shared>> -> memref<10240x64xf32, #tpu.memory_space<vmem_shared>>
    tpu.wait_indirect_dma semaphore(%arg23 : memref<!tpu.dma_semaphore, #tpu.memory_space<semaphore_mem>>) src(%dma_wait3A_277 : memref<80x64xf32, #tpu.memory_space<vmem>>) dst(%dma_wait3A_283 : memref<10240x64xf32, #tpu.memory_space<vmem_shared>>)
    %dma_wait3A_284 = arith.constant 0 : i32
    %dma_wait3A_285 = arith.constant 80 : i32
    %dma_wait3A_286 = arith.constant 0 : i32
    %dma_wait3A_287 = tpu.memref_slice %arg17[%dma_wait3A_285, %dma_wait3A_286] : memref<320x16xf32, #tpu.memory_space<vmem>> -> memref<80x16xf32, #tpu.memory_space<vmem>>
    %dma_wait3A_288 = arith.constant 0 : i32
    %dma_wait3A_289 = tpu.memref_slice %arg13[%dma_wait3A_284, %dma_wait3A_288] : memref<50x80xi32, #tpu.memory_space<vmem>> -> memref<1x80xi32, #tpu.memory_space<vmem>>
    %dma_wait3A_290 = tpu.memref_squeeze %dma_wait3A_289 : memref<1x80xi32, #tpu.memory_space<vmem>> -> memref<80xi32, #tpu.memory_space<vmem>>
    %dma_wait3A_291 = arith.constant 0 : i32
    %dma_wait3A_292 = arith.constant 0 : i32
    %dma_wait3A_293 = tpu.memref_slice %arg21[%dma_wait3A_291, %dma_wait3A_292] : memref<10240x16xf32, #tpu.memory_space<vmem_shared>> -> memref<10240x16xf32, #tpu.memory_space<vmem_shared>>
    tpu.wait_indirect_dma semaphore(%arg23 : memref<!tpu.dma_semaphore, #tpu.memory_space<semaphore_mem>>) src(%dma_wait3A_287 : memref<80x16xf32, #tpu.memory_space<vmem>>) dst(%dma_wait3A_293 : memref<10240x16xf32, #tpu.memory_space<vmem_shared>>)
    %barrier3A_294 = arith.constant 0 : index
    tpu.barrier barrier_id(%barrier3A_294)
    %mul3A_295 = arith.constant 640 : i32
    %mul3A_296 = arith.muli %arg1, %mul3A_295 : i32
    %mul3A_297 = arith.constant 640 : i32
    %mul3A_298 = arith.muli %arg1, %mul3A_297 : i32
    "tpu.region"() ({
      %run_scoped3A = tpu.sem_alloc : memref<!tpu.dma_semaphore, #tpu.memory_space<semaphore_mem>>
      %dma_start3A_303 = arith.constant 0 : i32
      %dma_start3A_304 = tpu.memref_slice %arg9[%arg0, %mul3A_298, %dma_start3A_303] : memref<2x10240x64xf32, #tpu.memory_space<hbm>> -> memref<1x640x64xf32, #tpu.memory_space<hbm>>
      %dma_start3A_305 = tpu.memref_squeeze %dma_start3A_304 : memref<1x640x64xf32, #tpu.memory_space<hbm>> -> memref<640x64xf32, #tpu.memory_space<hbm>>
      %dma_start3A_306 = arith.constant 0 : i32
      %dma_start3A_307 = tpu.memref_slice %arg20[%mul3A_296, %dma_start3A_306] : memref<10240x64xf32, #tpu.memory_space<vmem_shared>> -> memref<640x64xf32, #tpu.memory_space<vmem_shared>>
      tpu.enqueue_dma source(%dma_start3A_307 : memref<640x64xf32, #tpu.memory_space<vmem_shared>>) target(%dma_start3A_305 : memref<640x64xf32, #tpu.memory_space<hbm>>) target_semaphore(%run_scoped3A : memref<!tpu.dma_semaphore, #tpu.memory_space<semaphore_mem>>)
      %dma_wait3A_308 = arith.constant 0 : i32
      %dma_wait3A_309 = tpu.memref_slice %arg9[%arg0, %mul3A_298, %dma_wait3A_308] : memref<2x10240x64xf32, #tpu.memory_space<hbm>> -> memref<1x640x64xf32, #tpu.memory_space<hbm>>
      %dma_wait3A_310 = tpu.memref_squeeze %dma_wait3A_309 : memref<1x640x64xf32, #tpu.memory_space<hbm>> -> memref<640x64xf32, #tpu.memory_space<hbm>>
      %dma_wait3A_311 = arith.constant 0 : i32
      %dma_wait3A_312 = tpu.memref_slice %arg20[%mul3A_296, %dma_wait3A_311] : memref<10240x64xf32, #tpu.memory_space<vmem_shared>> -> memref<640x64xf32, #tpu.memory_space<vmem_shared>>
      tpu.wait_dma2 semaphore(%run_scoped3A : memref<!tpu.dma_semaphore, #tpu.memory_space<semaphore_mem>>) src(%dma_wait3A_312 : memref<640x64xf32, #tpu.memory_space<vmem_shared>>) dst(%dma_wait3A_310 : memref<640x64xf32, #tpu.memory_space<hbm>>)
      tpu.yield
    }) : () -> ()
    %mul3A_299 = arith.constant 640 : i32
    %mul3A_300 = arith.muli %arg1, %mul3A_299 : i32
    %mul3A_301 = arith.constant 640 : i32
    %mul3A_302 = arith.muli %arg1, %mul3A_301 : i32
    "tpu.region"() ({
      %run_scoped3A = tpu.sem_alloc : memref<!tpu.dma_semaphore, #tpu.memory_space<semaphore_mem>>
      %dma_start3A_303 = arith.constant 0 : i32
      %dma_start3A_304 = tpu.memref_slice %arg10[%arg0, %mul3A_302, %dma_start3A_303] : memref<2x10240x16xf32, #tpu.memory_space<hbm>> -> memref<1x640x16xf32, #tpu.memory_space<hbm>>
      %dma_start3A_305 = tpu.memref_squeeze %dma_start3A_304 : memref<1x640x16xf32, #tpu.memory_space<hbm>> -> memref<640x16xf32, #tpu.memory_space<hbm>>
      %dma_start3A_306 = arith.constant 0 : i32
      %dma_start3A_307 = tpu.memref_slice %arg21[%mul3A_300, %dma_start3A_306] : memref<10240x16xf32, #tpu.memory_space<vmem_shared>> -> memref<640x16xf32, #tpu.memory_space<vmem_shared>>
      tpu.enqueue_dma source(%dma_start3A_307 : memref<640x16xf32, #tpu.memory_space<vmem_shared>>) target(%dma_start3A_305 : memref<640x16xf32, #tpu.memory_space<hbm>>) target_semaphore(%run_scoped3A : memref<!tpu.dma_semaphore, #tpu.memory_space<semaphore_mem>>)
      %dma_wait3A_308 = arith.constant 0 : i32
      %dma_wait3A_309 = tpu.memref_slice %arg10[%arg0, %mul3A_302, %dma_wait3A_308] : memref<2x10240x16xf32, #tpu.memory_space<hbm>> -> memref<1x640x16xf32, #tpu.memory_space<hbm>>
      %dma_wait3A_310 = tpu.memref_squeeze %dma_wait3A_309 : memref<1x640x16xf32, #tpu.memory_space<hbm>> -> memref<640x16xf32, #tpu.memory_space<hbm>>
      %dma_wait3A_311 = arith.constant 0 : i32
      %dma_wait3A_312 = tpu.memref_slice %arg21[%mul3A_300, %dma_wait3A_311] : memref<10240x16xf32, #tpu.memory_space<vmem_shared>> -> memref<640x16xf32, #tpu.memory_space<vmem_shared>>
      tpu.wait_dma2 semaphore(%run_scoped3A : memref<!tpu.dma_semaphore, #tpu.memory_space<semaphore_mem>>) src(%dma_wait3A_312 : memref<640x16xf32, #tpu.memory_space<vmem_shared>>) dst(%dma_wait3A_310 : memref<640x16xf32, #tpu.memory_space<hbm>>)
      tpu.yield
    }) : () -> ()
    return
  }
}

module attributes {stable_mosaic.version = 14 : i64} {
  func.func @_k1_body(%arg0: i32, %arg1: memref<400x128xf32, #tpu.memory_space<vmem>>, %arg2: memref<64x128xf32, #tpu.memory_space<vmem>>, %arg3: memref<64x128xf32, #tpu.memory_space<vmem>>, %arg4: memref<1x64xf32, #tpu.memory_space<vmem>>, %arg5: memref<1x64xf32, #tpu.memory_space<vmem>>, %arg6: memref<64x1xf32, #tpu.memory_space<vmem>>, %arg7: memref<64x1xf32, #tpu.memory_space<vmem>>, %arg8: memref<1x1xf32, #tpu.memory_space<vmem>>, %arg9: memref<64x1xf32, #tpu.memory_space<vmem>>, %arg10: memref<64x1xf32, #tpu.memory_space<vmem>>, %arg11: memref<1x1xf32, #tpu.memory_space<vmem>>, %arg12: memref<400x64xf32, #tpu.memory_space<vmem>>, %arg13: memref<400x64xf32, #tpu.memory_space<vmem>>, %arg14: memref<400x1xf32, #tpu.memory_space<vmem>>, %arg15: memref<400x1xf32, #tpu.memory_space<vmem>>) attributes {dimension_semantics = [#tpu.dimension_semantics<arbitrary>], iteration_bounds = array<i64: 25>, scalar_prefetch = 0 : i64, scratch_operands = 0 : i64, tpu.core_type = #tpu.core_type<tc>, window_params = [{transform_indices = @transform_0, window_bounds = array<i64: 400, 128>}, {pipeline_mode = #tpu.pipeline_mode<synchronous>, transform_indices = @transform_1, window_bounds = array<i64: 64, 128>}, {pipeline_mode = #tpu.pipeline_mode<synchronous>, transform_indices = @transform_2, window_bounds = array<i64: 64, 128>}, {pipeline_mode = #tpu.pipeline_mode<synchronous>, transform_indices = @transform_3, window_bounds = array<i64: 1, 64>}, {pipeline_mode = #tpu.pipeline_mode<synchronous>, transform_indices = @transform_4, window_bounds = array<i64: 1, 64>}, {pipeline_mode = #tpu.pipeline_mode<synchronous>, transform_indices = @transform_5, window_bounds = array<i64: 64, 1>}, {pipeline_mode = #tpu.pipeline_mode<synchronous>, transform_indices = @transform_6, window_bounds = array<i64: 64, 1>}, {pipeline_mode = #tpu.pipeline_mode<synchronous>, transform_indices = @transform_7, window_bounds = array<i64: 1, 1>}, {pipeline_mode = #tpu.pipeline_mode<synchronous>, transform_indices = @transform_8, window_bounds = array<i64: 64, 1>}, {pipeline_mode = #tpu.pipeline_mode<synchronous>, transform_indices = @transform_9, window_bounds = array<i64: 64, 1>}, {pipeline_mode = #tpu.pipeline_mode<synchronous>, transform_indices = @transform_10, window_bounds = array<i64: 1, 1>}, {transform_indices = @transform_11, window_bounds = array<i64: 400, 64>}, {transform_indices = @transform_12, window_bounds = array<i64: 400, 64>}, {transform_indices = @transform_13, window_bounds = array<i64: 400, 1>}, {transform_indices = @transform_14, window_bounds = array<i64: 400, 1>}]} {
    %get3A = arith.constant 0 : index
    %get3A_0 = arith.constant 0 : index
    %get3A_1 = vector.load %arg1[%get3A, %get3A_0] : memref<400x128xf32, #tpu.memory_space<vmem>>, vector<400x128xf32>
    %get3A_2 = arith.constant 0 : index
    %get3A_3 = arith.constant 0 : index
    %get3A_4 = vector.load %arg2[%get3A_2, %get3A_3] : memref<64x128xf32, #tpu.memory_space<vmem>>, vector<64x128xf32>
    %dot_general3A = arith.constant dense<0.000000e+00> : vector<400x64xf32>
    %dot_general3A_5 = tpu.matmul %get3A_1, %get3A_4, %dot_general3A {dimension_numbers = #tpu.dot_dimension_numbers<[1], [1], [0], [0], [0, 0, 1, 0], [], []>, transpose_lhs_hint = false} : vector<400x128xf32>, vector<64x128xf32>, vector<400x64xf32> -> vector<400x64xf32>
    %get3A_6 = arith.constant 0 : index
    %get3A_7 = arith.constant 0 : index
    %get3A_8 = vector.load %arg4[%get3A_6, %get3A_7] : memref<1x64xf32, #tpu.memory_space<vmem>>, vector<1x64xf32>
    %add3A = vector.broadcast %get3A_8 : vector<1x64xf32> to vector<400x64xf32>
    %add3A_9 = arith.addf %dot_general3A_5, %add3A : vector<400x64xf32>
    %get3A_10 = arith.constant 0 : index
    %get3A_11 = arith.constant 0 : index
    %get3A_12 = vector.load %arg3[%get3A_10, %get3A_11] : memref<64x128xf32, #tpu.memory_space<vmem>>, vector<64x128xf32>
    %dot_general3A_13 = arith.constant dense<0.000000e+00> : vector<400x64xf32>
    %dot_general3A_14 = tpu.matmul %get3A_1, %get3A_12, %dot_general3A_13 {dimension_numbers = #tpu.dot_dimension_numbers<[1], [1], [0], [0], [0, 0, 1, 0], [], []>, transpose_lhs_hint = false} : vector<400x128xf32>, vector<64x128xf32>, vector<400x64xf32> -> vector<400x64xf32>
    %get3A_15 = arith.constant 0 : index
    %get3A_16 = arith.constant 0 : index
    %get3A_17 = vector.load %arg5[%get3A_15, %get3A_16] : memref<1x64xf32, #tpu.memory_space<vmem>>, vector<1x64xf32>
    %add3A_18 = vector.broadcast %get3A_17 : vector<1x64xf32> to vector<400x64xf32>
    %add3A_19 = arith.addf %dot_general3A_14, %add3A_18 : vector<400x64xf32>
    %swap3A = arith.constant 0 : index
    %swap3A_20 = arith.constant 0 : index
    %swap3A_21 = vector.load %arg12[%swap3A, %swap3A_20] : memref<400x64xf32, #tpu.memory_space<vmem>>, vector<400x64xf32>
    tpu.vector_store %arg12[%swap3A, %swap3A_20], %add3A_9 {strides = array<i32>} : memref<400x64xf32, #tpu.memory_space<vmem>>, vector<400x64xf32>,
    %swap3A_22 = arith.constant 0 : index
    %swap3A_23 = arith.constant 0 : index
    %swap3A_24 = vector.load %arg13[%swap3A_22, %swap3A_23] : memref<400x64xf32, #tpu.memory_space<vmem>>, vector<400x64xf32>
    tpu.vector_store %arg13[%swap3A_22, %swap3A_23], %add3A_19 {strides = array<i32>} : memref<400x64xf32, #tpu.memory_space<vmem>>, vector<400x64xf32>,
    %abs3A = math.absf %add3A_9 : vector<400x64xf32>
    %abs3A_25 = math.absf %add3A_19 : vector<400x64xf32>
    %get3A_26 = arith.constant 0 : index
    %get3A_27 = arith.constant 0 : index
    %get3A_28 = vector.load %arg6[%get3A_26, %get3A_27] : memref<64x1xf32, #tpu.memory_space<vmem>>, vector<64x1xf32>
    %get3A_29 = arith.constant 0 : index
    %get3A_30 = arith.constant 0 : index
    %get3A_31 = vector.load %arg7[%get3A_29, %get3A_30] : memref<64x1xf32, #tpu.memory_space<vmem>>, vector<64x1xf32>
    %get3A_32 = arith.constant 0 : index
    %get3A_33 = arith.constant 0 : index
    %get3A_34 = vector.load %arg8[%get3A_32, %get3A_33] : memref<1x1xf32, #tpu.memory_space<vmem>>, vector<1x1xf32>
    %dot_general3A_35 = arith.constant dense<0.000000e+00> : vector<400x1xf32>
    %dot_general3A_36 = tpu.matmul %abs3A, %get3A_28, %dot_general3A_35 {dimension_numbers = #tpu.dot_dimension_numbers<[1], [0], [0], [1], [0, 0, 1, 1], [], []>, transpose_lhs_hint = false} : vector<400x64xf32>, vector<64x1xf32>, vector<400x1xf32> -> vector<400x1xf32>
    %dot_general3A_37 = arith.constant dense<0.000000e+00> : vector<400x1xf32>
    %dot_general3A_38 = tpu.matmul %abs3A_25, %get3A_31, %dot_general3A_37 {dimension_numbers = #tpu.dot_dimension_numbers<[1], [0], [0], [1], [0, 0, 1, 1], [], []>, transpose_lhs_hint = false} : vector<400x64xf32>, vector<64x1xf32>, vector<400x1xf32> -> vector<400x1xf32>
    %add3A_39 = arith.addf %dot_general3A_36, %dot_general3A_38 : vector<400x1xf32>
    %add3A_40 = vector.broadcast %get3A_34 : vector<1x1xf32> to vector<400x1xf32>
    %add3A_41 = arith.addf %add3A_39, %add3A_40 : vector<400x1xf32>
    %swap3A_42 = arith.constant 0 : index
    %swap3A_43 = arith.constant 0 : index
    %swap3A_44 = vector.load %arg14[%swap3A_42, %swap3A_43] : memref<400x1xf32, #tpu.memory_space<vmem>>, vector<400x1xf32>
    tpu.vector_store %arg14[%swap3A_42, %swap3A_43], %add3A_41 {strides = array<i32>} : memref<400x1xf32, #tpu.memory_space<vmem>>, vector<400x1xf32>,
    %get3A_45 = arith.constant 0 : index
    %get3A_46 = arith.constant 0 : index
    %get3A_47 = vector.load %arg9[%get3A_45, %get3A_46] : memref<64x1xf32, #tpu.memory_space<vmem>>, vector<64x1xf32>
    %get3A_48 = arith.constant 0 : index
    %get3A_49 = arith.constant 0 : index
    %get3A_50 = vector.load %arg10[%get3A_48, %get3A_49] : memref<64x1xf32, #tpu.memory_space<vmem>>, vector<64x1xf32>
    %get3A_51 = arith.constant 0 : index
    %get3A_52 = arith.constant 0 : index
    %get3A_53 = vector.load %arg11[%get3A_51, %get3A_52] : memref<1x1xf32, #tpu.memory_space<vmem>>, vector<1x1xf32>
    %dot_general3A_54 = arith.constant dense<0.000000e+00> : vector<400x1xf32>
    %dot_general3A_55 = tpu.matmul %abs3A, %get3A_47, %dot_general3A_54 {dimension_numbers = #tpu.dot_dimension_numbers<[1], [0], [0], [1], [0, 0, 1, 1], [], []>, transpose_lhs_hint = false} : vector<400x64xf32>, vector<64x1xf32>, vector<400x1xf32> -> vector<400x1xf32>
    %dot_general3A_56 = arith.constant dense<0.000000e+00> : vector<400x1xf32>
    %dot_general3A_57 = tpu.matmul %abs3A_25, %get3A_50, %dot_general3A_56 {dimension_numbers = #tpu.dot_dimension_numbers<[1], [0], [0], [1], [0, 0, 1, 1], [], []>, transpose_lhs_hint = false} : vector<400x64xf32>, vector<64x1xf32>, vector<400x1xf32> -> vector<400x1xf32>
    %add3A_58 = arith.addf %dot_general3A_55, %dot_general3A_57 : vector<400x1xf32>
    %add3A_59 = vector.broadcast %get3A_53 : vector<1x1xf32> to vector<400x1xf32>
    %add3A_60 = arith.addf %add3A_58, %add3A_59 : vector<400x1xf32>
    %swap3A_61 = arith.constant 0 : index
    %swap3A_62 = arith.constant 0 : index
    %swap3A_63 = vector.load %arg15[%swap3A_61, %swap3A_62] : memref<400x1xf32, #tpu.memory_space<vmem>>, vector<400x1xf32>
    tpu.vector_store %arg15[%swap3A_61, %swap3A_62], %add3A_60 {strides = array<i32>} : memref<400x1xf32, #tpu.memory_space<vmem>>, vector<400x1xf32>,
    return
  }
  func.func @transform_0(%arg0: i32) -> (i32, i32) {
    %c0_i32 = arith.constant 0 : i32
    %c0_i32_0 = arith.constant 0 : i32
    return %arg0, %c0_i32 : i32, i32
  }
  func.func @transform_1(%arg0: i32) -> (i32, i32) {
    %c0_i32 = arith.constant 0 : i32
    %c0_i32_0 = arith.constant 0 : i32
    %c0_i32_1 = arith.constant 0 : i32
    return %c0_i32, %c0_i32_0 : i32, i32
  }
  func.func @transform_2(%arg0: i32) -> (i32, i32) {
    %c0_i32 = arith.constant 0 : i32
    %c0_i32_0 = arith.constant 0 : i32
    %c0_i32_1 = arith.constant 0 : i32
    return %c0_i32, %c0_i32_0 : i32, i32
  }
  func.func @transform_3(%arg0: i32) -> (i32, i32) {
    %c0_i32 = arith.constant 0 : i32
    %c0_i32_0 = arith.constant 0 : i32
    %c0_i32_1 = arith.constant 0 : i32
    return %c0_i32, %c0_i32_0 : i32, i32
  }
  func.func @transform_4(%arg0: i32) -> (i32, i32) {
    %c0_i32 = arith.constant 0 : i32
    %c0_i32_0 = arith.constant 0 : i32
    %c0_i32_1 = arith.constant 0 : i32
    return %c0_i32, %c0_i32_0 : i32, i32
  }
  func.func @transform_5(%arg0: i32) -> (i32, i32) {
    %c0_i32 = arith.constant 0 : i32
    %c0_i32_0 = arith.constant 0 : i32
    %c0_i32_1 = arith.constant 0 : i32
    return %c0_i32, %c0_i32_0 : i32, i32
  }
  func.func @transform_6(%arg0: i32) -> (i32, i32) {
    %c0_i32 = arith.constant 0 : i32
    %c0_i32_0 = arith.constant 0 : i32
    %c0_i32_1 = arith.constant 0 : i32
    return %c0_i32, %c0_i32_0 : i32, i32
  }
  func.func @transform_7(%arg0: i32) -> (i32, i32) {
    %c0_i32 = arith.constant 0 : i32
    %c0_i32_0 = arith.constant 0 : i32
    %c0_i32_1 = arith.constant 0 : i32
    return %c0_i32, %c0_i32_0 : i32, i32
  }
  func.func @transform_8(%arg0: i32) -> (i32, i32) {
    %c0_i32 = arith.constant 0 : i32
    %c0_i32_0 = arith.constant 0 : i32
    %c0_i32_1 = arith.constant 0 : i32
    return %c0_i32, %c0_i32_0 : i32, i32
  }
  func.func @transform_9(%arg0: i32) -> (i32, i32) {
    %c0_i32 = arith.constant 0 : i32
    %c0_i32_0 = arith.constant 0 : i32
    %c0_i32_1 = arith.constant 0 : i32
    return %c0_i32, %c0_i32_0 : i32, i32
  }
  func.func @transform_10(%arg0: i32) -> (i32, i32) {
    %c0_i32 = arith.constant 0 : i32
    %c0_i32_0 = arith.constant 0 : i32
    %c0_i32_1 = arith.constant 0 : i32
    return %c0_i32, %c0_i32_0 : i32, i32
  }
  func.func @transform_11(%arg0: i32) -> (i32, i32) {
    %c0_i32 = arith.constant 0 : i32
    %c0_i32_0 = arith.constant 0 : i32
    return %arg0, %c0_i32 : i32, i32
  }
  func.func @transform_12(%arg0: i32) -> (i32, i32) {
    %c0_i32 = arith.constant 0 : i32
    %c0_i32_0 = arith.constant 0 : i32
    return %arg0, %c0_i32 : i32, i32
  }
  func.func @transform_13(%arg0: i32) -> (i32, i32) {
    %c0_i32 = arith.constant 0 : i32
    %c0_i32_0 = arith.constant 0 : i32
    return %arg0, %c0_i32 : i32, i32
  }
  func.func @transform_14(%arg0: i32) -> (i32, i32) {
    %c0_i32 = arith.constant 0 : i32
    %c0_i32_0 = arith.constant 0 : i32
    return %arg0, %c0_i32 : i32, i32
  }
}

module attributes {stable_mosaic.version = 14 : i64} {
  func.func @_k3_body(%arg0: i32, %arg1: memref<400x64xf32, #tpu.memory_space<vmem>>, %arg2: memref<400x64xf32, #tpu.memory_space<vmem>>, %arg3: memref<400x16xf32, #tpu.memory_space<vmem>>, %arg4: memref<400x128xf32, #tpu.memory_space<vmem>>) attributes {dimension_semantics = [#tpu.dimension_semantics<arbitrary>], iteration_bounds = array<i64: 25>, scalar_prefetch = 0 : i64, scratch_operands = 0 : i64, tpu.core_type = #tpu.core_type<tc>, window_params = [{transform_indices = @transform_0, window_bounds = array<i64: 400, 64>}, {transform_indices = @transform_1, window_bounds = array<i64: 400, 64>}, {transform_indices = @transform_2, window_bounds = array<i64: 400, 16>}, {transform_indices = @transform_3, window_bounds = array<i64: 400, 128>}]} {
    %get3A = arith.constant 0 : index
    %get3A_0 = arith.constant 0 : index
    %get3A_1 = vector.load %arg3[%get3A, %get3A_0] : memref<400x16xf32, #tpu.memory_space<vmem>>, vector<400x16xf32>
    %slice3A = vector.extract_strided_slice %get3A_1 {offsets = [0, 0], sizes = [400, 1], strides = [1, 1]} : vector<400x16xf32> to vector<400x1xf32>
    %gt3A = arith.constant 0.000000e+00 : f32
    %gt3A_2 = vector.broadcast %gt3A : f32 to vector<400x1xf32>
    %gt3A_3 = arith.cmpf ogt, %slice3A, %gt3A_2 : vector<400x1xf32>
    %div3A = arith.constant 1.000000e+00 : f32
    %div3A_4 = vector.broadcast %div3A : f32 to vector<400x1xf32>
    %div3A_5 = arith.divf %div3A_4, %slice3A : vector<400x1xf32>
    %jit3A = arith.constant 0.000000e+00 : f32
    %broadcast_in_dim3A = vector.broadcast %jit3A : f32 to vector<400x1xf32>
    %select_n3A = arith.select %gt3A_3, %div3A_5, %broadcast_in_dim3A : vector<400x1xi1>, vector<400x1xf32>
    %get3A_6 = arith.constant 0 : index
    %get3A_7 = arith.constant 0 : index
    %get3A_8 = vector.load %arg1[%get3A_6, %get3A_7] : memref<400x64xf32, #tpu.memory_space<vmem>>, vector<400x64xf32>
    %mul3A = vector.broadcast %select_n3A : vector<400x1xf32> to vector<400x64xf32>
    %mul3A_9 = arith.mulf %get3A_8, %mul3A : vector<400x64xf32>
    %get3A_10 = arith.constant 0 : index
    %get3A_11 = arith.constant 0 : index
    %get3A_12 = vector.load %arg2[%get3A_10, %get3A_11] : memref<400x64xf32, #tpu.memory_space<vmem>>, vector<400x64xf32>
    %mul3A_13 = vector.broadcast %select_n3A : vector<400x1xf32> to vector<400x64xf32>
    %mul3A_14 = arith.mulf %get3A_12, %mul3A_13 : vector<400x64xf32>
    %concatenate3A = tpu.concatenate %mul3A_9, %mul3A_14 in 1 : vector<400x64xf32>, vector<400x64xf32> -> vector<400x128xf32>
    %swap3A = arith.constant 0 : index
    %swap3A_15 = arith.constant 0 : index
    %swap3A_16 = vector.load %arg4[%swap3A, %swap3A_15] : memref<400x128xf32, #tpu.memory_space<vmem>>, vector<400x128xf32>
    tpu.vector_store %arg4[%swap3A, %swap3A_15], %concatenate3A {strides = array<i32>} : memref<400x128xf32, #tpu.memory_space<vmem>>, vector<400x128xf32>,
    return
  }
  func.func @transform_0(%arg0: i32) -> (i32, i32) {
    %c0_i32 = arith.constant 0 : i32
    %c0_i32_0 = arith.constant 0 : i32
    return %arg0, %c0_i32 : i32, i32
  }
  func.func @transform_1(%arg0: i32) -> (i32, i32) {
    %c0_i32 = arith.constant 0 : i32
    %c0_i32_0 = arith.constant 0 : i32
    return %arg0, %c0_i32 : i32, i32
  }
  func.func @transform_2(%arg0: i32) -> (i32, i32) {
    %c0_i32 = arith.constant 0 : i32
    %c0_i32_0 = arith.constant 0 : i32
    return %arg0, %c0_i32 : i32, i32
  }
  func.func @transform_3(%arg0: i32) -> (i32, i32) {
    %c0_i32 = arith.constant 0 : i32
    %c0_i32_0 = arith.constant 0 : i32
    return %arg0, %c0_i32 : i32, i32
  }
}

</mosaic_0001>

<sc_bundles>
// kernel: kernel.5.cloned.1.call-start
scs
__scs_entry_jumppad:
0x0: {  	(pc) =	sbr.rel $0x88, $3  }
0x1: {  	(tag) =	ssettag $0x0;
	lr =	simm.s32 $0x1  }
0x2: {  	[smem:$0x3F98] =	sst lr;
	_ =	strace $0xD0000000  }
0x3: {  	_ = 	snop  }
0x4: {  	_ = 	snop  }
0x5: {  	_ = 	snop  }
0x6: {  	_ = 	snop  }
0x7: {  	_ = 	snop  }
__scs_overlays_trampoline_lowered:
0x8: {  	[smem:$0x3FA7] =	sst s0  }
0x9: {  	[smem:$0x3FA8] =	sst s1  }
0xa: {  	[smem:$0x3FA9] =	sst s2  }
0xb: {  	[smem:$0x3FAA] =	sst s3  }
0xc: {  	[smem:$0x3FAB] =	sst s4  }
0xd: {  	[smem:$0x3FAC] =	sst s5  }
0xe: {  	[smem:$0x3FAD] =	sst s6  }
0xf: {  	[smem:$0x3FAE] =	sst s7  }
0x10: {  	[smem:$0x3FAF] =	sst s8  }
0x11: {  	[smem:$0x3FB0] =	sst s9;
	s0 =	simm.s32 @!p0 $0x0  }
0x12: {  	s1 =	sld [smem:$0x3F96];
	s0 =	simm.s32 @p0 $0x1  }
0x13: {  	[smem:$0x3FB1] =	sst s0;
	s0 =	simm.s32 @!p1 $0x0  }
0x14: {  	s2 =	sld [smem:$0x3F95];
	s0 =	simm.s32 @p1 $0x1  }
0x15: {  	[smem:$0x3FB2] =	sst s0;
	s0 =	simm.s32 @!p2 $0x0  }
0x16: {  	s3 =	sld [smem:$0x3FDB];
	s0 =	simm.s32 @p2 $0x1  }
0x17: {  	s4 =	simm.s32 $0x1BF5;
	[smem:$0x3FB4] =	sst s0  }
0x18: {  	s0 =	sld [smem:$0x3F97];
	_ =	swait.ge [sflag:s4], $0x0  }
0x19: {  	s7 =	sld [smem:$0x3F98]  }
0x1a: {  	s8 =	sadd.s32 $0xFFFFE003, lr  }
0x1b: {  	s9 =	sadd.s32 $0xFFFFFEF7, lr;
	s5 =	simm.s32 $0xFFFFFFFF;
	p2 =	slt.u32 s8, $0xFFFFF086  }
0x1c: {  	p1 =	slt.u32 s9, $0xF7A;
	s5 =	simm.s32 @!p2 $0x0  }
0x1d: {  	s5 =	simm.s32 @p1 $0x1;
	p0 =	seq.s32 s7, s2  }
0x1e: {  	s7 =	smul.u32 @!p0 $0xF7A, s2;
	p2 =	seq.s32 @!p0 s5, $0x0  }
0x1f: {  	s9 =	smul.u32 $0xF7A, s1;
	s8 =	simm.s32 @!p0 $0x1BF5;
	p2 =	por !p2, p0  }
0x20: {  	[sflag:s8] =	ssyncset.s32 @!p0 $0xFFFFF086;
	s6 =	sadd.s32 @!p0 s3, s7;
	s7 =	simm.s32 @!p0 $0x108  }
0x21: {  	s3 =	sadd.s32 s3, s9;
	s6 =	sadd.s32 @!p0 $0x88, s6;
	s7 =	simm.s32 @p2 $0x1082  }
0x22: {  	[simem:s7], [sflag:s8] =	dma.local @!p0 [hbm:s6], $0xF7A  }
0x23: {  	s9 =	sor.u32 $0xD0000000, s2;
	s6 =	simm.s32 $0x108;
	_ =	swait.ge @!p0 [sflag:s8], $0x0  }
0x24: {  	s3 =	sadd.s32 $0x88, s3;
	s6 =	simm.s32 @!p1 $0x1082;
	[sflag:s4] =	ssyncset.s32 $0xFFFFF086  }
0x25: {  	[simem:s6], [sflag:s4] =	dma.local [hbm:s3], $0xF7A  }
0x26: {  	[smem:$0x3F98] =	sst s1;
	(tag) =	ssettag s2;
	_ =	strace s9  }
0x27: {  	s1 =	sld [smem:$0x3FA8]  }
0x28: {  	s2 =	sld [smem:$0x3FA9]  }
0x29: {  	s4 =	sld [smem:$0x3FAB]  }
0x2a: {  	p0 =	seq.s32 s5, $0x0;
	s5 =	sld [smem:$0x3FAC]  }
0x2b: {  	s6 =	sld [smem:$0x3FAD]  }
0x2c: {  	s7 =	sld [smem:$0x3FAE]  }
0x2d: {  	s3 =	simm.s32 $0x108;
	s8 =	sld [smem:$0x3FAF]  }
0x2e: {  	s3 =	simm.s32 @!p0 $0x1082;
	s9 =	sld [smem:$0x3FB0]  }
0x2f: {  	lr =	sadd.s32 s0, s3;
	s0 =	sld [smem:$0x3FA7]  }
0x30: {  	s3 =	sld [smem:$0x3FAA]  }
0x31: {  	[smem:$0x3FB3] =	sst s10  }
0x32: {  	s10 =	sld [smem:$0x3FB1];
	_ =	sdelay $0x3  }
0x33: {  	p0 =	seq.s32 s10, $0x1;
	s10 =	sld [smem:$0x3FB3];
	_ =	sdelay $0x3  }
0x34: {  	[smem:$0x3FB3] =	sst s10  }
0x35: {  	s10 =	sld [smem:$0x3FB2];
	_ =	sdelay $0x3  }
0x36: {  	p1 =	seq.s32 s10, $0x1;
	s10 =	sld [smem:$0x3FB3];
	_ =	sdelay $0x3  }
0x37: {  	[smem:$0x3FB3] =	sst s10  }
0x38: {  	s10 =	sld [smem:$0x3FB4]  }
0x39: {  	_ = 	snop;
	(pc) =	sbr.ind lr, $3  }
0x3a: {  	_ = 	snop  }
0x3b: {  	_ = 	snop  }
0x3c: {  	p2 =	seq.s32 s10, $0x1;
	s10 =	sld [smem:$0x3FB3]  }
0x3d: {  	_ =	shalt  }
0x3e: {  	_ =	shalt  }
0x3f: {  	_ =	shalt  }
0x40: {  	_ =	shalt  }
0x41: {  	_ =	shalt  }
0x42: {  	_ =	shalt  }
0x43: {  	_ =	shalt  }
0x44: {  	_ =	shalt  }
0x45: {  	_ =	shalt  }
0x46: {  	_ =	shalt  }
0x47: {  	_ =	shalt  }
0x48: {  	_ =	shalt  }
0x49: {  	_ =	shalt  }
0x4a: {  	_ =	shalt  }
0x4b: {  	_ =	shalt  }
0x4c: {  	_ =	shalt  }
0x4d: {  	_ =	shalt  }
0x4e: {  	_ =	shalt  }
0x4f: {  	_ =	shalt  }
0x50: {  	_ =	shalt  }
0x51: {  	_ =	shalt  }
0x52: {  	_ =	shalt  }
0x53: {  	_ =	shalt  }
0x54: {  	_ =	shalt  }
0x55: {  	_ =	shalt  }
0x56: {  	_ =	shalt  }
0x57: {  	_ =	shalt  }
0x58: {  	_ =	shalt  }
0x59: {  	_ =	shalt  }
0x5a: {  	_ =	shalt  }
0x5b: {  	_ =	shalt  }
0x5c: {  	_ =	shalt  }
0x5d: {  	_ =	shalt  }
0x5e: {  	_ =	shalt  }
0x5f: {  	_ =	shalt  }
0x60: {  	_ =	shalt  }
0x61: {  	_ =	shalt  }
0x62: {  	_ =	shalt  }
0x63: {  	_ =	shalt  }
0x64: {  	_ =	shalt  }
0x65: {  	_ =	shalt  }
0x66: {  	_ =	shalt  }
0x67: {  	_ =	shalt  }
0x68: {  	_ =	shalt  }
0x69: {  	_ =	shalt  }
0x6a: {  	_ =	shalt  }
0x6b: {  	_ =	shalt  }
0x6c: {  	_ =	shalt  }
0x6d: {  	_ =	shalt  }
0x6e: {  	_ =	shalt  }
0x6f: {  	_ =	shalt  }
0x70: {  	_ =	shalt  }
0x71: {  	_ =	shalt  }
0x72: {  	_ =	shalt  }
0x73: {  	_ =	shalt  }
0x74: {  	_ =	shalt  }
0x75: {  	_ =	shalt  }
0x76: {  	_ =	shalt  }
0x77: {  	_ =	shalt  }
0x78: {  	_ =	shalt  }
0x79: {  	_ =	shalt  }
0x7a: {  	_ =	shalt  }
0x7b: {  	_ =	shalt  }
0x7c: {  	_ =	shalt  }
0x7d: {  	_ =	shalt  }
0x7e: {  	_ =	shalt  }
0x7f: {  	_ =	shalt  }
0x80: {  	_ =	shalt  }
0x81: {  	_ =	shalt  }
0x82: {  	_ =	shalt  }
0x83: {  	_ =	shalt  }
0x84: {  	_ =	shalt  }
0x85: {  	_ =	shalt  }
0x86: {  	_ =	shalt  }
0x87: {  	_ =	shalt  }
.Lfunc_end0:
.L_simem_size_0:
called_computation_lowered:
.L_overlay_start_0:
0x88: {  	s2 =	sld [smem:$0x3FD9]  }
0x89: {  	s3 =	sld [smem:$0x3FFE];
	_ =	sdelay $0x1  }
0x8a: {  	s1 =	srdreg.scid  }
0x8b: {  	s0 =	sand.u32 $0x1, s1  }
0x8c: {  	s17 =	sshll.u32 s0, $0xA;
	s2 =	sadd.s32 s3, s2  }
0x8d: {  	s2 =	sadd.s32 s2, s17  }
0x8e: {  	[smem:$0x3FBF] =	sst s2  }
0x8f: {  	_ = 	snop  }
0x90: {  	s2 =	sld [smem:$0x3FC7]  }
0x91: {  	s18 =	sld [smem:$0x3FD0];
	(tm) =	ssettm $0x1  }
0x92: {  	s4 =	sld [smem:$0x3FFB];
	_ =	sdelay $0x3  }
0x93: {  	_ =	strace s4  }
0x94: {  	s4 =	sld [smem:$0x3FFC];
	_ =	sdelay $0x3  }
0x95: {  	_ =	strace s4  }
0x96: {  	s4 =	sld [smem:$0x3FFD];
	_ =	sdelay $0x3  }
0x97: {  	_ =	strace s4  }
0x98: {  	_ =	strace $0x8FFFFFFF  }
0x99: {  	s19 =	sld [smem:$0x3FDB];
	_ =	sdelay $0x1  }
0x9a: {  	s5 =	simm.s32 $_scs_section_size  }
0x9b: {  	s6 =	simm.s32 $_size__tile_overlayer_lowered;
	s7 =	simm.s32 $_tile_overlayer_lowered  }
0x9c: {  	s22 =	simm.s32 $0x1BFF;
	s21 =	sshll.u32 s7, $0x1;
	s4 =	sadd.s32 s5, s19  }
0x9d: {  	s8 =	simm.s32 $0x0;
	s20 =	sshll.u32 s6, $0x1;
	s6 =	sadd.s32 s21, s4  }
0x9e: {  	[timem:s8], [sflag:s22] =	dma.local [hbm:s6], s20  }
0x9f: {  	_ =	swait.ge [sflag:s22], s20  }
0xa0: {  	s5 =	ssub.s32 $0x0, s20;
	[sflag:s22] =	ssyncset.done $0x0  }
0xa1: {  	[sflag:s22] =	ssyncadd.s32 s5;
	_ =	sdelay $0x1  }
0xa2: {  	s23 =	simm.s32 $0x1B8B  }
0xa3: {  	_ =	swait.ge [sflag:s23], $0x1  }
0xa4: {  	[sflag:s23] =	ssyncset.done $0x0  }
0xa5: {  	s25 =	simm.s32 $0x1B8E;
	s24 =	sld [smem:$0x3FFE];
	[sflag:s23] =	ssyncadd.s32 $0xFFFFFFFF  }
0xa6: {  	s26 =	simm.s32 $execute0_lowered;
	[smem:$0x3FD2] =	sst s25  }
0xa7: {  	s6 =	sshll.u32 s26, $0x1;
	_ =	strace $0x80000046;
	[dreg:$0x1] =	wrdreg $0xFFFFFFFF  }
0xa8: {  	s28 =	simm.s32 $_size_execute0_lowered;
	s4 =	sadd.s32 s4, s6;
	[dreg:$0x0] =	wrdreg $0x0  }
0xa9: {  	s6 =	sshll.u32 s28, $0x1;
	[dreg:$0x2] =	wrdreg s4  }
0xaa: {  	[dreg:$0x3] =	wrdreg s6  }
0xab: {  	[dreg:$0x4] =	wrdreg $0xC0  }
0xac: {  	_ =	task [dreg:s8], $0x5FFFF  }
0xad: {  	[dreg:$0x1] =	wrdreg $0xFFFFFFFF  }
0xae: {  	[dreg:$0x0] =	wrdreg $0x60  }
0xaf: {  	[dreg:$0x2] =	wrdreg s24  }
0xb0: {  	[dreg:$0x3] =	wrdreg s2  }
0xb1: {  	[dreg:$0x4] =	wrdreg s18  }
0xb2: {  	[dreg:$0x5] =	wrdreg $0xE1A00  }
0xb3: {  	[dreg:$0x6] =	wrdreg $0x181A00  }
0xb4: {  	[dreg:$0x7] =	wrdreg $0x9  }
0xb5: {  	_ =	task.clear_ibuf [dreg:s8], $0x8FFFF;
	_ =	strace $0x90000046  }
0xb6: {  	s29 =	simm.s32 $0x9;
	_ =	strace $0x80000048  }
0xb7: {  	_ =	swait.ge [sflag:s29], $0x1  }
0xb8: {  	[sflag:s29] =	ssyncadd.s32 $0xFFFFFFFF  }
0xb9: {  	_ =	strace $0x90000048  }
0xba: {  	_ =	sfence  }
0xbb: {  	s30 =	sld [smem:$0x0];
	_ =	sdelay $0x2  }
0xbc: {  	s31 =	sshll.u32 s1, $0xD;
	s1 =	sshrl.u32 s1, $0x2  }
0xbd: {  	s3 =	sand.u32 $0x4000, s31;
	s1 =	sadd.s32 s1, s30  }
0xbe: {  	s0 =	sor.u32 s3, s0;
	s1 =	sshll.u32 s1, $0x11  }
0xbf: {  	s0 =	sor.u32 s1, s0  }
0xc0: {  	s0 =	sadd.s32 $0x8F2B, s0  }
0xc1: {  	[sflag:s0] =	ssyncadd.remote.s32 $0x1  }
0xc2: {  	_ =	sfence.sel $0xFFFF  }
0xc3: {  	[dreg:$0x0] =	wrdreg $0xFFFFFFFF;
	(pc) =	sbr.abs _section_cstart, $3  }
0xc4: {  	[dreg:$0x1] =	wrdreg $0xFFFFFFFF  }
0xc5: {  	_ =	task.clear_ibuf [dreg:s8], $0x2FFFF;
	_ =	strace $0x9FFFFFFF  }
0xc6: {  	(tm) =	ssettm $0x7FFFFFFF  }
0xc7: {  	_ =	shalt  }
tec
execute0_lowered:
.L_overlay_start_1:
0x0: {  	(tag) =	ssettag $0x1  }
0x1: {  	s0 =	rddreg [dreg:$0x0]  }
0x2: {  	s8 =	rddreg [dreg:$0x1]  }
0x3: {  	s2 =	rddreg [dreg:$0x2]  }
0x4: {  	s4 =	rddreg [dreg:$0x3]  }
0x5: {  	s5 =	rddreg [dreg:$0x4]  }
0x6: {  	s1 =	srdreg.scid;
	s15 =	stileid.u32;
	s6 =	simm.s32 $0x0  }
0x7: {  	s17 =	sand.u32 $0x1, s1;
	s3 =	smul.u32 $0xA000, s15;
	[smem:$0x7FF] =	sst s6  }
0x8: {  	s9 =	sadd.s32 $0xA200, s0;
	s7 =	smul.u32 $0x2800, s15;
	s18 =	sadd.s32 $0x400, s0  }
0x9: {  	s29 =	sadd.s32 $0x14000, s0;
	s10 =	sadd.s32 $0x14600, s0;
	s14 =	smul.u32 $0x280, s15  }
0xa: {  	s12 =	sadd.s32 $0x14C00, s0;
	s1 =	smul.u32 $0xA0000, s17;
	_ =	strace $0x80000047  }
0xb: {  	[dreg:$0x6] =	wrdreg s29;
	s30 =	smul.u32 $0x28000, s17;
	s31 =	ssub.s32 $0x2, s17  }
0xc: {  	[dreg:$0x7] =	wrdreg s10;
	p0 =	seq.s32 s17, $0x0;
	s13 =	sshrl.u32 s31, $0x1  }
0xd: {  	s19 =	sadd.s32 s7, s5;
	s10 =	sor.u32 $0x50, s14;
	s16 =	sadd.s32 $0xA0, s14  }
0xe: {  	s22 =	sadd.s32 $0xF0, s14;
	s24 =	sadd.s32 $0x140, s14;
	s1 =	sadd.s32 s3, s1  }
0xf: {  	s6 =	sadd.s32 s7, s30;
	s20 =	sshll.u32 s16, $0x6;
	s21 =	sshll.u32 s16, $0x4  }
0x10: {  	s23 =	sshll.u32 s22, $0x6;
	s25 =	sshll.u32 s22, $0x4;
	s26 =	sshll.u32 s24, $0x6  }
0x11: {  	s29 =	sshll.u32 s24, $0x4;
	s30 =	sadd.s32 $0x190, s14;
	[dreg:$0x9] =	wrdreg s19  }
0x12: {  	s1 =	sshrl.u32 s1, $0x3;
	s11 =	sshrl.u32 s6, $0x3;
	s28 =	sadd.s32 s26, s4  }
0x13: {  	s6 =	sadd.s32 s1, s0;
	s0 =	sadd.s32 s11, s0;
	s1 =	ssub.s32 s31, s13  }
0x14: {  	s13 =	sadd.s32 s3, s4;
	s11 =	sshll.u32 s10, $0x6;
	[dreg:$0x10] =	wrdreg s28  }
0x15: {  	s3 =	sshll.u32 s10, $0x4;
	s7 =	sadd.s32 s11, s4;
	[dreg:$0x8] =	wrdreg s13  }
0x16: {  	s22 =	sadd.s32 $0x230, s14;
	s3 =	sadd.s32 s3, s5;
	[dreg:$0xa] =	wrdreg s7  }
0x17: {  	s24 =	sshll.u32 s22, $0x6;
	s6 =	sadd.s32 $0x28600, s6;
	[dreg:$0xb] =	wrdreg s3  }
0x18: {  	s31 =	sadd.s32 $0x1E0, s14;
	s0 =	sadd.s32 $0x50600, s0;
	[dreg:$0x1c] =	wrdreg s6  }
0x19: {  	s11 =	sshll.u32 s30, $0x6;
	s3 =	sadd.s32 s20, s4;
	[dreg:$0x1e] =	wrdreg s0  }
0x1a: {  	v0 =	vimm.s32 $0x76543210;
	s16 =	sshll.u32 s31, $0x6;
	s10 =	sadd.s32 s11, s4;
	[dreg:$0xc] =	wrdreg s3  }
0x1b: {  	v1 =	vimm.s32 $0xFEDCBA98;
	v2 =	vimm.s32 $0xBA98FEDC;
	v3 =	vimm.s32 $0x32107654;
	s20 =	sadd.s32 s16, s4;
	s7 =	sshll.u32 s22, $0x4;
	[dreg:$0x12] =	wrdreg s10  }
0x1c: {  	v4 =	vimm.s32 $0xDCFE98BA;
	v5 =	vimm.s32 $0x54761032;
	v6 =	vimm.s32 $0xEFCDAB89;
	s6 =	smov.u32 s12;
	s3 =	sadd.s32 s21, s5;
	[dreg:$0x14] =	wrdreg s20  }
0x1d: {  	v7 =	vimm.s32 $0x67452301;
	v8 =	vimm.s32 $0x3;
	v9 =	vimm.s32 $0x4;
	s21 =	sshll.u32 s31, $0x4;
	s31 =	smax.u32 s1, $0x1;
	[dreg:$0xd] =	wrdreg s3  }
0x1e: {  	v10 =	vimm.s32 $0x5;
	v11 =	vimm.s32 $0x6;
	v12 =	vimm.s32 $0x7;
	s16 =	smov.u32 s9;
	s6 =	smov.u32 @p0 s2;
	[dreg:$0x1f] =	wrdreg s31  }
0x1f: {  	v13 =	vimm.s32 $0x8;
	v14 =	vimm.s32 $0x9;
	v15 =	vimm.s32 $0xA;
	s22 =	simm.s32 $0x50;
	s3 =	sadd.s32 s23, s4;
	[dreg:$0x1d] =	wrdreg s6  }
0x20: {  	v16 =	vimm.s32 $0xB;
	v17 =	vimm.s32 $0xC;
	v18 =	vimm.s32 $0xD;
	s23 =	smul.u32 $0x4E20, s15;
	[dreg:$0xe] =	wrdreg s3;
	s3 =	sadd.s32 s25, s5  }
0x21: {  	v19 =	vimm.s32 $0xE;
	v20 =	vimm.s32 $0xF;
	v0 =	vunpack.c.l.s4.s8 v0;
	p0 =	sne.s32 s17, $0x0;
	s25 =	sadd.s32 s7, s5;
	[dreg:$0xf] =	wrdreg s3  }
0x22: {  	v1 =	vunpack.c.l.s4.s8 v1;
	v2 =	vunpack.c.l.s4.s8 v2;
	v3 =	vunpack.c.l.s4.s8 v3;
	s3 =	sadd.s32 s29, s5;
	[dreg:$0x17] =	wrdreg s25;
	s26 =	sshrl.u32 s23, $0x3  }
0x23: {  	v4 =	vunpack.c.l.s4.s8 v4;
	v5 =	vunpack.c.l.s4.s8 v5;
	v6 =	vunpack.c.l.s4.s8 v6;
	s1 =	simm.s32 $0x0;
	[dreg:$0x11] =	wrdreg s3;
	s28 =	sadd.s32 s9, s26  }
0x24: {  	v7 =	vunpack.c.l.s4.s8 v7;
	v2 =	vunpack.c.0.s8.s32 v2;
	v3 =	vunpack.c.0.s8.s32 v3;
	s3 =	sshll.u32 s30, $0x4;
	s29 =	sadd.s32 s18, s26;
	[dreg:$0x18] =	wrdreg s28  }
0x25: {  	v4 =	vunpack.c.0.s8.s32 v4;
	v5 =	vunpack.c.0.s8.s32 v5;
	v1 =	vunpack.c.0.s8.s32 v1;
	s7 =	sadd.s32 s8, s26;
	s30 =	sadd.s32 $0x7D0, s23;
	[dreg:$0x19] =	wrdreg s29  }
.Ltmp0:
0x26: {  	v6 =	vunpack.c.0.s8.s32 v6;
	v7 =	vunpack.c.0.s8.s32 v7;
	v0 =	vunpack.c.0.s8.s32 v0;
	s9 =	smov.u32 s17;
	[dreg:$0x1a] =	wrdreg s7;
	(pc) =	sbr.rel .LBB2_1-.Ltmp0, $4  }
0x27: {  	v2 =	vcombine.low v3, v2;
	v3 =	vcombine.low v5, v4;
	v1 =	vand.u32 $0xF, v1;
	s17 =	simm.s32 $0x2710;
	s3 =	sadd.s32 s3, s5;
	[dreg:$0x1b] =	wrdreg s30  }
0x28: {  	v4 =	vcombine.low v7, v6;
	v5 =	vimm.s32 $0x0;
	v6 =	vimm.s32 $0x1;
	s23 =	simm.s32 $0x1;
	[dreg:$0x13] =	wrdreg s3;
	s3 =	sadd.s32 s21, s5  }
0x29: {  	v7 =	vimm.s32 $0x2;
	v0 =	vcombine.low v1, v0;
	v1 =	vand.u32 $0xF, v2;
	s7 =	simm.s32 $0x4;
	[dreg:$0x15] =	wrdreg s3;
	s3 =	sadd.s32 s24, s4  }
0x2a: {  	v2 =	vand.u32 $0xF, v3;
	v3 =	vand.u32 $0xF, v4;
	v4 =	vimm.f32 $0.0e+00;
	s21 =	simm.s32 $0x3;
	[dreg:$0x16] =	wrdreg s3;
	s3 =	smov.u32 s18  }
.LBB2_16:
0x2b: {  	s0 =	simm.s32 $0x2  }
0x2c: {  	_ =	swait.ge [sflag:s0], $0x1400  }
0x2d: {  	[sflag:s0] =	ssyncset.done $0x0  }
0x2e: {  	[sflag:s0] =	ssyncadd.s32 $0xFFFFEC00  }
0x2f: {  	_ =	swait.ge [sflag:s0], $0x500  }
0x30: {  	[sflag:s0] =	ssyncset.done $0x0  }
0x31: {  	[sflag:s0] =	ssyncadd.s32 $0xFFFFFB00  }
0x32: {  	_ =	swait.ge [sflag:s0], $0x1400  }
0x33: {  	[sflag:s0] =	ssyncset.done $0x0  }
0x34: {  	[sflag:s0] =	ssyncadd.s32 $0xFFFFEC00  }
0x35: {  	_ =	swait.ge [sflag:s0], $0x500  }
0x36: {  	[sflag:s0] =	ssyncset.done $0x0  }
0x37: {  	[sflag:s0] =	ssyncadd.s32 $0xFFFFFB00  }
0x38: {  	s26 =	stileid.u32;
	[bflag:$0x0] =	sbarrier.arrive $0xFFFF  }
0x39: {  	s7 =	simm.s32 $0x4;
	s0 =	sshll.u32 s26, $0x6;
	s13 =	rddreg [dreg:$0x8]  }
0x3a: {  	s0 =	sor.u32 $0x1C04, s0;
	s6 =	rddreg [dreg:$0x1c];
	s1 =	sshrl.u32 s13, $0x3  }
0x3b: {  	[hbm:s6], [sflag:s0] =	dma.local [spmem:s1], $0x1400  }
0x3c: {  	_ =	swait.ge [sflag:s7], $0x1400  }
0x3d: {  	[sflag:s7] =	ssyncset.done $0x0;
	s19 =	rddreg [dreg:$0x9]  }
0x3e: {  	s29 =	rddreg [dreg:$0x1e];
	[sflag:s7] =	ssyncadd.s32 $0xFFFFEC00;
	s28 =	sshrl.u32 s19, $0x3  }
0x3f: {  	[hbm:s29], [sflag:s0] =	dma.local [spmem:s28], $0x500  }
0x40: {  	_ =	swait.ge [sflag:s7], $0x500  }
0x41: {  	s30 =	sld [smem:$0x7FD];
	_ =	sdelay $0x2  }
0x42: {  	s31 =	rddreg [dreg:$0x1f];
	s1 =	sadd.s32 $0x1, s30  }
0x43: {  	p1 =	sne.s32 s1, s31  }
.Ltmp1:
0x44: {  	_ = 	snop;
	(pc) =	sbr.rel @!p1 .LBB2_17-.Ltmp1, $3  }
0x45: {  	_ =	sdelay $0x1  }
0x46: {  	[sflag:s7] =	ssyncset.done $0x0  }
0x47: {  	[sflag:s7] =	ssyncadd.s32 $0xFFFFFB00  }
.LBB2_1:
0x48: {  	[smem:$0x7FD] =	sst s1  }
0x49: {  	s0 =	simm.s32 $0x0;
	s29 =	rddreg [dreg:$0x6]  }
0x4a: {  	[tilespmem:s0], [sflag:$0x4] =	stream.linear.gather [hbm4b:s29+s0], $0x2710, $0x38;
	[tilespmem:$0x1A9A0] =	vst v63  }
0x4b: {  	_ =	swait.ge [sflag:s7], $0x2710  }
0x4c: {  	[sflag:s7] =	ssyncset.done $0x0  }
0x4d: {  	s30 =	rddreg [dreg:$0x7];
	[sflag:s7] =	ssyncadd.s32 $0xFFFFD8F0  }
0x4e: {  	[tilespmem:s17], [sflag:$0x4] =	stream.linear.gather [hbm4b:s30+s0], $0x2710, $0x38;
	[tilespmem:$0x1A9A0] =	vst v63  }
0x4f: {  	_ =	swait.ge [sflag:s7], $0x2710  }
0x50: {  	[sflag:s7] =	ssyncset.done $0x0  }
0x51: {  	s31 =	simm.s32 $0x0;
	[sflag:s7] =	ssyncadd.s32 $0xFFFFD8F0  }
0x52: {  	v22 =	vld [tilespmem:s31+$0x2710]  }
0x53: {  	v21 =	vimm.f32 $-1.000000020e+30;
	v23 =	vimm.f32 $-1.000000020e+30;
	s0 =	simm.s32 $0x40;
	v24 =	vld [tilespmem:s31+$0x0]  }
.LBB2_2:
0x54: {  	p1 =	sne.s32 s0, $0x9C00  }
.Ltmp2:
0x55: {  	_ = 	snop;
	(pc) =	sbr.rel @p1 .LBB2_2-.Ltmp2, $4  }
0x56: {  	_ = 	snop  }
0x57: {  	s1 =	sshra.s32 s0, $0x2;
	s0 =	sadd.s32 $0x40, s0;
	v21 =	vmax.f32 v21, v22  }
0x58: {  	v22 =	vld [tilespmem:s1+$0x2710];
	v23 =	vmax.f32 v23, v24  }
0x59: {  	v24 =	vld [tilespmem:s1+$0x0]  }
0x5a: {  	_ =	sdelay $0x3  }
0x5b: {  	v21 =	vmax.f32 v21, v22;
	v22 =	vmax.f32 v23, v24  }
0x5c: {  	v24 =	vperm.xlane v21, v0;
	v23 =	vperm.xlane v22, v0;
	_ =	sdelay $0x1  }
0x5d: {  	v21 =	vmax.f32 v21, v24;
	v22 =	vmax.f32 v22, v23  }
0x5e: {  	v24 =	vperm.xlane v21, v1;
	v23 =	vperm.xlane v22, v1;
	_ =	sdelay $0x1  }
0x5f: {  	s0 =	simm.s32 $0x7D20;
	v22 =	vmax.f32 v22, v23;
	v23 =	vmax.f32 v21, v24  }
0x60: {  	[tilespmem:s0+$0x0] =	vst v4;
	v21 =	vperm.xlane v22, v2;
	v24 =	vperm.xlane v23, v2  }
0x61: {  	[tilespmem:s0+$0xFFFFFFE0] =	vst v4  }
0x62: {  	[tilespmem:s0+$0x10] =	vst v4;
	v21 =	vmax.f32 v22, v21;
	v22 =	vmax.f32 v23, v24  }
0x63: {  	s1 =	simm.s32 $0x40;
	s6 =	simm.s32 $0x0;
	[tilespmem:s0+$0xFFFFFFF0] =	vst v4;
	v23 =	vperm.xlane v21, v3;
	v24 =	vperm.xlane v22, v3  }
.LBB2_4:
0x64: {  	p1 =	sne.s32 s1, $0x13C0  }
0x65: {  	[tilespmem:s6+$0xCD00] =	vst v4;
	s0 =	sadd.s32 $0x40, s0;
	s6 =	smov.u32 s1;
	s1 =	sadd.s32 $0x40, s1  }
.Ltmp3:
0x66: {  	[tilespmem:s0+$0x0] =	vst v4;
	(pc) =	sbr.rel @p1 .LBB2_4-.Ltmp3, $4  }
0x67: {  	_ = 	snop  }
0x68: {  	[tilespmem:s0+$0xFFFFFFE0] =	vst v4  }
0x69: {  	[tilespmem:s0+$0x10] =	vst v4  }
0x6a: {  	s6 =	sshra.s32 s6, $0x2;
	[tilespmem:s0+$0xFFFFFFF0] =	vst v4  }
0x6b: {  	[tilespmem:s6+$0xCD00] =	vst v4;
	s1 =	simm.s32 $0x7D00  }
0x6c: {  	[spmem:s13] =	stream.linear.scatter [tilespmem:s1], [sflag:$0x4], $0x1400, $0x38;
	[tilespmem:$0x1A9A0] =	vst v63  }
0x6d: {  	_ =	swait.ge [sflag:s7], $0x1400  }
0x6e: {  	[sflag:s7] =	ssyncset.done $0x0  }
0x6f: {  	s18 =	simm.s32 $0xCD00;
	[sflag:s7] =	ssyncadd.s32 $0xFFFFEC00  }
0x70: {  	[spmem:s19] =	stream.linear.scatter [tilespmem:s18], [sflag:$0x4], $0x500, $0x38;
	[tilespmem:$0x1A9A0] =	vst v63  }
0x71: {  	_ =	swait.ge [sflag:s7], $0x500  }
0x72: {  	[sflag:s7] =	ssyncset.done $0x0  }
0x73: {  	s0 =	rddreg [dreg:$0xa];
	[sflag:s7] =	ssyncadd.s32 $0xFFFFFB00  }
0x74: {  	[spmem:s0] =	stream.linear.scatter [tilespmem:s1], [sflag:$0x4], $0x1400, $0x38;
	[tilespmem:$0x1A9A0] =	vst v63  }
0x75: {  	_ =	swait.ge [sflag:s7], $0x1400  }
0x76: {  	[sflag:s7] =	ssyncset.done $0x0  }
0x77: {  	s20 =	rddreg [dreg:$0xb];
	[sflag:s7] =	ssyncadd.s32 $0xFFFFEC00  }
0x78: {  	[spmem:s20] =	stream.linear.scatter [tilespmem:s18], [sflag:$0x4], $0x500, $0x38;
	[tilespmem:$0x1A9A0] =	vst v63  }
0x79: {  	_ =	swait.ge [sflag:s7], $0x500  }
0x7a: {  	[sflag:s7] =	ssyncset.done $0x0  }
0x7b: {  	s24 =	rddreg [dreg:$0xc];
	[sflag:s7] =	ssyncadd.s32 $0xFFFFFB00  }
0x7c: {  	[spmem:s24] =	stream.linear.scatter [tilespmem:s1], [sflag:$0x4], $0x1400, $0x38;
	[tilespmem:$0x1A9A0] =	vst v63  }
0x7d: {  	_ =	swait.ge [sflag:s7], $0x1400  }
0x7e: {  	[sflag:s7] =	ssyncset.done $0x0  }
0x7f: {  	s25 =	rddreg [dreg:$0xd];
	[sflag:s7] =	ssyncadd.s32 $0xFFFFEC00  }
0x80: {  	[spmem:s25] =	stream.linear.scatter [tilespmem:s18], [sflag:$0x4], $0x500, $0x38;
	[tilespmem:$0x1A9A0] =	vst v63  }
0x81: {  	_ =	swait.ge [sflag:s7], $0x500  }
0x82: {  	[sflag:s7] =	ssyncset.done $0x0  }
0x83: {  	s26 =	rddreg [dreg:$0xe];
	[sflag:s7] =	ssyncadd.s32 $0xFFFFFB00  }
0x84: {  	[spmem:s26] =	stream.linear.scatter [tilespmem:s1], [sflag:$0x4], $0x1400, $0x38;
	[tilespmem:$0x1A9A0] =	vst v63  }
0x85: {  	_ =	swait.ge [sflag:s7], $0x1400  }
0x86: {  	[sflag:s7] =	ssyncset.done $0x0  }
0x87: {  	s29 =	rddreg [dreg:$0xf];
	[sflag:s7] =	ssyncadd.s32 $0xFFFFEC00  }
0x88: {  	[spmem:s29] =	stream.linear.scatter [tilespmem:s18], [sflag:$0x4], $0x500, $0x38;
	[tilespmem:$0x1A9A0] =	vst v63  }
0x89: {  	_ =	swait.ge [sflag:s7], $0x500  }
0x8a: {  	[sflag:s7] =	ssyncset.done $0x0  }
0x8b: {  	s30 =	rddreg [dreg:$0x10];
	[sflag:s7] =	ssyncadd.s32 $0xFFFFFB00  }
0x8c: {  	[spmem:s30] =	stream.linear.scatter [tilespmem:s1], [sflag:$0x4], $0x1400, $0x38;
	[tilespmem:$0x1A9A0] =	vst v63  }
0x8d: {  	_ =	swait.ge [sflag:s7], $0x1400  }
0x8e: {  	[sflag:s7] =	ssyncset.done $0x0  }
0x8f: {  	s31 =	rddreg [dreg:$0x11];
	[sflag:s7] =	ssyncadd.s32 $0xFFFFEC00  }
0x90: {  	[spmem:s31] =	stream.linear.scatter [tilespmem:s18], [sflag:$0x4], $0x500, $0x38;
	[tilespmem:$0x1A9A0] =	vst v63  }
0x91: {  	_ =	swait.ge [sflag:s7], $0x500  }
0x92: {  	[sflag:s7] =	ssyncset.done $0x0  }
0x93: {  	s8 =	rddreg [dreg:$0x12];
	[sflag:s7] =	ssyncadd.s32 $0xFFFFFB00  }
0x94: {  	[spmem:s8] =	stream.linear.scatter [tilespmem:s1], [sflag:$0x4], $0x1400, $0x38;
	[tilespmem:$0x1A9A0] =	vst v63  }
0x95: {  	_ =	swait.ge [sflag:s7], $0x1400  }
0x96: {  	[sflag:s7] =	ssyncset.done $0x0  }
0x97: {  	s10 =	rddreg [dreg:$0x13];
	[sflag:s7] =	ssyncadd.s32 $0xFFFFEC00  }
0x98: {  	[spmem:s10] =	stream.linear.scatter [tilespmem:s18], [sflag:$0x4], $0x500, $0x38;
	[tilespmem:$0x1A9A0] =	vst v63  }
0x99: {  	_ =	swait.ge [sflag:s7], $0x500  }
0x9a: {  	[sflag:s7] =	ssyncset.done $0x0  }
0x9b: {  	s11 =	rddreg [dreg:$0x14];
	[sflag:s7] =	ssyncadd.s32 $0xFFFFFB00  }
0x9c: {  	[spmem:s11] =	stream.linear.scatter [tilespmem:s1], [sflag:$0x4], $0x1400, $0x38;
	[tilespmem:$0x1A9A0] =	vst v63  }
0x9d: {  	_ =	swait.ge [sflag:s7], $0x1400  }
0x9e: {  	[sflag:s7] =	ssyncset.done $0x0  }
0x9f: {  	s13 =	rddreg [dreg:$0x15];
	[sflag:s7] =	ssyncadd.s32 $0xFFFFEC00  }
0xa0: {  	[spmem:s13] =	stream.linear.scatter [tilespmem:s18], [sflag:$0x4], $0x500, $0x38;
	[tilespmem:$0x1A9A0] =	vst v63  }
0xa1: {  	_ =	swait.ge [sflag:s7], $0x500  }
0xa2: {  	[sflag:s7] =	ssyncset.done $0x0  }
0xa3: {  	s14 =	rddreg [dreg:$0x16];
	[sflag:s7] =	ssyncadd.s32 $0xFFFFFB00  }
0xa4: {  	[spmem:s14] =	stream.linear.scatter [tilespmem:s1], [sflag:$0x4], $0x1400, $0x38;
	[tilespmem:$0x1A9A0] =	vst v63  }
0xa5: {  	_ =	swait.ge [sflag:s7], $0x1400  }
0xa6: {  	[sflag:s7] =	ssyncset.done $0x0  }
0xa7: {  	s15 =	rddreg [dreg:$0x17];
	[sflag:s7] =	ssyncadd.s32 $0xFFFFEC00  }
0xa8: {  	[spmem:s15] =	stream.linear.scatter [tilespmem:s18], [sflag:$0x4], $0x500, $0x38;
	[tilespmem:$0x1A9A0] =	vst v63  }
0xa9: {  	_ =	swait.ge [sflag:s7], $0x500  }
0xaa: {  	[sflag:s7] =	ssyncset.done $0x0  }
0xab: {  	[sflag:s7] =	ssyncadd.s32 $0xFFFFFB00  }
0xac: {  	[bflag:$0x0] =	sbarrier.arrive $0xFFFF  }
0xad: {  	s19 =	simm.s32 $0x4E20;
	s10 =	simm.s32 $0x0;
	s18 =	rddreg [dreg:$0x18]  }
0xae: {  	[tilespmem:s19], [sflag:$0x3] =	stream.linear.gather [hbm4b:s18+s10], $0x7D0, $0x38;
	[tilespmem:$0x1A9A0] =	vst v63  }
0xaf: {  	s24 =	simm.s32 $0x5DC0;
	s20 =	rddreg [dreg:$0x19]  }
0xb0: {  	[tilespmem:s24], [sflag:$0x3] =	stream.linear.gather [hbm4b:s20+s10], $0x7D0, $0x38;
	[tilespmem:$0x1A9A0] =	vst v63  }
0xb1: {  	s26 =	simm.s32 $0x6D60;
	s25 =	rddreg [dreg:$0x1a]  }
0xb2: {  	[tilespmem:s26], [sflag:$0x3] =	stream.linear.gather [hbm4b:s25+s10], $0x7D0, $0x38;
	[tilespmem:$0x1A9A0] =	vst v63  }
0xb3: {  	_ =	swait.ge [sflag:s21], $0x7D0  }
0xb4: {  	[sflag:s21] =	ssyncset.done $0x0  }
0xb5: {  	[sflag:s21] =	ssyncadd.s32 $0xFFFFF830  }
0xb6: {  	_ =	swait.ge [sflag:s21], $0x7D0  }
0xb7: {  	[sflag:s21] =	ssyncset.done $0x0  }
0xb8: {  	[sflag:s21] =	ssyncadd.s32 $0xFFFFF830  }
0xb9: {  	_ =	swait.ge [sflag:s21], $0x7D0  }
.Ltmp4:
0xba: {  	[sflag:s21] =	ssyncset.done $0x0;
	(pc) =	sbr.rel .LBB2_6-.Ltmp4, $4  }
0xbb: {  	s29 =	rddreg [dreg:$0x1d];
	[sflag:s21] =	ssyncadd.s32 $0xFFFFF830  }
0xbc: {  	[tilespmem:s1], [sflag:$0x1] =	stream.indirect.gather [hbm4b:s29+s22], $0x40, s24, s22, $0xb8;
	[tilespmem:$0x1A9A0] =	vst v63  }
0xbd: {  	v21 =	vmax.f32 v21, v23;
	v22 =	vmax.f32 v22, v24;
	s28 =	simm.s32 $0x0;
	s30 =	simm.s32 $0x5E10;
	s31 =	simm.s32 $0x9100  }
0xbe: {  	v21 =	vadd.f32 v22, v21;
	[tilespmem:s31], [sflag:$0x1] =	stream.indirect.gather [hbm4b:s29+s22], $0x40, s30, s22, $0xb8;
	[tilespmem:$0x1A9A0] =	vst v63  }
.LBB2_15:
0xbf: {  	s28 =	sadd.s32 $0x1, s28  }
0xc0: {  	p1 =	sne.s32 s28, $0xA  }
.Ltmp5:
0xc1: {  	_ = 	snop;
	(pc) =	sbr.rel @!p1 .LBB2_16-.Ltmp5, $2  }
0xc2: {  	_ =	sdelay $0x2  }
0xc3: {  	s10 =	sadd.s32 $0x1, s10  }
.LBB2_6:
0xc4: {  	s7 =	smul.u32 $0x7D0, s28  }
0xc5: {  	s0 =	sand.u32 $0x1, s28;
	s25 =	rddreg [dreg:$0x1b];
	s30 =	smul.u32 $0x19, s28  }
0xc6: {  	p1 =	seq.s32 s28, $0x9;
	s1 =	sxor.u32 $0x1, s0;
	s29 =	smul.u32 $0x19, s0  }
0xc7: {  	s26 =	rddreg [dreg:$0x1];
	s19 =	simm.s32 $0x0;
	s6 =	smul.u32 $0x19, s1  }
0xc8: {  	p3 =	sne.s32 @!p1 s9, $0x0;
	s1 =	smul.u32 $0x7D0, s1;
	s0 =	sadd.s32 s7, s25  }
0xc9: {  	p2 =	por !p3, p1;
	p3 =	por p3, p1;
	s7 =	sshrl.u32 s0, $0x3  }
0xca: {  	s0 =	sadd.s32 $0x2, s29;
	s31 =	sadd.s32 $0xFFFFFFE9, s6;
	s6 =	sadd.s32 $0x4E20, s1  }
0xcb: {  	s11 =	sadd.s32 s16, s7;
	s15 =	sadd.s32 $0x5DC0, s1;
	s20 =	sadd.s32 s3, s7  }
0xcc: {  	s13 =	sadd.s32 $0x6D60, s1;
	s14 =	sadd.s32 s26, s7;
	s26 =	smov.u32 s10  }
.LBB2_7:
0xcd: {  	s1 =	sadd.s32 s30, s19  }
0xce: {  	p4 =	slt.u32 s1, $0x2  }
0xcf: {  	s7 =	simm.s32 @!p4 $0x2  }
0xd0: {  	_ =	swait.ge @!p4 [sflag:s7], $0x1400  }
0xd1: {  	[sflag:s7] =	ssyncset.done @!p4 $0x0  }
0xd2: {  	[sflag:s7] =	ssyncadd.s32 @!p4 $0xFFFFEC00  }
0xd3: {  	_ =	swait.ge @!p4 [sflag:s7], $0x500  }
0xd4: {  	[sflag:s7] =	ssyncset.done @!p4 $0x0  }
0xd5: {  	[sflag:s7] =	ssyncadd.s32 @!p4 $0xFFFFFB00;
	p4 =	sne.s32 @!p1 s19, $0x16  }
0xd6: {  	p4 =	por p1, p4  }
.Ltmp6:
0xd7: {  	_ = 	snop;
	(pc) =	sbr.rel @p4 .LBB2_9-.Ltmp6, $4  }
0xd8: {  	_ = 	snop  }
0xd9: {  	_ =	swait.ge [sflag:s23], $0x1400  }
0xda: {  	[sflag:s23] =	ssyncset.done $0x0  }
0xdb: {  	s18 =	sand.u32 $0x3, s1;
	[sflag:s23] =	ssyncadd.s32 $0xFFFFEC00  }
0xdc: {  	_ =	swait.ge [sflag:s21], $0x7D0  }
0xdd: {  	[sflag:s21] =	ssyncset.done $0x0  }
0xde: {  	[sflag:s21] =	ssyncadd.s32 $0xFFFFF830  }
0xdf: {  	_ =	swait.ge [sflag:s21], $0x7D0  }
0xe0: {  	[sflag:s21] =	ssyncset.done $0x0  }
0xe1: {  	[sflag:s21] =	ssyncadd.s32 $0xFFFFF830  }
0xe2: {  	_ =	swait.ge [sflag:s21], $0x7D0  }
0xe3: {  	[sflag:s21] =	ssyncset.done $0x0  }
0xe4: {  	s1 =	sxor.u32 $0x2, s18;
	[sflag:s21] =	ssyncadd.s32 $0xFFFFF830  }
.LBB2_10:
0xe5: {  	s7 =	sadd.s32 s19, s0;
	s1 =	smul.u32 $0x5000, s1  }
0xe6: {  	s7 =	smul.u32 $0x140, s7;
	_ =	sdelay $0x1  }
0xe7: {  	s1 =	sshrl.u32 s1, $0x2;
	s7 =	sshra.s32 s7, $0x2  }
0xe8: {  	s24 =	simm.s32 @p0 $0x50;
	s1 =	sadd.s32 $0x7D00, s1;
	s7 =	sadd.s32 $0x5DC0, s7  }
0xe9: {  	[tilespmem:s1], [sflag:$0x1] =	stream.indirect.gather @p0 [hbm4b:s12+s24], $0x40, s7, s24, $0xb8;
	[tilespmem:$0x1A9A0] =	vst v63  }
0xea: {  	s24 =	simm.s32 @!p0 $0x50  }
0xeb: {  	[tilespmem:s1], [sflag:$0x1] =	stream.indirect.gather @!p0 [hbm4b:s2+s24], $0x40, s7, s24, $0xb8;
	[tilespmem:$0x1A9A0] =	vst v63  }
.LBB2_12:
0xec: {  	s1 =	sadd.s32 s29, s19  }
0xed: {  	s25 =	smul.u32 $0x50, s1;
	_ =	sdelay $0x1  }
0xee: {  	v22 =	vld [tilespmem:s25+$0x4E20]  }
0xef: {  	v23 =	vld [tilespmem:s25+$0x5DC0];
	_ =	sdelay $0x5  }
0xf0: {  	s24 =	simm.s32 $0x0  }
0xf1: {  	v22 =	vld.idx.msk [tilespmem:v22+s24+$0x0], $0xffff  }
0xf2: {  	v23 =	vld.idx.msk [tilespmem:v23+s17+$0x0], $0xffff;
	_ =	sdelay $0x4  }
0xf3: {  	v22 =	vadd.f32 v23, v22;
	_ =	sdelay $0x1  }
0xf4: {  	v22 =	vsub.f32 v22, v21;
	_ =	sdelay $0x1  }
0xf5: {  	v22 =	vmul.f32 $1.442695020e+00, v22;
	_ =	sdelay $0x1  }
0xf6: {  	(erf) = vpow2.f32 v22;
	_ =	sdelay $0x8  }
0xf7: {  	v22 =	vpop (erf)  }
0xf8: {  	[tilespmem:$0xE100] =	vst v22  }
0xf9: {  	v23 =	vld [tilespmem:s25+$0x6D60];
	_ =	sdelay $0x4  }
0xfa: {  	v22 =	vmul.f32 v22, v23;
	_ =	sdelay $0x1  }
0xfb: {  	[tilespmem:$0xE150] =	vst v22  }
0xfc: {  	v22 =	vld [tilespmem:s25+$0x4E30]  }
0xfd: {  	v23 =	vld [tilespmem:s25+$0x5DD0];
	_ =	sdelay $0x6  }
0xfe: {  	v22 =	vld.idx.msk [tilespmem:v22+s24+$0x0], $0xffff  }
0xff: {  	v23 =	vld.idx.msk [tilespmem:v23+s17+$0x0], $0xffff;
	_ =	sdelay $0x4  }
0x100: {  	v22 =	vadd.f32 v23, v22;
	_ =	sdelay $0x1  }
0x101: {  	v22 =	vsub.f32 v22, v21;
	_ =	sdelay $0x1  }
0x102: {  	v22 =	vmul.f32 $1.442695020e+00, v22;
	_ =	sdelay $0x1  }
0x103: {  	(erf) = vpow2.f32 v22;
	_ =	sdelay $0x8  }
0x104: {  	v22 =	vpop (erf)  }
0x105: {  	[tilespmem:$0xE110] =	vst v22  }
0x106: {  	v23 =	vld [tilespmem:s25+$0x6D70];
	_ =	sdelay $0x4  }
0x107: {  	v22 =	vmul.f32 v22, v23;
	_ =	sdelay $0x1  }
0x108: {  	[tilespmem:$0xE160] =	vst v22  }
0x109: {  	v22 =	vld [tilespmem:s25+$0x4E40]  }
0x10a: {  	v23 =	vld [tilespmem:s25+$0x5DE0];
	_ =	sdelay $0x6  }
0x10b: {  	v22 =	vld.idx.msk [tilespmem:v22+s24+$0x0], $0xffff  }
0x10c: {  	v23 =	vld.idx.msk [tilespmem:v23+s17+$0x0], $0xffff;
	_ =	sdelay $0x4  }
0x10d: {  	v22 =	vadd.f32 v23, v22;
	_ =	sdelay $0x1  }
0x10e: {  	v22 =	vsub.f32 v22, v21;
	_ =	sdelay $0x1  }
0x10f: {  	v22 =	vmul.f32 $1.442695020e+00, v22;
	_ =	sdelay $0x1  }
0x110: {  	(erf) = vpow2.f32 v22;
	_ =	sdelay $0x8  }
0x111: {  	v22 =	vpop (erf)  }
0x112: {  	[tilespmem:$0xE120] =	vst v22  }
0x113: {  	v23 =	vld [tilespmem:s25+$0x6D80];
	_ =	sdelay $0x4  }
0x114: {  	v22 =	vmul.f32 v22, v23;
	_ =	sdelay $0x1  }
0x115: {  	[tilespmem:$0xE170] =	vst v22  }
0x116: {  	v22 =	vld [tilespmem:s25+$0x4E50]  }
0x117: {  	v23 =	vld [tilespmem:s25+$0x5DF0];
	_ =	sdelay $0x6  }
0x118: {  	v22 =	vld.idx.msk [tilespmem:v22+s24+$0x0], $0xffff  }
0x119: {  	v23 =	vld.idx.msk [tilespmem:v23+s17+$0x0], $0xffff;
	_ =	sdelay $0x4  }
0x11a: {  	v22 =	vadd.f32 v23, v22;
	_ =	sdelay $0x1  }
0x11b: {  	v22 =	vsub.f32 v22, v21;
	_ =	sdelay $0x1  }
0x11c: {  	v22 =	vmul.f32 $1.442695020e+00, v22;
	_ =	sdelay $0x1  }
0x11d: {  	(erf) = vpow2.f32 v22;
	_ =	sdelay $0x8  }
0x11e: {  	v22 =	vpop (erf)  }
0x11f: {  	[tilespmem:$0xE130] =	vst v22  }
0x120: {  	v23 =	vld [tilespmem:s25+$0x6D90];
	_ =	sdelay $0x4  }
0x121: {  	v22 =	vmul.f32 v22, v23;
	_ =	sdelay $0x1  }
0x122: {  	[tilespmem:$0xE180] =	vst v22  }
0x123: {  	v22 =	vld [tilespmem:s25+$0x4E60]  }
0x124: {  	v23 =	vld [tilespmem:s25+$0x5E00];
	_ =	sdelay $0x6  }
0x125: {  	v22 =	vld.idx.msk [tilespmem:v22+s24+$0x0], $0xffff  }
0x126: {  	v23 =	vld.idx.msk [tilespmem:v23+s17+$0x0], $0xffff;
	_ =	sdelay $0x4  }
0x127: {  	v22 =	vadd.f32 v23, v22;
	_ =	sdelay $0x1  }
0x128: {  	v22 =	vsub.f32 v22, v21;
	_ =	sdelay $0x1  }
0x129: {  	v22 =	vmul.f32 $1.442695020e+00, v22;
	_ =	sdelay $0x1  }
0x12a: {  	(erf) = vpow2.f32 v22;
	_ =	sdelay $0x8  }
0x12b: {  	v22 =	vpop (erf)  }
0x12c: {  	[tilespmem:$0xE140] =	vst v22  }
0x12d: {  	v23 =	vld [tilespmem:s25+$0x6DA0];
	_ =	sdelay $0x1  }
0x12e: {  	s8 =	sand.u32 $0x3, s26  }
0x12f: {  	s7 =	smul.u32 $0x5000, s8  }
0x130: {  	s1 =	smul.u32 $0x1400, s8  }
0x131: {  	v22 =	vmul.f32 v22, v23  }
0x132: {  	s7 =	sshrl.u32 s7, $0x2;
	s8 =	sshrl.u32 s1, $0x2  }
0x133: {  	s1 =	sadd.s32 $0x7F00, s7;
	s7 =	sadd.s32 $0xCD80, s8;
	s25 =	sadd.s32 $0x4E20, s25;
	[tilespmem:$0xE190] =	vst v22  }
.LBB2_13:
0x134: {  	s8 =	sshra.s32 s24, $0x2  }
0x135: {  	v23 =	vld [tilespmem:s8+$0xE150];
	_ =	sdelay $0x1  }
0x136: {  	v22 =	vld [tilespmem:s1+$0xFFFFFE00];
	_ =	sdelay $0x1  }
0x137: {  	v44 =	vld [tilespmem:s1+$0xFFFFFE10]  }
0x138: {  	v24 =	vperm.xlane v23, v5  }
0x139: {  	v45 =	vld [tilespmem:s1+$0xFFFFFE20]  }
0x13a: {  	v46 =	vld [tilespmem:s1+$0xFFFFFE30];
	v25 =	vmul.f32 v22, v24  }
0x13b: {  	v22 =	vld [tilespmem:s8+$0xE100]  }
0x13c: {  	[tilespmem:s1+$0xFFFFFE00] =	vst v25;
	v25 =	vmul.f32 v44, v24;
	_ =	sdelay $0x1  }
0x13d: {  	[tilespmem:s1+$0xFFFFFE10] =	vst v25;
	v25 =	vmul.f32 v45, v24  }
0x13e: {  	v24 =	vmul.f32 v46, v24  }
0x13f: {  	v47 =	vperm.xlane v22, v5;
	[tilespmem:s1+$0xFFFFFE20] =	vst v25  }
0x140: {  	[tilespmem:s1+$0xFFFFFE30] =	vst v24  }
0x141: {  	[tilespmem:s7+$0xFFFFFF80] =	vst v47  }
0x142: {  	v48 =	vld [tilespmem:s1+$0xFFFFFE40];
	_ =	sdelay $0x1  }
0x143: {  	v50 =	vld [tilespmem:s1+$0xFFFFFE50]  }
0x144: {  	v49 =	vperm.xlane v23, v6  }
0x145: {  	v51 =	vld [tilespmem:s1+$0xFFFFFE60]  }
0x146: {  	v24 =	vmul.f32 v48, v49  }
0x147: {  	v52 =	vld [tilespmem:s1+$0xFFFFFE70]  }
0x148: {  	[tilespmem:s1+$0xFFFFFE40] =	vst v24;
	v24 =	vmul.f32 v50, v49;
	_ =	sdelay $0x1  }
0x149: {  	[tilespmem:s1+$0xFFFFFE50] =	vst v24;
	v24 =	vmul.f32 v51, v49;
	_ =	sdelay $0x1  }
0x14a: {  	[tilespmem:s1+$0xFFFFFE60] =	vst v24;
	v24 =	vmul.f32 v52, v49  }
0x14b: {  	v53 =	vperm.xlane v22, v6  }
0x14c: {  	[tilespmem:s1+$0xFFFFFE70] =	vst v24  }
0x14d: {  	[tilespmem:s7+$0xFFFFFF90] =	vst v53  }
0x14e: {  	v54 =	vld [tilespmem:s1+$0xFFFFFE80];
	_ =	sdelay $0x1  }
0x14f: {  	v56 =	vld [tilespmem:s1+$0xFFFFFE90]  }
0x150: {  	v55 =	vperm.xlane v23, v7  }
0x151: {  	v57 =	vld [tilespmem:s1+$0xFFFFFEA0]  }
0x152: {  	v24 =	vmul.f32 v54, v55  }
0x153: {  	v58 =	vld [tilespmem:s1+$0xFFFFFEB0]  }
0x154: {  	[tilespmem:s1+$0xFFFFFE80] =	vst v24;
	v24 =	vmul.f32 v56, v55;
	_ =	sdelay $0x1  }
0x155: {  	[tilespmem:s1+$0xFFFFFE90] =	vst v24;
	v24 =	vmul.f32 v57, v55;
	_ =	sdelay $0x1  }
0x156: {  	[tilespmem:s1+$0xFFFFFEA0] =	vst v24;
	v24 =	vmul.f32 v58, v55  }
0x157: {  	v59 =	vperm.xlane v22, v7  }
0x158: {  	[tilespmem:s1+$0xFFFFFEB0] =	vst v24  }
0x159: {  	[tilespmem:s7+$0xFFFFFFA0] =	vst v59  }
0x15a: {  	v60 =	vld [tilespmem:s1+$0xFFFFFEC0];
	_ =	sdelay $0x1  }
0x15b: {  	v62 =	vld [tilespmem:s1+$0xFFFFFED0]  }
0x15c: {  	v61 =	vperm.xlane v23, v8  }
0x15d: {  	v63 =	vld [tilespmem:s1+$0xFFFFFEE0]  }
0x15e: {  	v24 =	vmul.f32 v60, v61  }
0x15f: {  	v28 =	vld [tilespmem:s1+$0xFFFFFEF0]  }
0x160: {  	[tilespmem:s1+$0xFFFFFEC0] =	vst v24;
	v24 =	vmul.f32 v62, v61;
	_ =	sdelay $0x1  }
0x161: {  	[tilespmem:s1+$0xFFFFFED0] =	vst v24;
	v24 =	vmul.f32 v63, v61;
	_ =	sdelay $0x1  }
0x162: {  	[tilespmem:s1+$0xFFFFFEE0] =	vst v24;
	v24 =	vmul.f32 v28, v61  }
0x163: {  	v29 =	vperm.xlane v22, v8  }
0x164: {  	[tilespmem:s1+$0xFFFFFEF0] =	vst v24  }
0x165: {  	[tilespmem:s7+$0xFFFFFFB0] =	vst v29  }
0x166: {  	v30 =	vld [tilespmem:s1+$0xFFFFFF00];
	_ =	sdelay $0x1  }
0x167: {  	v32 =	vld [tilespmem:s1+$0xFFFFFF10]  }
0x168: {  	v31 =	vperm.xlane v23, v9  }
0x169: {  	v33 =	vld [tilespmem:s1+$0xFFFFFF20]  }
0x16a: {  	v24 =	vmul.f32 v30, v31  }
0x16b: {  	v34 =	vld [tilespmem:s1+$0xFFFFFF30]  }
0x16c: {  	[tilespmem:s1+$0xFFFFFF00] =	vst v24;
	v24 =	vmul.f32 v32, v31;
	_ =	sdelay $0x1  }
0x16d: {  	[tilespmem:s1+$0xFFFFFF10] =	vst v24;
	v24 =	vmul.f32 v33, v31;
	_ =	sdelay $0x1  }
0x16e: {  	[tilespmem:s1+$0xFFFFFF20] =	vst v24;
	v24 =	vmul.f32 v34, v31  }
0x16f: {  	v35 =	vperm.xlane v22, v9  }
0x170: {  	[tilespmem:s1+$0xFFFFFF30] =	vst v24  }
0x171: {  	[tilespmem:s7+$0xFFFFFFC0] =	vst v35  }
0x172: {  	v36 =	vld [tilespmem:s1+$0xFFFFFF40];
	_ =	sdelay $0x1  }
0x173: {  	v38 =	vld [tilespmem:s1+$0xFFFFFF50]  }
0x174: {  	v37 =	vperm.xlane v23, v10  }
0x175: {  	v39 =	vld [tilespmem:s1+$0xFFFFFF60]  }
0x176: {  	v24 =	vmul.f32 v36, v37  }
0x177: {  	v40 =	vld [tilespmem:s1+$0xFFFFFF70]  }
0x178: {  	[tilespmem:s1+$0xFFFFFF40] =	vst v24;
	v24 =	vmul.f32 v38, v37;
	_ =	sdelay $0x1  }
0x179: {  	[tilespmem:s1+$0xFFFFFF50] =	vst v24;
	v24 =	vmul.f32 v39, v37;
	_ =	sdelay $0x1  }
0x17a: {  	[tilespmem:s1+$0xFFFFFF60] =	vst v24;
	v24 =	vmul.f32 v40, v37  }
0x17b: {  	v41 =	vperm.xlane v22, v10  }
0x17c: {  	[tilespmem:s1+$0xFFFFFF70] =	vst v24  }
0x17d: {  	[tilespmem:s7+$0xFFFFFFD0] =	vst v41  }
0x17e: {  	v42 =	vld [tilespmem:s1+$0xFFFFFF80];
	_ =	sdelay $0x1  }
0x17f: {  	v44 =	vld [tilespmem:s1+$0xFFFFFF90]  }
0x180: {  	v43 =	vperm.xlane v23, v11  }
0x181: {  	v45 =	vld [tilespmem:s1+$0xFFFFFFA0]  }
0x182: {  	v24 =	vmul.f32 v42, v43  }
0x183: {  	v46 =	vld [tilespmem:s1+$0xFFFFFFB0]  }
0x184: {  	[tilespmem:s1+$0xFFFFFF80] =	vst v24;
	v24 =	vmul.f32 v44, v43;
	_ =	sdelay $0x1  }
0x185: {  	[tilespmem:s1+$0xFFFFFF90] =	vst v24;
	v24 =	vmul.f32 v45, v43;
	_ =	sdelay $0x1  }
0x186: {  	[tilespmem:s1+$0xFFFFFFA0] =	vst v24;
	v24 =	vmul.f32 v46, v43  }
0x187: {  	v47 =	vperm.xlane v22, v11  }
0x188: {  	[tilespmem:s1+$0xFFFFFFB0] =	vst v24  }
0x189: {  	[tilespmem:s7+$0xFFFFFFE0] =	vst v47  }
0x18a: {  	v48 =	vld [tilespmem:s1+$0xFFFFFFC0];
	_ =	sdelay $0x1  }
0x18b: {  	v50 =	vld [tilespmem:s1+$0xFFFFFFD0]  }
0x18c: {  	v49 =	vperm.xlane v23, v12  }
0x18d: {  	v51 =	vld [tilespmem:s1+$0xFFFFFFE0]  }
0x18e: {  	v24 =	vmul.f32 v48, v49  }
0x18f: {  	v52 =	vld [tilespmem:s1+$0xFFFFFFF0]  }
0x190: {  	[tilespmem:s1+$0xFFFFFFC0] =	vst v24;
	v24 =	vmul.f32 v50, v49;
	_ =	sdelay $0x1  }
0x191: {  	[tilespmem:s1+$0xFFFFFFD0] =	vst v24;
	v24 =	vmul.f32 v51, v49;
	_ =	sdelay $0x1  }
0x192: {  	[tilespmem:s1+$0xFFFFFFE0] =	vst v24;
	v24 =	vmul.f32 v52, v49  }
0x193: {  	v53 =	vperm.xlane v22, v12  }
0x194: {  	[tilespmem:s1+$0xFFFFFFF0] =	vst v24  }
0x195: {  	[tilespmem:s7+$0xFFFFFFF0] =	vst v53  }
0x196: {  	v54 =	vld [tilespmem:s1+$0x0];
	_ =	sdelay $0x1  }
0x197: {  	v56 =	vld [tilespmem:s1+$0x10]  }
0x198: {  	v55 =	vperm.xlane v23, v13  }
0x199: {  	v57 =	vld [tilespmem:s1+$0x20]  }
0x19a: {  	v24 =	vmul.f32 v54, v55  }
0x19b: {  	v58 =	vld [tilespmem:s1+$0x30]  }
0x19c: {  	[tilespmem:s1+$0x0] =	vst v24;
	v24 =	vmul.f32 v56, v55;
	_ =	sdelay $0x1  }
0x19d: {  	[tilespmem:s1+$0x10] =	vst v24;
	v24 =	vmul.f32 v57, v55;
	_ =	sdelay $0x1  }
0x19e: {  	[tilespmem:s1+$0x20] =	vst v24;
	v24 =	vmul.f32 v58, v55  }
0x19f: {  	v59 =	vperm.xlane v22, v13  }
0x1a0: {  	[tilespmem:s1+$0x30] =	vst v24  }
0x1a1: {  	[tilespmem:s7+$0x0] =	vst v59  }
0x1a2: {  	v60 =	vld [tilespmem:s1+$0x40];
	_ =	sdelay $0x1  }
0x1a3: {  	v62 =	vld [tilespmem:s1+$0x50]  }
0x1a4: {  	v61 =	vperm.xlane v23, v14  }
0x1a5: {  	v63 =	vld [tilespmem:s1+$0x60]  }
0x1a6: {  	v24 =	vmul.f32 v60, v61  }
0x1a7: {  	v28 =	vld [tilespmem:s1+$0x70]  }
0x1a8: {  	[tilespmem:s1+$0x40] =	vst v24;
	v24 =	vmul.f32 v62, v61;
	_ =	sdelay $0x1  }
0x1a9: {  	[tilespmem:s1+$0x50] =	vst v24;
	v24 =	vmul.f32 v63, v61;
	_ =	sdelay $0x1  }
0x1aa: {  	[tilespmem:s1+$0x60] =	vst v24;
	v24 =	vmul.f32 v28, v61  }
0x1ab: {  	v29 =	vperm.xlane v22, v14  }
0x1ac: {  	[tilespmem:s1+$0x70] =	vst v24  }
0x1ad: {  	[tilespmem:s7+$0x10] =	vst v29  }
0x1ae: {  	v30 =	vld [tilespmem:s1+$0x80];
	_ =	sdelay $0x1  }
0x1af: {  	v32 =	vld [tilespmem:s1+$0x90]  }
0x1b0: {  	v31 =	vperm.xlane v23, v15  }
0x1b1: {  	v33 =	vld [tilespmem:s1+$0xA0]  }
0x1b2: {  	v24 =	vmul.f32 v30, v31  }
0x1b3: {  	v34 =	vld [tilespmem:s1+$0xB0]  }
0x1b4: {  	[tilespmem:s1+$0x80] =	vst v24;
	v24 =	vmul.f32 v32, v31;
	_ =	sdelay $0x1  }
0x1b5: {  	[tilespmem:s1+$0x90] =	vst v24;
	v24 =	vmul.f32 v33, v31;
	_ =	sdelay $0x1  }
0x1b6: {  	[tilespmem:s1+$0xA0] =	vst v24;
	v24 =	vmul.f32 v34, v31  }
0x1b7: {  	v35 =	vperm.xlane v22, v15  }
0x1b8: {  	[tilespmem:s1+$0xB0] =	vst v24  }
0x1b9: {  	[tilespmem:s7+$0x20] =	vst v35  }
0x1ba: {  	v36 =	vld [tilespmem:s1+$0xC0];
	_ =	sdelay $0x1  }
0x1bb: {  	v38 =	vld [tilespmem:s1+$0xD0]  }
0x1bc: {  	v37 =	vperm.xlane v23, v16  }
0x1bd: {  	v39 =	vld [tilespmem:s1+$0xE0]  }
0x1be: {  	v24 =	vmul.f32 v36, v37  }
0x1bf: {  	v40 =	vld [tilespmem:s1+$0xF0]  }
0x1c0: {  	[tilespmem:s1+$0xC0] =	vst v24;
	v24 =	vmul.f32 v38, v37;
	_ =	sdelay $0x1  }
0x1c1: {  	[tilespmem:s1+$0xD0] =	vst v24;
	v24 =	vmul.f32 v39, v37;
	_ =	sdelay $0x1  }
0x1c2: {  	[tilespmem:s1+$0xE0] =	vst v24;
	v24 =	vmul.f32 v40, v37  }
0x1c3: {  	v41 =	vperm.xlane v22, v16  }
0x1c4: {  	[tilespmem:s1+$0xF0] =	vst v24  }
0x1c5: {  	[tilespmem:s7+$0x30] =	vst v41  }
0x1c6: {  	v42 =	vld [tilespmem:s1+$0x100];
	_ =	sdelay $0x1  }
0x1c7: {  	v44 =	vld [tilespmem:s1+$0x110]  }
0x1c8: {  	v43 =	vperm.xlane v23, v17  }
0x1c9: {  	v45 =	vld [tilespmem:s1+$0x120]  }
0x1ca: {  	v24 =	vmul.f32 v42, v43  }
0x1cb: {  	v46 =	vld [tilespmem:s1+$0x130]  }
0x1cc: {  	[tilespmem:s1+$0x100] =	vst v24;
	v24 =	vmul.f32 v44, v43;
	_ =	sdelay $0x1  }
0x1cd: {  	[tilespmem:s1+$0x110] =	vst v24;
	v24 =	vmul.f32 v45, v43;
	_ =	sdelay $0x1  }
0x1ce: {  	[tilespmem:s1+$0x120] =	vst v24;
	v24 =	vmul.f32 v46, v43  }
0x1cf: {  	v47 =	vperm.xlane v22, v17  }
0x1d0: {  	[tilespmem:s1+$0x130] =	vst v24  }
0x1d1: {  	[tilespmem:s7+$0x40] =	vst v47  }
0x1d2: {  	v48 =	vld [tilespmem:s1+$0x140];
	_ =	sdelay $0x1  }
0x1d3: {  	v50 =	vld [tilespmem:s1+$0x150]  }
0x1d4: {  	v49 =	vperm.xlane v23, v18  }
0x1d5: {  	v51 =	vld [tilespmem:s1+$0x160]  }
0x1d6: {  	v24 =	vmul.f32 v48, v49  }
0x1d7: {  	v52 =	vld [tilespmem:s1+$0x170]  }
0x1d8: {  	[tilespmem:s1+$0x140] =	vst v24;
	v24 =	vmul.f32 v50, v49;
	_ =	sdelay $0x1  }
0x1d9: {  	[tilespmem:s1+$0x150] =	vst v24;
	v24 =	vmul.f32 v51, v49;
	_ =	sdelay $0x1  }
0x1da: {  	[tilespmem:s1+$0x160] =	vst v24;
	v24 =	vmul.f32 v52, v49  }
0x1db: {  	v53 =	vperm.xlane v22, v18  }
0x1dc: {  	[tilespmem:s1+$0x170] =	vst v24  }
0x1dd: {  	[tilespmem:s7+$0x50] =	vst v53  }
0x1de: {  	v54 =	vld [tilespmem:s1+$0x180];
	_ =	sdelay $0x1  }
0x1df: {  	v56 =	vld [tilespmem:s1+$0x190]  }
0x1e0: {  	v55 =	vperm.xlane v23, v19  }
0x1e1: {  	v57 =	vld [tilespmem:s1+$0x1A0]  }
0x1e2: {  	v24 =	vmul.f32 v54, v55  }
0x1e3: {  	v58 =	vld [tilespmem:s1+$0x1B0]  }
0x1e4: {  	[tilespmem:s1+$0x180] =	vst v24;
	v24 =	vmul.f32 v56, v55;
	_ =	sdelay $0x1  }
0x1e5: {  	[tilespmem:s1+$0x190] =	vst v24;
	v24 =	vmul.f32 v57, v55;
	_ =	sdelay $0x1  }
0x1e6: {  	[tilespmem:s1+$0x1A0] =	vst v24;
	v24 =	vmul.f32 v58, v55  }
0x1e7: {  	v59 =	vperm.xlane v22, v19  }
0x1e8: {  	[tilespmem:s1+$0x1B0] =	vst v24  }
0x1e9: {  	[tilespmem:s7+$0x60] =	vst v59  }
0x1ea: {  	v60 =	vld [tilespmem:s1+$0x1C0];
	_ =	sdelay $0x1  }
0x1eb: {  	v61 =	vld [tilespmem:s1+$0x1D0]  }
0x1ec: {  	v23 =	vperm.xlane v23, v20  }
0x1ed: {  	v62 =	vld [tilespmem:s1+$0x1E0]  }
0x1ee: {  	v63 =	vld [tilespmem:s1+$0x1F0];
	v24 =	vmul.f32 v60, v23;
	_ =	sdelay $0x1  }
0x1ef: {  	[tilespmem:s1+$0x1C0] =	vst v24;
	v24 =	vmul.f32 v61, v23  }
0x1f0: {  	p4 =	sne.s32 s24, $0x100  }
.Ltmp7:
0x1f1: {  	[tilespmem:s1+$0x1D0] =	vst v24;
	v24 =	vmul.f32 v62, v23;
	(pc) =	sbr.rel @p4 .LBB2_13-.Ltmp7, $4  }
0x1f2: {  	v23 =	vmul.f32 v63, v23  }
0x1f3: {  	v22 =	vperm.xlane v22, v20;
	[tilespmem:s1+$0x1E0] =	vst v24  }
0x1f4: {  	[tilespmem:s1+$0x1F0] =	vst v23  }
0x1f5: {  	s24 =	sadd.s32 $0x40, s24;
	s1 =	sadd.s32 $0x400, s1;
	[tilespmem:s7+$0x70] =	vst v22;
	s7 =	sadd.s32 $0x100, s7  }
0x1f6: {  	s1 =	smul.u32 $0x5000, s18  }
0x1f7: {  	s7 =	smul.u32 $0x1400, s18  }
0x1f8: {  	s1 =	sshrl.u32 s1, $0x2  }
0x1f9: {  	p4 =	sne.s32 @!p1 s19, $0x1;
	s24 =	sshrl.u32 s7, $0x2;
	s1 =	sadd.s32 $0x7D00, s1  }
0x1fa: {  	[spmem:s4] =	stream.indirect.scatter.add.f32 [tilespmem:s1], [sflag:$0x2], $0x40, s25, s22, $0xb8;
	[tilespmem:$0x1A9A0] =	vst v63  }
0x1fb: {  	p4 =	por p4, p1;
	s1 =	sadd.s32 $0xCD00, s24  }
0x1fc: {  	[spmem:s5] =	stream.indirect.scatter.add.f32 [tilespmem:s1], [sflag:$0x2], $0x10, s25, s22, $0xb8;
	[tilespmem:$0x1A9A0] =	vst v63  }
0x1fd: {  	s1 =	simm.s32 @!p4 $0x0  }
0x1fe: {  	[tilespmem:s6], [sflag:$0x3] =	stream.linear.gather @!p4 [hbm4b:s11+s1], $0x7D0, $0x38;
	[tilespmem:$0x1A9A0] =	vst v63  }
0x1ff: {  	_ = 	snop  }
0x200: {  	[tilespmem:s15], [sflag:$0x3] =	stream.linear.gather @!p4 [hbm4b:s20+s1], $0x7D0, $0x38;
	[tilespmem:$0x1A9A0] =	vst v63  }
0x201: {  	s19 =	sadd.s32 $0x1, s19  }
0x202: {  	[tilespmem:s13], [sflag:$0x3] =	stream.linear.gather @!p4 [hbm4b:s14+s1], $0x7D0, $0x38;
	[tilespmem:$0x1A9A0] =	vst v63  }
0x203: {  	p4 =	sne.s32 s19, $0x19  }
.Ltmp8:
0x204: {  	_ = 	snop;
	(pc) =	sbr.rel @p4 .LBB2_7-.Ltmp8, $4  }
.Ltmp9:
0x205: {  	_ = 	snop;
	(pc) =	sbr.rel @!p4 .LBB2_15-.Ltmp9, $4  }
0x206: {  	_ = 	snop  }
0x207: {  	_ = 	snop  }
0x208: {  	s26 =	sadd.s32 $0x1, s26  }
0x209: {  	_ = 	snop  }
.LBB2_9:
0x20a: {  	p4 =	sgt.u32 s19, $0x16  }
.Ltmp10:
0x20b: {  	_ = 	snop;
	(pc) =	sbr.rel @!p4 .LBB2_10-.Ltmp10, $2  }
0x20c: {  	_ =	sdelay $0x2  }
0x20d: {  	s1 =	sxor.u32 $0x2, s18  }
0x20e: {  	s7 =	sadd.s32 @!p1 s19, s31;
	s1 =	smul.u32 @!p1 $0x5000, s1  }
0x20f: {  	s7 =	smul.u32 @!p1 $0x140, s7;
	_ =	sdelay $0x1  }
.Ltmp11:
0x210: {  	s1 =	sshrl.u32 @!p1 s1, $0x2;
	s7 =	sshra.s32 @!p1 s7, $0x2;
	(pc) =	sbr.rel .LBB2_12-.Ltmp11, $4  }
0x211: {  	s24 =	simm.s32 @!p2 $0x50;
	s1 =	sadd.s32 @!p1 $0x7D00, s1;
	s7 =	sadd.s32 @!p1 $0x5DC0, s7  }
0x212: {  	[tilespmem:s1], [sflag:$0x1] =	stream.indirect.gather @!p2 [hbm4b:s12+s24], $0x40, s7, s24, $0xb8;
	[tilespmem:$0x1A9A0] =	vst v63  }
0x213: {  	s24 =	simm.s32 @!p3 $0x50  }
0x214: {  	[tilespmem:s1], [sflag:$0x1] =	stream.indirect.gather @!p3 [hbm4b:s2+s24], $0x40, s7, s24, $0xb8;
	[tilespmem:$0x1A9A0] =	vst v63  }
.LBB2_17:
0x215: {  	_ =	sfence.sel $0x180000  }
0x216: {  	[bflag:$0x0] =	sbarrier.arrive $0xFFFF  }
0x217: {  	_ =	strace $0x90000047  }
0x218: {  	s0 =	stileid.u32;
	[bflag:$0x2] =	sbarrier.arrive $0xFFFF  }
0x219: {  	p0 =	sne.s32 s0, $0x0;
	s0 =	rddreg [dreg:$0x5]  }
0x21a: {  	s0 =	sadd.s32 @!p0 $0x100000, s0  }
0x21b: {  	[sflag:s0] =	ssyncadd.tile.s32 @!p0 $0x1;
	_ =	shalt  }
.Lfunc_end2:
_tile_overlayer_lowered:
.L_overlay_start_2:
0x21c: {  	(tag) =	ssettag $0x2  }
0x21d: {  	s0 =	rddreg [dreg:$0x0];
	s2 =	stileid.u32  }
0x21e: {  	s1 =	rddreg [dreg:$0x1];
	p0 =	sne.s32 s2, $0x0  }
0x21f: {  	s3 =	rddreg [dreg:$0x2];
	[bflag:$0x3] =	sbarrier.arrive $0xFFFF;
	s2 =	simm.s32 @!p0 $0x1C04  }
0x220: {  	[timem:s3], [sflag:s2] =	dma.local @!p0 [hbm:s0], s1  }
0x221: {  	s0 =	simm.s32 @!p0 $0x4  }
0x222: {  	_ =	swait.ge @!p0 [sflag:s0], s1  }
0x223: {  	s1 =	ssub.s32 @!p0 $0x0, s1;
	[sflag:s0] =	ssyncset.done @!p0 $0x0  }
0x224: {  	[sflag:s0] =	ssyncadd.s32 @!p0 s1  }
0x225: {  	[bflag:$0x3] =	sbarrier.arrive $0xFFFF  }
0x226: {  	_ =	shalt  }

</sc_bundles>
